<compile_context>
chip_gen: v7x
topology: tpu7x:2x2x1
jax: 0.10.2.dev20260603
libtpu: 0.0.44.dev20260713+nightly
codegen_flags: <defaults>
</compile_context>

<pallas_src>
import functools

import jax
import jax.numpy as jnp
from jax import lax
from jax.experimental import pallas as pl
from jax.experimental.pallas import tpu as pltpu
from jax.experimental.pallas import tpu_sc as plsc

N = 10000
C = 128
E = 320000
NC, NS = 2, 16
NW = NC * NS
K = 128
CH = 79
EW = K * CH
EPAD = NW * EW
NP = CH * 128
NB = NP // 128

_MESH = plsc.VectorSubcoreMesh(
    core_axis_name="c", subcore_axis_name="s", num_cores=NC, num_subcores=NS)



def _sc_deg_body(src_hbm, dst_hbm, ones_hbm, zeros_hbm, cnt_hbm,
                 iv0, iv1, rows, zrow, acc):
    cid = lax.axis_index("c")
    sid = lax.axis_index("s")
    wid = sid * NC + cid
    base = wid * EW
    pltpu.sync_copy(ones_hbm, rows)
    pltpu.sync_copy(zeros_hbm, zrow)
    for j in range(5):
        blk = sid + j * NS
        @pl.when(blk < NB)
        def _():
            pltpu.sync_copy(zrow, acc.at[pl.ds(blk * 128, 128)])

    for phase, idx_hbm in ((0, dst_hbm), (1, src_hbm)):
        plsc.subcore_barrier()
        pltpu.sync_copy(idx_hbm.at[pl.ds(base, K)], iv0)

        def pair(i, carry):
            pltpu.sync_copy(idx_hbm.at[pl.ds(base + (2 * i + 1) * K, K)],
                            iv1)
            pltpu.sync_copy(rows, acc.at[iv0], add=True)
            pltpu.sync_copy(idx_hbm.at[pl.ds(base + (2 * i + 2) * K, K)],
                            iv0)
            pltpu.sync_copy(rows, acc.at[iv1], add=True)
            return carry

        lax.fori_loop(0, (CH - 1) // 2, pair, 0)
        pltpu.sync_copy(rows, acc.at[iv0], add=True)
        plsc.subcore_barrier()
        for j in range(5):
            blk = sid + j * NS
            @pl.when(blk < NB)
            def _():
                pltpu.sync_copy(
                    acc.at[pl.ds(blk * 128, 128)],
                    cnt_hbm.at[pl.ds((phase * NC + cid) * NP + blk * 128,
                                     128)])
                if phase == 0:
                    pltpu.sync_copy(zrow, acc.at[pl.ds(blk * 128, 128)])


_sc_deg = functools.partial(
    pl.kernel,
    out_type=jax.ShapeDtypeStruct((2 * NC * NP, C), jnp.float32),
    mesh=_MESH,
    scratch_types=[
        pltpu.VMEM((K,), jnp.int32),
        pltpu.VMEM((K,), jnp.int32),
        pltpu.VMEM((K, C), jnp.float32),
        pltpu.VMEM((128, C), jnp.float32),
        pltpu.VMEM_SHARED((NP, C), jnp.float32),
    ],
)(_sc_deg_body)

CHT = 2 * CH
CH0 = 129
CH1 = CHT - CH0


def _sc_gs_body(za_hbm, gi_hbm, si_hbm, zeros_hbm, out_hbm,
                giv0, giv1, siv0, siv1, rows0, rows1, acc, gsem0, gsem1):
    cid = lax.axis_index("c")
    sid = lax.axis_index("s")
    base = (sid * CHT + cid * CH0) * K
    nch = jnp.where(cid == 0, CH0, CH1)
    pltpu.sync_copy(zeros_hbm, rows0)
    for j in range(5):
        blk = sid + j * NS
        @pl.when(blk < NB)
        def _():
            pltpu.sync_copy(rows0, acc.at[pl.ds(blk * 128, 128)])
    plsc.subcore_barrier()

    pltpu.sync_copy(gi_hbm.at[pl.ds(base, K)], giv0)
    pltpu.sync_copy(si_hbm.at[pl.ds(base, K)], siv0)
    pltpu.async_copy(za_hbm.at[giv0], rows0, gsem0)

    def pair(i, carry):
        off1 = base + (2 * i + 1) * K
        pltpu.sync_copy(gi_hbm.at[pl.ds(off1, K)], giv1)
        pltpu.sync_copy(si_hbm.at[pl.ds(off1, K)], siv1)
        pltpu.async_copy(za_hbm.at[giv1], rows1, gsem1)
        pltpu.make_async_copy(za_hbm.at[giv0], rows0, gsem0).wait()
        pltpu.sync_copy(rows0, acc.at[siv0], add=True)
        off2 = base + (2 * i + 2) * K
        pltpu.sync_copy(gi_hbm.at[pl.ds(off2, K)], giv0)
        pltpu.sync_copy(si_hbm.at[pl.ds(off2, K)], siv0)
        pltpu.async_copy(za_hbm.at[giv0], rows0, gsem0)
        pltpu.make_async_copy(za_hbm.at[giv1], rows1, gsem1).wait()
        pltpu.sync_copy(rows1, acc.at[siv1], add=True)
        return carry

    lax.fori_loop(0, (nch - 1) // 2, pair, 0)
    pltpu.make_async_copy(za_hbm.at[giv0], rows0, gsem0).wait()
    pltpu.sync_copy(rows0, acc.at[siv0], add=True)
    plsc.subcore_barrier()
    for j in range(5):
        blk = sid + j * NS
        @pl.when(blk < NB)
        def _():
            pltpu.sync_copy(acc.at[pl.ds(blk * 128, 128)],
                            out_hbm.at[pl.ds(cid * NP + blk * 128, 128)])


_sc_gs = functools.partial(
    pl.kernel,
    out_type=jax.ShapeDtypeStruct((NC * NP, C), jnp.float32),
    mesh=_MESH,
    scratch_types=(
        [pltpu.VMEM((K,), jnp.int32) for _ in range(4)]
        + [pltpu.VMEM((K, C), jnp.float32) for _ in range(2)]
        + [pltpu.VMEM_SHARED((NP, C), jnp.float32)]
        + [pltpu.SemaphoreType.DMA for _ in range(2)]
    ),
)(_sc_gs_body)



_DN = (((1,), (1,)), ((), ()))
_RB = 1024
_GRID = (NP + _RB - 1) // _RB


def _tc_first_body(x_ref, w_ref, b_ref, co0, co1, ci0, ci1,
                   z1_ref, za1_ref, so_ref, si_ref):
    z1 = lax.dot_general(
        x_ref[...], w_ref[...], _DN,
        preferred_element_type=jnp.float32) + b_ref[...]
    s_o = lax.rsqrt(co0[...] + co1[...] + 1.0)
    s_i = lax.rsqrt(ci0[...] + ci1[...] + 1.0)
    z1_ref[...] = z1
    za1_ref[...] = s_o * z1
    so_ref[...] = s_o
    si_ref[...] = s_i


def _tc_first(x, w, b, co0, co1, ci0, ci1):
    col = pl.BlockSpec((_RB, 1), lambda i: (i, 0))
    mat = pl.BlockSpec((_RB, C), lambda i: (i, 0))
    return pl.pallas_call(
        _tc_first_body,
        grid=(_GRID,),
        in_specs=[mat,
                  pl.BlockSpec((C, C), lambda i: (0, 0)),
                  pl.BlockSpec((1, C), lambda i: (0, 0)),
                  col, col, col, col],
        out_specs=[mat, mat, col, col],
        out_shape=[jax.ShapeDtypeStruct((NP, C), jnp.float32),
                   jax.ShapeDtypeStruct((NP, C), jnp.float32),
                   jax.ShapeDtypeStruct((NP, 1), jnp.float32),
                   jax.ShapeDtypeStruct((NP, 1), jnp.float32)],
    )(x, w, b, co0, co1, ci0, ci1)


def _tc_mid_body(p_ref, z1_ref, so_ref, si_ref, w_ref, b_ref, z2_ref, za2_ref):
    h = jnp.maximum(
        si_ref[...] * (p_ref[0] + p_ref[1] + so_ref[...] * z1_ref[...]), 0.0)
    z2 = lax.dot_general(
        h, w_ref[...], _DN, preferred_element_type=jnp.float32) + b_ref[...]
    z2_ref[...] = z2
    za2_ref[...] = si_ref[...] * z2


def _tc_mid(p, z1, so, si, w, b):
    col = pl.BlockSpec((_RB, 1), lambda i: (i, 0))
    mat = pl.BlockSpec((_RB, C), lambda i: (i, 0))
    return pl.pallas_call(
        _tc_mid_body,
        grid=(_GRID,),
        in_specs=[pl.BlockSpec((NC, _RB, C), lambda i: (0, i, 0)),
                  mat, col, col,
                  pl.BlockSpec((C, C), lambda i: (0, 0)),
                  pl.BlockSpec((1, C), lambda i: (0, 0))],
        out_specs=[mat, mat],
        out_shape=[jax.ShapeDtypeStruct((NP, C), jnp.float32),
                   jax.ShapeDtypeStruct((NP, C), jnp.float32)],
    )(p, z1, so, si, w, b)


def _tc_final_body(q_ref, z2_ref, so_ref, si_ref, o_ref):
    o_ref[...] = so_ref[...] * (
        q_ref[0] + q_ref[1] + si_ref[...] * z2_ref[...])


def _tc_final(q, z2, so, si):
    col = pl.BlockSpec((_RB, 1), lambda i: (i, 0))
    mat = pl.BlockSpec((_RB, C), lambda i: (i, 0))
    return pl.pallas_call(
        _tc_final_body,
        grid=(_GRID,),
        in_specs=[pl.BlockSpec((NC, _RB, C), lambda i: (0, i, 0)),
                  mat, col, col],
        out_specs=mat,
        out_shape=jax.ShapeDtypeStruct((NP, C), jnp.float32),
    )(q, z2, so, si)



def kernel(x, edge_index, W1, b1, W2, b2):
    src = edge_index[0].astype(jnp.int32)
    dst = edge_index[1].astype(jnp.int32)
    pad = jnp.full((EPAD - E,), N, jnp.int32)
    src_p = jnp.concatenate([src, pad])
    dst_p = jnp.concatenate([dst, pad])
    x_p = jnp.pad(x, ((0, NP - N), (0, 0)))
    ones_k = jnp.ones((K, C), jnp.float32)
    zeros_row = jnp.zeros((128, C), jnp.float32)

    cb = _sc_deg(src_p, dst_p, ones_k, zeros_row)
    z1, za1, s_out, s_in = _tc_first(
        x_p, W1, b1.reshape(1, C),
        cb[2 * NP:3 * NP, 0:1], cb[3 * NP:, 0:1],
        cb[:NP, 0:1], cb[NP:2 * NP, 0:1])
    p1 = _sc_gs(za1, src_p, dst_p, zeros_row).reshape(NC, NP, C)
    z2, za2 = _tc_mid(p1, z1, s_out, s_in, W2, b2.reshape(1, C))
    q = _sc_gs(za2, dst_p, src_p, zeros_row).reshape(NC, NP, C)
    out = _tc_final(q, z2, s_out, s_in)
    return out[:N]

# --- scband reference (transcript-rebuilt; emitter-appended) ---
"""Pipeline reference for scband-edge-source-encoder-43722767073859 (READ-ONLY COPY).

The authoritative reference and input builder live on the scoring server;
editing this copy changes nothing except your own understanding.
"""

import jax, jax.numpy as jnp
import numpy as np

N_NODES = 10000
N_EDGES = 320000
IN_C = 128
HID_C = 128
OUT_C = 128
ALPHA = 0.5
BETA = 0.5


def setup_inputs(seed: int = 0) -> dict:
    key = jax.random.key(seed)
    k_x, k_e, k_w1, k_b1, k_w2, k_b2 = jax.random.split(key, 6)
    x = jax.random.normal(k_x, (N_NODES, IN_C), dtype=jnp.float32)
    edge_index = jax.random.randint(k_e, (2, N_EDGES), 0, N_NODES, dtype=jnp.int64)
    # torch.nn.Linear default init: U(-1/sqrt(fan_in), 1/sqrt(fan_in))
    bound1 = 1.0 / np.sqrt(IN_C)
    W1 = jax.random.uniform(k_w1, (HID_C, IN_C), minval=-bound1, maxval=bound1, dtype=jnp.float32)
    b1 = jax.random.uniform(k_b1, (HID_C,), minval=-bound1, maxval=bound1, dtype=jnp.float32)
    bound2 = 1.0 / np.sqrt(HID_C)
    W2 = jax.random.uniform(k_w2, (OUT_C, HID_C), minval=-bound2, maxval=bound2, dtype=jnp.float32)
    b2 = jax.random.uniform(k_b2, (OUT_C,), minval=-bound2, maxval=bound2, dtype=jnp.float32)
    return {"x": x, "edge_index": edge_index, "W1": W1, "b1": b1, "W2": W2, "b2": b2}


def _directed_gcn_conv(x, edge_index, W, b):
    N = x.shape[0]
    # add self loops
    loops = jnp.arange(N, dtype=edge_index.dtype)
    ei = jnp.concatenate([edge_index, jnp.stack([loops, loops], axis=0)], axis=1)
    # linear
    x = x @ W.T + b
    row, col = ei[0], ei[1]
    in_degree = jnp.bincount(col, length=N).astype(x.dtype)
    out_degree = jnp.bincount(row, length=N).astype(x.dtype)
    in_norm_inv = jnp.power(in_degree, -ALPHA)
    out_norm_inv = jnp.power(out_degree, -BETA)
    in_norm = in_norm_inv[col]
    out_norm = out_norm_inv[row]
    norm = in_norm * out_norm
    # message: norm * x_j (x_j = x[row], source nodes); aggregate 'add' at col (targets)
    msg = norm[:, None] * jnp.take(x, row, axis=0)
    out = jax.ops.segment_sum(msg, col, num_segments=N)
    return out


def reference(x, edge_index, W1, b1, W2, b2):
    h = _directed_gcn_conv(x, edge_index, W1, b1)
    h = jax.nn.relu(h)
    ei_flipped = jnp.flip(edge_index, axis=0)
    out = _directed_gcn_conv(h, ei_flipped, W2, b2)
    return out

if __name__ == "__main__":
    import jax
    _d = setup_inputs()
    print(jax.jit(kernel)(*tuple(_d.values())))

</pallas_src>

<mosaic_0001>
#map = affine_map<(d0, d1) -> (0)>
#map1 = affine_map<(d0, d1) -> (0, 0)>
module attributes {stable_mosaic.version = 14 : i64} {
  func.func @_sc_deg_body(%arg0: i32, %arg1: i32, %arg2: memref<323584xi32, #tpu.memory_space<hbm>>, %arg3: memref<323584xi32, #tpu.memory_space<hbm>>, %arg4: memref<128x128xf32, #tpu.memory_space<hbm>>, %arg5: memref<128x128xf32, #tpu.memory_space<hbm>>, %arg6: memref<40448x128xf32, #tpu.memory_space<hbm>>, %arg7: memref<128xi32, #tpu.memory_space<vmem>>, %arg8: memref<128xi32, #tpu.memory_space<vmem>>, %arg9: memref<128x128xf32, #tpu.memory_space<vmem>>, %arg10: memref<128x128xf32, #tpu.memory_space<vmem>>, %arg11: memref<10112x128xf32, #tpu.memory_space<vmem_shared>>) attributes {dimension_semantics = [#tpu.dimension_semantics<core_parallel>, #tpu.dimension_semantics<subcore_parallel>], iteration_bounds = array<i64: 2, 16>, scalar_prefetch = 0 : i64, scratch_operands = 5 : i64, tpu.core_type = #tpu.core_type<sc_vector_subcore>, window_params = [{transform_indices = #map}, {transform_indices = #map}, {transform_indices = #map1}, {transform_indices = #map1}, {transform_indices = #map1}]} {
    %mul3A = arith.constant 2 : i32
    %mul3A_0 = arith.muli %arg1, %mul3A : i32
    %add3A = arith.addi %mul3A_0, %arg0 : i32
    %mul3A_1 = arith.constant 10112 : i32
    %mul3A_2 = arith.muli %add3A, %mul3A_1 : i32
    "tpu.region"() ({
      %run_scoped3A = tpu.sem_alloc : memref<!tpu.dma_semaphore, #tpu.memory_space<semaphore_mem>>
      tpu.enqueue_dma source(%arg4 : memref<128x128xf32, #tpu.memory_space<hbm>>) target(%arg9 : memref<128x128xf32, #tpu.memory_space<vmem>>) target_semaphore(%run_scoped3A : memref<!tpu.dma_semaphore, #tpu.memory_space<semaphore_mem>>)
      tpu.wait_dma2 semaphore(%run_scoped3A : memref<!tpu.dma_semaphore, #tpu.memory_space<semaphore_mem>>) src(%arg4 : memref<128x128xf32, #tpu.memory_space<hbm>>) dst(%arg9 : memref<128x128xf32, #tpu.memory_space<vmem>>)
      tpu.yield
    }) : () -> ()
    "tpu.region"() ({
      %run_scoped3A = tpu.sem_alloc : memref<!tpu.dma_semaphore, #tpu.memory_space<semaphore_mem>>
      tpu.enqueue_dma source(%arg5 : memref<128x128xf32, #tpu.memory_space<hbm>>) target(%arg10 : memref<128x128xf32, #tpu.memory_space<vmem>>) target_semaphore(%run_scoped3A : memref<!tpu.dma_semaphore, #tpu.memory_space<semaphore_mem>>)
      tpu.wait_dma2 semaphore(%run_scoped3A : memref<!tpu.dma_semaphore, #tpu.memory_space<semaphore_mem>>) src(%arg5 : memref<128x128xf32, #tpu.memory_space<hbm>>) dst(%arg10 : memref<128x128xf32, #tpu.memory_space<vmem>>)
      tpu.yield
    }) : () -> ()
    %add3A_3 = arith.constant 0 : i32
    %add3A_4 = arith.addi %arg1, %add3A_3 : i32
    %lt3A = arith.constant 79 : i32
    %lt3A_5 = arith.cmpi slt, %add3A_4, %lt3A : i32
    %convert_element_type3A = arith.extui %lt3A_5 : i1 to i32
    %cond3A = arith.constant 0 : i32
    %cond3A_6 = arith.cmpi ne, %convert_element_type3A, %cond3A : i32
    scf.if %cond3A_6 {
      %mul3A_119 = arith.constant 128 : i32
      %mul3A_120 = arith.muli %add3A_4, %mul3A_119 : i32
      "tpu.region"() ({
        %run_scoped3A = tpu.sem_alloc : memref<!tpu.dma_semaphore, #tpu.memory_space<semaphore_mem>>
        %dma_start3A = arith.constant 0 : i32
        %dma_start3A_121 = tpu.memref_slice %arg11[%mul3A_120, %dma_start3A] : memref<10112x128xf32, #tpu.memory_space<vmem_shared>> -> memref<128x128xf32, #tpu.memory_space<vmem_shared>>
        %dma_start3A_122 = arith.constant 0 : i32
        %dma_start3A_123 = tpu.memref_slice %arg11[%mul3A_120, %dma_start3A_122] : memref<10112x128xf32, #tpu.memory_space<vmem_shared>> -> memref<128x128xf32, #tpu.memory_space<vmem_shared>>
        tpu.enqueue_dma source(%arg10 : memref<128x128xf32, #tpu.memory_space<vmem>>) target(%dma_start3A_123 : memref<128x128xf32, #tpu.memory_space<vmem_shared>>) target_semaphore(%run_scoped3A : memref<!tpu.dma_semaphore, #tpu.memory_space<semaphore_mem>>)
        %dma_wait3A = arith.constant 0 : i32
        %dma_wait3A_124 = tpu.memref_slice %arg11[%mul3A_120, %dma_wait3A] : memref<10112x128xf32, #tpu.memory_space<vmem_shared>> -> memref<128x128xf32, #tpu.memory_space<vmem_shared>>
        %dma_wait3A_125 = arith.constant 0 : i32
        %dma_wait3A_126 = tpu.memref_slice %arg11[%mul3A_120, %dma_wait3A_125] : memref<10112x128xf32, #tpu.memory_space<vmem_shared>> -> memref<128x128xf32, #tpu.memory_space<vmem_shared>>
        tpu.wait_dma2 semaphore(%run_scoped3A : memref<!tpu.dma_semaphore, #tpu.memory_space<semaphore_mem>>) src(%arg10 : memref<128x128xf32, #tpu.memory_space<vmem>>) dst(%dma_wait3A_126 : memref<128x128xf32, #tpu.memory_space<vmem_shared>>)
        tpu.yield
      }) : () -> ()
    } else {
    }
    %add3A_7 = arith.constant 16 : i32
    %add3A_8 = arith.addi %arg1, %add3A_7 : i32
    %lt3A_9 = arith.constant 79 : i32
    %lt3A_10 = arith.cmpi slt, %add3A_8, %lt3A_9 : i32
    %convert_element_type3A_11 = arith.extui %lt3A_10 : i1 to i32
    %cond3A_12 = arith.constant 0 : i32
    %cond3A_13 = arith.cmpi ne, %convert_element_type3A_11, %cond3A_12 : i32
    scf.if %cond3A_13 {
      %mul3A_119 = arith.constant 128 : i32
      %mul3A_120 = arith.muli %add3A_8, %mul3A_119 : i32
      "tpu.region"() ({
        %run_scoped3A = tpu.sem_alloc : memref<!tpu.dma_semaphore, #tpu.memory_space<semaphore_mem>>
        %dma_start3A = arith.constant 0 : i32
        %dma_start3A_121 = tpu.memref_slice %arg11[%mul3A_120, %dma_start3A] : memref<10112x128xf32, #tpu.memory_space<vmem_shared>> -> memref<128x128xf32, #tpu.memory_space<vmem_shared>>
        %dma_start3A_122 = arith.constant 0 : i32
        %dma_start3A_123 = tpu.memref_slice %arg11[%mul3A_120, %dma_start3A_122] : memref<10112x128xf32, #tpu.memory_space<vmem_shared>> -> memref<128x128xf32, #tpu.memory_space<vmem_shared>>
        tpu.enqueue_dma source(%arg10 : memref<128x128xf32, #tpu.memory_space<vmem>>) target(%dma_start3A_123 : memref<128x128xf32, #tpu.memory_space<vmem_shared>>) target_semaphore(%run_scoped3A : memref<!tpu.dma_semaphore, #tpu.memory_space<semaphore_mem>>)
        %dma_wait3A = arith.constant 0 : i32
        %dma_wait3A_124 = tpu.memref_slice %arg11[%mul3A_120, %dma_wait3A] : memref<10112x128xf32, #tpu.memory_space<vmem_shared>> -> memref<128x128xf32, #tpu.memory_space<vmem_shared>>
        %dma_wait3A_125 = arith.constant 0 : i32
        %dma_wait3A_126 = tpu.memref_slice %arg11[%mul3A_120, %dma_wait3A_125] : memref<10112x128xf32, #tpu.memory_space<vmem_shared>> -> memref<128x128xf32, #tpu.memory_space<vmem_shared>>
        tpu.wait_dma2 semaphore(%run_scoped3A : memref<!tpu.dma_semaphore, #tpu.memory_space<semaphore_mem>>) src(%arg10 : memref<128x128xf32, #tpu.memory_space<vmem>>) dst(%dma_wait3A_126 : memref<128x128xf32, #tpu.memory_space<vmem_shared>>)
        tpu.yield
      }) : () -> ()
    } else {
    }
    %add3A_14 = arith.constant 32 : i32
    %add3A_15 = arith.addi %arg1, %add3A_14 : i32
    %lt3A_16 = arith.constant 79 : i32
    %lt3A_17 = arith.cmpi slt, %add3A_15, %lt3A_16 : i32
    %convert_element_type3A_18 = arith.extui %lt3A_17 : i1 to i32
    %cond3A_19 = arith.constant 0 : i32
    %cond3A_20 = arith.cmpi ne, %convert_element_type3A_18, %cond3A_19 : i32
    scf.if %cond3A_20 {
      %mul3A_119 = arith.constant 128 : i32
      %mul3A_120 = arith.muli %add3A_15, %mul3A_119 : i32
      "tpu.region"() ({
        %run_scoped3A = tpu.sem_alloc : memref<!tpu.dma_semaphore, #tpu.memory_space<semaphore_mem>>
        %dma_start3A = arith.constant 0 : i32
        %dma_start3A_121 = tpu.memref_slice %arg11[%mul3A_120, %dma_start3A] : memref<10112x128xf32, #tpu.memory_space<vmem_shared>> -> memref<128x128xf32, #tpu.memory_space<vmem_shared>>
        %dma_start3A_122 = arith.constant 0 : i32
        %dma_start3A_123 = tpu.memref_slice %arg11[%mul3A_120, %dma_start3A_122] : memref<10112x128xf32, #tpu.memory_space<vmem_shared>> -> memref<128x128xf32, #tpu.memory_space<vmem_shared>>
        tpu.enqueue_dma source(%arg10 : memref<128x128xf32, #tpu.memory_space<vmem>>) target(%dma_start3A_123 : memref<128x128xf32, #tpu.memory_space<vmem_shared>>) target_semaphore(%run_scoped3A : memref<!tpu.dma_semaphore, #tpu.memory_space<semaphore_mem>>)
        %dma_wait3A = arith.constant 0 : i32
        %dma_wait3A_124 = tpu.memref_slice %arg11[%mul3A_120, %dma_wait3A] : memref<10112x128xf32, #tpu.memory_space<vmem_shared>> -> memref<128x128xf32, #tpu.memory_space<vmem_shared>>
        %dma_wait3A_125 = arith.constant 0 : i32
        %dma_wait3A_126 = tpu.memref_slice %arg11[%mul3A_120, %dma_wait3A_125] : memref<10112x128xf32, #tpu.memory_space<vmem_shared>> -> memref<128x128xf32, #tpu.memory_space<vmem_shared>>
        tpu.wait_dma2 semaphore(%run_scoped3A : memref<!tpu.dma_semaphore, #tpu.memory_space<semaphore_mem>>) src(%arg10 : memref<128x128xf32, #tpu.memory_space<vmem>>) dst(%dma_wait3A_126 : memref<128x128xf32, #tpu.memory_space<vmem_shared>>)
        tpu.yield
      }) : () -> ()
    } else {
    }
    %add3A_21 = arith.constant 48 : i32
    %add3A_22 = arith.addi %arg1, %add3A_21 : i32
    %lt3A_23 = arith.constant 79 : i32
    %lt3A_24 = arith.cmpi slt, %add3A_22, %lt3A_23 : i32
    %convert_element_type3A_25 = arith.extui %lt3A_24 : i1 to i32
    %cond3A_26 = arith.constant 0 : i32
    %cond3A_27 = arith.cmpi ne, %convert_element_type3A_25, %cond3A_26 : i32
    scf.if %cond3A_27 {
      %mul3A_119 = arith.constant 128 : i32
      %mul3A_120 = arith.muli %add3A_22, %mul3A_119 : i32
      "tpu.region"() ({
        %run_scoped3A = tpu.sem_alloc : memref<!tpu.dma_semaphore, #tpu.memory_space<semaphore_mem>>
        %dma_start3A = arith.constant 0 : i32
        %dma_start3A_121 = tpu.memref_slice %arg11[%mul3A_120, %dma_start3A] : memref<10112x128xf32, #tpu.memory_space<vmem_shared>> -> memref<128x128xf32, #tpu.memory_space<vmem_shared>>
        %dma_start3A_122 = arith.constant 0 : i32
        %dma_start3A_123 = tpu.memref_slice %arg11[%mul3A_120, %dma_start3A_122] : memref<10112x128xf32, #tpu.memory_space<vmem_shared>> -> memref<128x128xf32, #tpu.memory_space<vmem_shared>>
        tpu.enqueue_dma source(%arg10 : memref<128x128xf32, #tpu.memory_space<vmem>>) target(%dma_start3A_123 : memref<128x128xf32, #tpu.memory_space<vmem_shared>>) target_semaphore(%run_scoped3A : memref<!tpu.dma_semaphore, #tpu.memory_space<semaphore_mem>>)
        %dma_wait3A = arith.constant 0 : i32
        %dma_wait3A_124 = tpu.memref_slice %arg11[%mul3A_120, %dma_wait3A] : memref<10112x128xf32, #tpu.memory_space<vmem_shared>> -> memref<128x128xf32, #tpu.memory_space<vmem_shared>>
        %dma_wait3A_125 = arith.constant 0 : i32
        %dma_wait3A_126 = tpu.memref_slice %arg11[%mul3A_120, %dma_wait3A_125] : memref<10112x128xf32, #tpu.memory_space<vmem_shared>> -> memref<128x128xf32, #tpu.memory_space<vmem_shared>>
        tpu.wait_dma2 semaphore(%run_scoped3A : memref<!tpu.dma_semaphore, #tpu.memory_space<semaphore_mem>>) src(%arg10 : memref<128x128xf32, #tpu.memory_space<vmem>>) dst(%dma_wait3A_126 : memref<128x128xf32, #tpu.memory_space<vmem_shared>>)
        tpu.yield
      }) : () -> ()
    } else {
    }
    %add3A_28 = arith.constant 64 : i32
    %add3A_29 = arith.addi %arg1, %add3A_28 : i32
    %lt3A_30 = arith.constant 79 : i32
    %lt3A_31 = arith.cmpi slt, %add3A_29, %lt3A_30 : i32
    %convert_element_type3A_32 = arith.extui %lt3A_31 : i1 to i32
    %cond3A_33 = arith.constant 0 : i32
    %cond3A_34 = arith.cmpi ne, %convert_element_type3A_32, %cond3A_33 : i32
    scf.if %cond3A_34 {
      %mul3A_119 = arith.constant 128 : i32
      %mul3A_120 = arith.muli %add3A_29, %mul3A_119 : i32
      "tpu.region"() ({
        %run_scoped3A = tpu.sem_alloc : memref<!tpu.dma_semaphore, #tpu.memory_space<semaphore_mem>>
        %dma_start3A = arith.constant 0 : i32
        %dma_start3A_121 = tpu.memref_slice %arg11[%mul3A_120, %dma_start3A] : memref<10112x128xf32, #tpu.memory_space<vmem_shared>> -> memref<128x128xf32, #tpu.memory_space<vmem_shared>>
        %dma_start3A_122 = arith.constant 0 : i32
        %dma_start3A_123 = tpu.memref_slice %arg11[%mul3A_120, %dma_start3A_122] : memref<10112x128xf32, #tpu.memory_space<vmem_shared>> -> memref<128x128xf32, #tpu.memory_space<vmem_shared>>
        tpu.enqueue_dma source(%arg10 : memref<128x128xf32, #tpu.memory_space<vmem>>) target(%dma_start3A_123 : memref<128x128xf32, #tpu.memory_space<vmem_shared>>) target_semaphore(%run_scoped3A : memref<!tpu.dma_semaphore, #tpu.memory_space<semaphore_mem>>)
        %dma_wait3A = arith.constant 0 : i32
        %dma_wait3A_124 = tpu.memref_slice %arg11[%mul3A_120, %dma_wait3A] : memref<10112x128xf32, #tpu.memory_space<vmem_shared>> -> memref<128x128xf32, #tpu.memory_space<vmem_shared>>
        %dma_wait3A_125 = arith.constant 0 : i32
        %dma_wait3A_126 = tpu.memref_slice %arg11[%mul3A_120, %dma_wait3A_125] : memref<10112x128xf32, #tpu.memory_space<vmem_shared>> -> memref<128x128xf32, #tpu.memory_space<vmem_shared>>
        tpu.wait_dma2 semaphore(%run_scoped3A : memref<!tpu.dma_semaphore, #tpu.memory_space<semaphore_mem>>) src(%arg10 : memref<128x128xf32, #tpu.memory_space<vmem>>) dst(%dma_wait3A_126 : memref<128x128xf32, #tpu.memory_space<vmem_shared>>)
        tpu.yield
      }) : () -> ()
    } else {
    }
    %barrier3A = arith.constant 0 : index
    tpu.barrier barrier_id(%barrier3A)
    "tpu.region"() ({
      %run_scoped3A = tpu.sem_alloc : memref<!tpu.dma_semaphore, #tpu.memory_space<semaphore_mem>>
      %dma_start3A = tpu.memref_slice %arg3[%mul3A_2] : memref<323584xi32, #tpu.memory_space<hbm>> -> memref<128xi32, #tpu.memory_space<hbm>>
      %dma_start3A_119 = tpu.memref_slice %arg3[%mul3A_2] : memref<323584xi32, #tpu.memory_space<hbm>> -> memref<128xi32, #tpu.memory_space<hbm>>
      tpu.enqueue_dma source(%dma_start3A_119 : memref<128xi32, #tpu.memory_space<hbm>>) target(%arg7 : memref<128xi32, #tpu.memory_space<vmem>>) target_semaphore(%run_scoped3A : memref<!tpu.dma_semaphore, #tpu.memory_space<semaphore_mem>>)
      %dma_wait3A = tpu.memref_slice %arg3[%mul3A_2] : memref<323584xi32, #tpu.memory_space<hbm>> -> memref<128xi32, #tpu.memory_space<hbm>>
      %dma_wait3A_120 = tpu.memref_slice %arg3[%mul3A_2] : memref<323584xi32, #tpu.memory_space<hbm>> -> memref<128xi32, #tpu.memory_space<hbm>>
      tpu.wait_dma2 semaphore(%run_scoped3A : memref<!tpu.dma_semaphore, #tpu.memory_space<semaphore_mem>>) src(%dma_wait3A_120 : memref<128xi32, #tpu.memory_space<hbm>>) dst(%arg7 : memref<128xi32, #tpu.memory_space<vmem>>)
      tpu.yield
    }) : () -> ()
    %scan3A = arith.constant 0 : i32
    %scan3A_35 = arith.constant 0 : i32
    %scan3A_36 = arith.constant 39 : i32
    %scan3A_37 = arith.addi %scan3A_35, %scan3A_36 : i32
    %scan3A_38 = arith.constant 1 : i32
    scf.for %scan3A_119 = %scan3A_35 to %scan3A_37 step %scan3A_38  : i32 {
      %mul3A_120 = arith.constant 2 : i32
      %mul3A_121 = arith.muli %mul3A_120, %scan3A_119 : i32
      %add3A_122 = arith.constant 1 : i32
      %add3A_123 = arith.addi %mul3A_121, %add3A_122 : i32
      %mul3A_124 = arith.constant 128 : i32
      %mul3A_125 = arith.muli %add3A_123, %mul3A_124 : i32
      %add3A_126 = arith.addi %mul3A_2, %mul3A_125 : i32
      "tpu.region"() ({
        %run_scoped3A = tpu.sem_alloc : memref<!tpu.dma_semaphore, #tpu.memory_space<semaphore_mem>>
        %dma_start3A = tpu.memref_slice %arg3[%add3A_126] : memref<323584xi32, #tpu.memory_space<hbm>> -> memref<128xi32, #tpu.memory_space<hbm>>
        %dma_start3A_134 = tpu.memref_slice %arg3[%add3A_126] : memref<323584xi32, #tpu.memory_space<hbm>> -> memref<128xi32, #tpu.memory_space<hbm>>
        tpu.enqueue_dma source(%dma_start3A_134 : memref<128xi32, #tpu.memory_space<hbm>>) target(%arg8 : memref<128xi32, #tpu.memory_space<vmem>>) target_semaphore(%run_scoped3A : memref<!tpu.dma_semaphore, #tpu.memory_space<semaphore_mem>>)
        %dma_wait3A = tpu.memref_slice %arg3[%add3A_126] : memref<323584xi32, #tpu.memory_space<hbm>> -> memref<128xi32, #tpu.memory_space<hbm>>
        %dma_wait3A_135 = tpu.memref_slice %arg3[%add3A_126] : memref<323584xi32, #tpu.memory_space<hbm>> -> memref<128xi32, #tpu.memory_space<hbm>>
        tpu.wait_dma2 semaphore(%run_scoped3A : memref<!tpu.dma_semaphore, #tpu.memory_space<semaphore_mem>>) src(%dma_wait3A_135 : memref<128xi32, #tpu.memory_space<hbm>>) dst(%arg8 : memref<128xi32, #tpu.memory_space<vmem>>)
        tpu.yield
      }) : () -> ()
      "tpu.region"() ({
        %run_scoped3A = tpu.sem_alloc : memref<!tpu.dma_semaphore, #tpu.memory_space<semaphore_mem>>
        %dma_start3A = arith.constant 0 : i32
        %dma_start3A_134 = arith.constant 0 : i32
        %dma_start3A_135 = tpu.memref_slice %arg11[%dma_start3A, %dma_start3A_134] : memref<10112x128xf32, #tpu.memory_space<vmem_shared>> -> memref<10112x128xf32, #tpu.memory_space<vmem_shared>>
        tpu.enqueue_indirect_dma source(%arg9 : memref<128x128xf32, #tpu.memory_space<vmem>>) target(%dma_start3A_135 : memref<10112x128xf32, #tpu.memory_space<vmem_shared>>) offsets(%arg7 : memref<128xi32, #tpu.memory_space<vmem>>) semaphore(%run_scoped3A : memref<!tpu.dma_semaphore, #tpu.memory_space<semaphore_mem>>) {add = true}
        %dma_wait3A = arith.constant 0 : i32
        %dma_wait3A_136 = arith.constant 0 : i32
        %dma_wait3A_137 = tpu.memref_slice %arg11[%dma_wait3A, %dma_wait3A_136] : memref<10112x128xf32, #tpu.memory_space<vmem_shared>> -> memref<10112x128xf32, #tpu.memory_space<vmem_shared>>
        tpu.wait_indirect_dma semaphore(%run_scoped3A : memref<!tpu.dma_semaphore, #tpu.memory_space<semaphore_mem>>) src(%arg9 : memref<128x128xf32, #tpu.memory_space<vmem>>) dst(%dma_wait3A_137 : memref<10112x128xf32, #tpu.memory_space<vmem_shared>>)
        tpu.yield
      }) : () -> ()
      %mul3A_127 = arith.constant 2 : i32
      %mul3A_128 = arith.muli %mul3A_127, %scan3A_119 : i32
      %add3A_129 = arith.constant 2 : i32
      %add3A_130 = arith.addi %mul3A_128, %add3A_129 : i32
      %mul3A_131 = arith.constant 128 : i32
      %mul3A_132 = arith.muli %add3A_130, %mul3A_131 : i32
      %add3A_133 = arith.addi %mul3A_2, %mul3A_132 : i32
      "tpu.region"() ({
        %run_scoped3A = tpu.sem_alloc : memref<!tpu.dma_semaphore, #tpu.memory_space<semaphore_mem>>
        %dma_start3A = tpu.memref_slice %arg3[%add3A_133] : memref<323584xi32, #tpu.memory_space<hbm>> -> memref<128xi32, #tpu.memory_space<hbm>>
        %dma_start3A_134 = tpu.memref_slice %arg3[%add3A_133] : memref<323584xi32, #tpu.memory_space<hbm>> -> memref<128xi32, #tpu.memory_space<hbm>>
        tpu.enqueue_dma source(%dma_start3A_134 : memref<128xi32, #tpu.memory_space<hbm>>) target(%arg7 : memref<128xi32, #tpu.memory_space<vmem>>) target_semaphore(%run_scoped3A : memref<!tpu.dma_semaphore, #tpu.memory_space<semaphore_mem>>)
        %dma_wait3A = tpu.memref_slice %arg3[%add3A_133] : memref<323584xi32, #tpu.memory_space<hbm>> -> memref<128xi32, #tpu.memory_space<hbm>>
        %dma_wait3A_135 = tpu.memref_slice %arg3[%add3A_133] : memref<323584xi32, #tpu.memory_space<hbm>> -> memref<128xi32, #tpu.memory_space<hbm>>
        tpu.wait_dma2 semaphore(%run_scoped3A : memref<!tpu.dma_semaphore, #tpu.memory_space<semaphore_mem>>) src(%dma_wait3A_135 : memref<128xi32, #tpu.memory_space<hbm>>) dst(%arg7 : memref<128xi32, #tpu.memory_space<vmem>>)
        tpu.yield
      }) : () -> ()
      "tpu.region"() ({
        %run_scoped3A = tpu.sem_alloc : memref<!tpu.dma_semaphore, #tpu.memory_space<semaphore_mem>>
        %dma_start3A = arith.constant 0 : i32
        %dma_start3A_134 = arith.constant 0 : i32
        %dma_start3A_135 = tpu.memref_slice %arg11[%dma_start3A, %dma_start3A_134] : memref<10112x128xf32, #tpu.memory_space<vmem_shared>> -> memref<10112x128xf32, #tpu.memory_space<vmem_shared>>
        tpu.enqueue_indirect_dma source(%arg9 : memref<128x128xf32, #tpu.memory_space<vmem>>) target(%dma_start3A_135 : memref<10112x128xf32, #tpu.memory_space<vmem_shared>>) offsets(%arg8 : memref<128xi32, #tpu.memory_space<vmem>>) semaphore(%run_scoped3A : memref<!tpu.dma_semaphore, #tpu.memory_space<semaphore_mem>>) {add = true}
        %dma_wait3A = arith.constant 0 : i32
        %dma_wait3A_136 = arith.constant 0 : i32
        %dma_wait3A_137 = tpu.memref_slice %arg11[%dma_wait3A, %dma_wait3A_136] : memref<10112x128xf32, #tpu.memory_space<vmem_shared>> -> memref<10112x128xf32, #tpu.memory_space<vmem_shared>>
        tpu.wait_indirect_dma semaphore(%run_scoped3A : memref<!tpu.dma_semaphore, #tpu.memory_space<semaphore_mem>>) src(%arg9 : memref<128x128xf32, #tpu.memory_space<vmem>>) dst(%dma_wait3A_137 : memref<10112x128xf32, #tpu.memory_space<vmem_shared>>)
        tpu.yield
      }) : () -> ()
    }
    %scan3A_39 = arith.constant 39 : i32
    "tpu.region"() ({
      %run_scoped3A = tpu.sem_alloc : memref<!tpu.dma_semaphore, #tpu.memory_space<semaphore_mem>>
      %dma_start3A = arith.constant 0 : i32
      %dma_start3A_119 = arith.constant 0 : i32
      %dma_start3A_120 = tpu.memref_slice %arg11[%dma_start3A, %dma_start3A_119] : memref<10112x128xf32, #tpu.memory_space<vmem_shared>> -> memref<10112x128xf32, #tpu.memory_space<vmem_shared>>
      tpu.enqueue_indirect_dma source(%arg9 : memref<128x128xf32, #tpu.memory_space<vmem>>) target(%dma_start3A_120 : memref<10112x128xf32, #tpu.memory_space<vmem_shared>>) offsets(%arg7 : memref<128xi32, #tpu.memory_space<vmem>>) semaphore(%run_scoped3A : memref<!tpu.dma_semaphore, #tpu.memory_space<semaphore_mem>>) {add = true}
      %dma_wait3A = arith.constant 0 : i32
      %dma_wait3A_121 = arith.constant 0 : i32
      %dma_wait3A_122 = tpu.memref_slice %arg11[%dma_wait3A, %dma_wait3A_121] : memref<10112x128xf32, #tpu.memory_space<vmem_shared>> -> memref<10112x128xf32, #tpu.memory_space<vmem_shared>>
      tpu.wait_indirect_dma semaphore(%run_scoped3A : memref<!tpu.dma_semaphore, #tpu.memory_space<semaphore_mem>>) src(%arg9 : memref<128x128xf32, #tpu.memory_space<vmem>>) dst(%dma_wait3A_122 : memref<10112x128xf32, #tpu.memory_space<vmem_shared>>)
      tpu.yield
    }) : () -> ()
    %barrier3A_40 = arith.constant 0 : index
    tpu.barrier barrier_id(%barrier3A_40)
    %add3A_41 = arith.constant 0 : i32
    %add3A_42 = arith.addi %arg1, %add3A_41 : i32
    %lt3A_43 = arith.constant 79 : i32
    %lt3A_44 = arith.cmpi slt, %add3A_42, %lt3A_43 : i32
    %convert_element_type3A_45 = arith.extui %lt3A_44 : i1 to i32
    %cond3A_46 = arith.constant 0 : i32
    %cond3A_47 = arith.cmpi ne, %convert_element_type3A_45, %cond3A_46 : i32
    scf.if %cond3A_47 {
      %mul3A_119 = arith.constant 128 : i32
      %mul3A_120 = arith.muli %add3A_42, %mul3A_119 : i32
      %add3A_121 = arith.constant 0 : i32
      %add3A_122 = arith.addi %add3A_121, %arg0 : i32
      %mul3A_123 = arith.constant 10112 : i32
      %mul3A_124 = arith.muli %add3A_122, %mul3A_123 : i32
      %mul3A_125 = arith.constant 128 : i32
      %mul3A_126 = arith.muli %add3A_42, %mul3A_125 : i32
      %add3A_127 = arith.addi %mul3A_124, %mul3A_126 : i32
      "tpu.region"() ({
        %run_scoped3A = tpu.sem_alloc : memref<!tpu.dma_semaphore, #tpu.memory_space<semaphore_mem>>
        %dma_start3A = arith.constant 0 : i32
        %dma_start3A_130 = tpu.memref_slice %arg6[%add3A_127, %dma_start3A] : memref<40448x128xf32, #tpu.memory_space<hbm>> -> memref<128x128xf32, #tpu.memory_space<hbm>>
        %dma_start3A_131 = arith.constant 0 : i32
        %dma_start3A_132 = tpu.memref_slice %arg11[%mul3A_120, %dma_start3A_131] : memref<10112x128xf32, #tpu.memory_space<vmem_shared>> -> memref<128x128xf32, #tpu.memory_space<vmem_shared>>
        tpu.enqueue_dma source(%dma_start3A_132 : memref<128x128xf32, #tpu.memory_space<vmem_shared>>) target(%dma_start3A_130 : memref<128x128xf32, #tpu.memory_space<hbm>>) target_semaphore(%run_scoped3A : memref<!tpu.dma_semaphore, #tpu.memory_space<semaphore_mem>>)
        %dma_wait3A = arith.constant 0 : i32
        %dma_wait3A_133 = tpu.memref_slice %arg6[%add3A_127, %dma_wait3A] : memref<40448x128xf32, #tpu.memory_space<hbm>> -> memref<128x128xf32, #tpu.memory_space<hbm>>
        %dma_wait3A_134 = arith.constant 0 : i32
        %dma_wait3A_135 = tpu.memref_slice %arg11[%mul3A_120, %dma_wait3A_134] : memref<10112x128xf32, #tpu.memory_space<vmem_shared>> -> memref<128x128xf32, #tpu.memory_space<vmem_shared>>
        tpu.wait_dma2 semaphore(%run_scoped3A : memref<!tpu.dma_semaphore, #tpu.memory_space<semaphore_mem>>) src(%dma_wait3A_135 : memref<128x128xf32, #tpu.memory_space<vmem_shared>>) dst(%dma_wait3A_133 : memref<128x128xf32, #tpu.memory_space<hbm>>)
        tpu.yield
      }) : () -> ()
      %mul3A_128 = arith.constant 128 : i32
      %mul3A_129 = arith.muli %add3A_42, %mul3A_128 : i32
      "tpu.region"() ({
        %run_scoped3A = tpu.sem_alloc : memref<!tpu.dma_semaphore, #tpu.memory_space<semaphore_mem>>
        %dma_start3A = arith.constant 0 : i32
        %dma_start3A_130 = tpu.memref_slice %arg11[%mul3A_129, %dma_start3A] : memref<10112x128xf32, #tpu.memory_space<vmem_shared>> -> memref<128x128xf32, #tpu.memory_space<vmem_shared>>
        %dma_start3A_131 = arith.constant 0 : i32
        %dma_start3A_132 = tpu.memref_slice %arg11[%mul3A_129, %dma_start3A_131] : memref<10112x128xf32, #tpu.memory_space<vmem_shared>> -> memref<128x128xf32, #tpu.memory_space<vmem_shared>>
        tpu.enqueue_dma source(%arg10 : memref<128x128xf32, #tpu.memory_space<vmem>>) target(%dma_start3A_132 : memref<128x128xf32, #tpu.memory_space<vmem_shared>>) target_semaphore(%run_scoped3A : memref<!tpu.dma_semaphore, #tpu.memory_space<semaphore_mem>>)
        %dma_wait3A = arith.constant 0 : i32
        %dma_wait3A_133 = tpu.memref_slice %arg11[%mul3A_129, %dma_wait3A] : memref<10112x128xf32, #tpu.memory_space<vmem_shared>> -> memref<128x128xf32, #tpu.memory_space<vmem_shared>>
        %dma_wait3A_134 = arith.constant 0 : i32
        %dma_wait3A_135 = tpu.memref_slice %arg11[%mul3A_129, %dma_wait3A_134] : memref<10112x128xf32, #tpu.memory_space<vmem_shared>> -> memref<128x128xf32, #tpu.memory_space<vmem_shared>>
        tpu.wait_dma2 semaphore(%run_scoped3A : memref<!tpu.dma_semaphore, #tpu.memory_space<semaphore_mem>>) src(%arg10 : memref<128x128xf32, #tpu.memory_space<vmem>>) dst(%dma_wait3A_135 : memref<128x128xf32, #tpu.memory_space<vmem_shared>>)
        tpu.yield
      }) : () -> ()
    } else {
    }
    %add3A_48 = arith.constant 16 : i32
    %add3A_49 = arith.addi %arg1, %add3A_48 : i32
    %lt3A_50 = arith.constant 79 : i32
    %lt3A_51 = arith.cmpi slt, %add3A_49, %lt3A_50 : i32
    %convert_element_type3A_52 = arith.extui %lt3A_51 : i1 to i32
    %cond3A_53 = arith.constant 0 : i32
    %cond3A_54 = arith.cmpi ne, %convert_element_type3A_52, %cond3A_53 : i32
    scf.if %cond3A_54 {
      %mul3A_119 = arith.constant 128 : i32
      %mul3A_120 = arith.muli %add3A_49, %mul3A_119 : i32
      %add3A_121 = arith.constant 0 : i32
      %add3A_122 = arith.addi %add3A_121, %arg0 : i32
      %mul3A_123 = arith.constant 10112 : i32
      %mul3A_124 = arith.muli %add3A_122, %mul3A_123 : i32
      %mul3A_125 = arith.constant 128 : i32
      %mul3A_126 = arith.muli %add3A_49, %mul3A_125 : i32
      %add3A_127 = arith.addi %mul3A_124, %mul3A_126 : i32
      "tpu.region"() ({
        %run_scoped3A = tpu.sem_alloc : memref<!tpu.dma_semaphore, #tpu.memory_space<semaphore_mem>>
        %dma_start3A = arith.constant 0 : i32
        %dma_start3A_130 = tpu.memref_slice %arg6[%add3A_127, %dma_start3A] : memref<40448x128xf32, #tpu.memory_space<hbm>> -> memref<128x128xf32, #tpu.memory_space<hbm>>
        %dma_start3A_131 = arith.constant 0 : i32
        %dma_start3A_132 = tpu.memref_slice %arg11[%mul3A_120, %dma_start3A_131] : memref<10112x128xf32, #tpu.memory_space<vmem_shared>> -> memref<128x128xf32, #tpu.memory_space<vmem_shared>>
        tpu.enqueue_dma source(%dma_start3A_132 : memref<128x128xf32, #tpu.memory_space<vmem_shared>>) target(%dma_start3A_130 : memref<128x128xf32, #tpu.memory_space<hbm>>) target_semaphore(%run_scoped3A : memref<!tpu.dma_semaphore, #tpu.memory_space<semaphore_mem>>)
        %dma_wait3A = arith.constant 0 : i32
        %dma_wait3A_133 = tpu.memref_slice %arg6[%add3A_127, %dma_wait3A] : memref<40448x128xf32, #tpu.memory_space<hbm>> -> memref<128x128xf32, #tpu.memory_space<hbm>>
        %dma_wait3A_134 = arith.constant 0 : i32
        %dma_wait3A_135 = tpu.memref_slice %arg11[%mul3A_120, %dma_wait3A_134] : memref<10112x128xf32, #tpu.memory_space<vmem_shared>> -> memref<128x128xf32, #tpu.memory_space<vmem_shared>>
        tpu.wait_dma2 semaphore(%run_scoped3A : memref<!tpu.dma_semaphore, #tpu.memory_space<semaphore_mem>>) src(%dma_wait3A_135 : memref<128x128xf32, #tpu.memory_space<vmem_shared>>) dst(%dma_wait3A_133 : memref<128x128xf32, #tpu.memory_space<hbm>>)
        tpu.yield
      }) : () -> ()
      %mul3A_128 = arith.constant 128 : i32
      %mul3A_129 = arith.muli %add3A_49, %mul3A_128 : i32
      "tpu.region"() ({
        %run_scoped3A = tpu.sem_alloc : memref<!tpu.dma_semaphore, #tpu.memory_space<semaphore_mem>>
        %dma_start3A = arith.constant 0 : i32
        %dma_start3A_130 = tpu.memref_slice %arg11[%mul3A_129, %dma_start3A] : memref<10112x128xf32, #tpu.memory_space<vmem_shared>> -> memref<128x128xf32, #tpu.memory_space<vmem_shared>>
        %dma_start3A_131 = arith.constant 0 : i32
        %dma_start3A_132 = tpu.memref_slice %arg11[%mul3A_129, %dma_start3A_131] : memref<10112x128xf32, #tpu.memory_space<vmem_shared>> -> memref<128x128xf32, #tpu.memory_space<vmem_shared>>
        tpu.enqueue_dma source(%arg10 : memref<128x128xf32, #tpu.memory_space<vmem>>) target(%dma_start3A_132 : memref<128x128xf32, #tpu.memory_space<vmem_shared>>) target_semaphore(%run_scoped3A : memref<!tpu.dma_semaphore, #tpu.memory_space<semaphore_mem>>)
        %dma_wait3A = arith.constant 0 : i32
        %dma_wait3A_133 = tpu.memref_slice %arg11[%mul3A_129, %dma_wait3A] : memref<10112x128xf32, #tpu.memory_space<vmem_shared>> -> memref<128x128xf32, #tpu.memory_space<vmem_shared>>
        %dma_wait3A_134 = arith.constant 0 : i32
        %dma_wait3A_135 = tpu.memref_slice %arg11[%mul3A_129, %dma_wait3A_134] : memref<10112x128xf32, #tpu.memory_space<vmem_shared>> -> memref<128x128xf32, #tpu.memory_space<vmem_shared>>
        tpu.wait_dma2 semaphore(%run_scoped3A : memref<!tpu.dma_semaphore, #tpu.memory_space<semaphore_mem>>) src(%arg10 : memref<128x128xf32, #tpu.memory_space<vmem>>) dst(%dma_wait3A_135 : memref<128x128xf32, #tpu.memory_space<vmem_shared>>)
        tpu.yield
      }) : () -> ()
    } else {
    }
    %add3A_55 = arith.constant 32 : i32
    %add3A_56 = arith.addi %arg1, %add3A_55 : i32
    %lt3A_57 = arith.constant 79 : i32
    %lt3A_58 = arith.cmpi slt, %add3A_56, %lt3A_57 : i32
    %convert_element_type3A_59 = arith.extui %lt3A_58 : i1 to i32
    %cond3A_60 = arith.constant 0 : i32
    %cond3A_61 = arith.cmpi ne, %convert_element_type3A_59, %cond3A_60 : i32
    scf.if %cond3A_61 {
      %mul3A_119 = arith.constant 128 : i32
      %mul3A_120 = arith.muli %add3A_56, %mul3A_119 : i32
      %add3A_121 = arith.constant 0 : i32
      %add3A_122 = arith.addi %add3A_121, %arg0 : i32
      %mul3A_123 = arith.constant 10112 : i32
      %mul3A_124 = arith.muli %add3A_122, %mul3A_123 : i32
      %mul3A_125 = arith.constant 128 : i32
      %mul3A_126 = arith.muli %add3A_56, %mul3A_125 : i32
      %add3A_127 = arith.addi %mul3A_124, %mul3A_126 : i32
      "tpu.region"() ({
        %run_scoped3A = tpu.sem_alloc : memref<!tpu.dma_semaphore, #tpu.memory_space<semaphore_mem>>
        %dma_start3A = arith.constant 0 : i32
        %dma_start3A_130 = tpu.memref_slice %arg6[%add3A_127, %dma_start3A] : memref<40448x128xf32, #tpu.memory_space<hbm>> -> memref<128x128xf32, #tpu.memory_space<hbm>>
        %dma_start3A_131 = arith.constant 0 : i32
        %dma_start3A_132 = tpu.memref_slice %arg11[%mul3A_120, %dma_start3A_131] : memref<10112x128xf32, #tpu.memory_space<vmem_shared>> -> memref<128x128xf32, #tpu.memory_space<vmem_shared>>
        tpu.enqueue_dma source(%dma_start3A_132 : memref<128x128xf32, #tpu.memory_space<vmem_shared>>) target(%dma_start3A_130 : memref<128x128xf32, #tpu.memory_space<hbm>>) target_semaphore(%run_scoped3A : memref<!tpu.dma_semaphore, #tpu.memory_space<semaphore_mem>>)
        %dma_wait3A = arith.constant 0 : i32
        %dma_wait3A_133 = tpu.memref_slice %arg6[%add3A_127, %dma_wait3A] : memref<40448x128xf32, #tpu.memory_space<hbm>> -> memref<128x128xf32, #tpu.memory_space<hbm>>
        %dma_wait3A_134 = arith.constant 0 : i32
        %dma_wait3A_135 = tpu.memref_slice %arg11[%mul3A_120, %dma_wait3A_134] : memref<10112x128xf32, #tpu.memory_space<vmem_shared>> -> memref<128x128xf32, #tpu.memory_space<vmem_shared>>
        tpu.wait_dma2 semaphore(%run_scoped3A : memref<!tpu.dma_semaphore, #tpu.memory_space<semaphore_mem>>) src(%dma_wait3A_135 : memref<128x128xf32, #tpu.memory_space<vmem_shared>>) dst(%dma_wait3A_133 : memref<128x128xf32, #tpu.memory_space<hbm>>)
        tpu.yield
      }) : () -> ()
      %mul3A_128 = arith.constant 128 : i32
      %mul3A_129 = arith.muli %add3A_56, %mul3A_128 : i32
      "tpu.region"() ({
        %run_scoped3A = tpu.sem_alloc : memref<!tpu.dma_semaphore, #tpu.memory_space<semaphore_mem>>
        %dma_start3A = arith.constant 0 : i32
        %dma_start3A_130 = tpu.memref_slice %arg11[%mul3A_129, %dma_start3A] : memref<10112x128xf32, #tpu.memory_space<vmem_shared>> -> memref<128x128xf32, #tpu.memory_space<vmem_shared>>
        %dma_start3A_131 = arith.constant 0 : i32
        %dma_start3A_132 = tpu.memref_slice %arg11[%mul3A_129, %dma_start3A_131] : memref<10112x128xf32, #tpu.memory_space<vmem_shared>> -> memref<128x128xf32, #tpu.memory_space<vmem_shared>>
        tpu.enqueue_dma source(%arg10 : memref<128x128xf32, #tpu.memory_space<vmem>>) target(%dma_start3A_132 : memref<128x128xf32, #tpu.memory_space<vmem_shared>>) target_semaphore(%run_scoped3A : memref<!tpu.dma_semaphore, #tpu.memory_space<semaphore_mem>>)
        %dma_wait3A = arith.constant 0 : i32
        %dma_wait3A_133 = tpu.memref_slice %arg11[%mul3A_129, %dma_wait3A] : memref<10112x128xf32, #tpu.memory_space<vmem_shared>> -> memref<128x128xf32, #tpu.memory_space<vmem_shared>>
        %dma_wait3A_134 = arith.constant 0 : i32
        %dma_wait3A_135 = tpu.memref_slice %arg11[%mul3A_129, %dma_wait3A_134] : memref<10112x128xf32, #tpu.memory_space<vmem_shared>> -> memref<128x128xf32, #tpu.memory_space<vmem_shared>>
        tpu.wait_dma2 semaphore(%run_scoped3A : memref<!tpu.dma_semaphore, #tpu.memory_space<semaphore_mem>>) src(%arg10 : memref<128x128xf32, #tpu.memory_space<vmem>>) dst(%dma_wait3A_135 : memref<128x128xf32, #tpu.memory_space<vmem_shared>>)
        tpu.yield
      }) : () -> ()
    } else {
    }
    %add3A_62 = arith.constant 48 : i32
    %add3A_63 = arith.addi %arg1, %add3A_62 : i32
    %lt3A_64 = arith.constant 79 : i32
    %lt3A_65 = arith.cmpi slt, %add3A_63, %lt3A_64 : i32
    %convert_element_type3A_66 = arith.extui %lt3A_65 : i1 to i32
    %cond3A_67 = arith.constant 0 : i32
    %cond3A_68 = arith.cmpi ne, %convert_element_type3A_66, %cond3A_67 : i32
    scf.if %cond3A_68 {
      %mul3A_119 = arith.constant 128 : i32
      %mul3A_120 = arith.muli %add3A_63, %mul3A_119 : i32
      %add3A_121 = arith.constant 0 : i32
      %add3A_122 = arith.addi %add3A_121, %arg0 : i32
      %mul3A_123 = arith.constant 10112 : i32
      %mul3A_124 = arith.muli %add3A_122, %mul3A_123 : i32
      %mul3A_125 = arith.constant 128 : i32
      %mul3A_126 = arith.muli %add3A_63, %mul3A_125 : i32
      %add3A_127 = arith.addi %mul3A_124, %mul3A_126 : i32
      "tpu.region"() ({
        %run_scoped3A = tpu.sem_alloc : memref<!tpu.dma_semaphore, #tpu.memory_space<semaphore_mem>>
        %dma_start3A = arith.constant 0 : i32
        %dma_start3A_130 = tpu.memref_slice %arg6[%add3A_127, %dma_start3A] : memref<40448x128xf32, #tpu.memory_space<hbm>> -> memref<128x128xf32, #tpu.memory_space<hbm>>
        %dma_start3A_131 = arith.constant 0 : i32
        %dma_start3A_132 = tpu.memref_slice %arg11[%mul3A_120, %dma_start3A_131] : memref<10112x128xf32, #tpu.memory_space<vmem_shared>> -> memref<128x128xf32, #tpu.memory_space<vmem_shared>>
        tpu.enqueue_dma source(%dma_start3A_132 : memref<128x128xf32, #tpu.memory_space<vmem_shared>>) target(%dma_start3A_130 : memref<128x128xf32, #tpu.memory_space<hbm>>) target_semaphore(%run_scoped3A : memref<!tpu.dma_semaphore, #tpu.memory_space<semaphore_mem>>)
        %dma_wait3A = arith.constant 0 : i32
        %dma_wait3A_133 = tpu.memref_slice %arg6[%add3A_127, %dma_wait3A] : memref<40448x128xf32, #tpu.memory_space<hbm>> -> memref<128x128xf32, #tpu.memory_space<hbm>>
        %dma_wait3A_134 = arith.constant 0 : i32
        %dma_wait3A_135 = tpu.memref_slice %arg11[%mul3A_120, %dma_wait3A_134] : memref<10112x128xf32, #tpu.memory_space<vmem_shared>> -> memref<128x128xf32, #tpu.memory_space<vmem_shared>>
        tpu.wait_dma2 semaphore(%run_scoped3A : memref<!tpu.dma_semaphore, #tpu.memory_space<semaphore_mem>>) src(%dma_wait3A_135 : memref<128x128xf32, #tpu.memory_space<vmem_shared>>) dst(%dma_wait3A_133 : memref<128x128xf32, #tpu.memory_space<hbm>>)
        tpu.yield
      }) : () -> ()
      %mul3A_128 = arith.constant 128 : i32
      %mul3A_129 = arith.muli %add3A_63, %mul3A_128 : i32
      "tpu.region"() ({
        %run_scoped3A = tpu.sem_alloc : memref<!tpu.dma_semaphore, #tpu.memory_space<semaphore_mem>>
        %dma_start3A = arith.constant 0 : i32
        %dma_start3A_130 = tpu.memref_slice %arg11[%mul3A_129, %dma_start3A] : memref<10112x128xf32, #tpu.memory_space<vmem_shared>> -> memref<128x128xf32, #tpu.memory_space<vmem_shared>>
        %dma_start3A_131 = arith.constant 0 : i32
        %dma_start3A_132 = tpu.memref_slice %arg11[%mul3A_129, %dma_start3A_131] : memref<10112x128xf32, #tpu.memory_space<vmem_shared>> -> memref<128x128xf32, #tpu.memory_space<vmem_shared>>
        tpu.enqueue_dma source(%arg10 : memref<128x128xf32, #tpu.memory_space<vmem>>) target(%dma_start3A_132 : memref<128x128xf32, #tpu.memory_space<vmem_shared>>) target_semaphore(%run_scoped3A : memref<!tpu.dma_semaphore, #tpu.memory_space<semaphore_mem>>)
        %dma_wait3A = arith.constant 0 : i32
        %dma_wait3A_133 = tpu.memref_slice %arg11[%mul3A_129, %dma_wait3A] : memref<10112x128xf32, #tpu.memory_space<vmem_shared>> -> memref<128x128xf32, #tpu.memory_space<vmem_shared>>
        %dma_wait3A_134 = arith.constant 0 : i32
        %dma_wait3A_135 = tpu.memref_slice %arg11[%mul3A_129, %dma_wait3A_134] : memref<10112x128xf32, #tpu.memory_space<vmem_shared>> -> memref<128x128xf32, #tpu.memory_space<vmem_shared>>
        tpu.wait_dma2 semaphore(%run_scoped3A : memref<!tpu.dma_semaphore, #tpu.memory_space<semaphore_mem>>) src(%arg10 : memref<128x128xf32, #tpu.memory_space<vmem>>) dst(%dma_wait3A_135 : memref<128x128xf32, #tpu.memory_space<vmem_shared>>)
        tpu.yield
      }) : () -> ()
    } else {
    }
    %add3A_69 = arith.constant 64 : i32
    %add3A_70 = arith.addi %arg1, %add3A_69 : i32
    %lt3A_71 = arith.constant 79 : i32
    %lt3A_72 = arith.cmpi slt, %add3A_70, %lt3A_71 : i32
    %convert_element_type3A_73 = arith.extui %lt3A_72 : i1 to i32
    %cond3A_74 = arith.constant 0 : i32
    %cond3A_75 = arith.cmpi ne, %convert_element_type3A_73, %cond3A_74 : i32
    scf.if %cond3A_75 {
      %mul3A_119 = arith.constant 128 : i32
      %mul3A_120 = arith.muli %add3A_70, %mul3A_119 : i32
      %add3A_121 = arith.constant 0 : i32
      %add3A_122 = arith.addi %add3A_121, %arg0 : i32
      %mul3A_123 = arith.constant 10112 : i32
      %mul3A_124 = arith.muli %add3A_122, %mul3A_123 : i32
      %mul3A_125 = arith.constant 128 : i32
      %mul3A_126 = arith.muli %add3A_70, %mul3A_125 : i32
      %add3A_127 = arith.addi %mul3A_124, %mul3A_126 : i32
      "tpu.region"() ({
        %run_scoped3A = tpu.sem_alloc : memref<!tpu.dma_semaphore, #tpu.memory_space<semaphore_mem>>
        %dma_start3A = arith.constant 0 : i32
        %dma_start3A_130 = tpu.memref_slice %arg6[%add3A_127, %dma_start3A] : memref<40448x128xf32, #tpu.memory_space<hbm>> -> memref<128x128xf32, #tpu.memory_space<hbm>>
        %dma_start3A_131 = arith.constant 0 : i32
        %dma_start3A_132 = tpu.memref_slice %arg11[%mul3A_120, %dma_start3A_131] : memref<10112x128xf32, #tpu.memory_space<vmem_shared>> -> memref<128x128xf32, #tpu.memory_space<vmem_shared>>
        tpu.enqueue_dma source(%dma_start3A_132 : memref<128x128xf32, #tpu.memory_space<vmem_shared>>) target(%dma_start3A_130 : memref<128x128xf32, #tpu.memory_space<hbm>>) target_semaphore(%run_scoped3A : memref<!tpu.dma_semaphore, #tpu.memory_space<semaphore_mem>>)
        %dma_wait3A = arith.constant 0 : i32
        %dma_wait3A_133 = tpu.memref_slice %arg6[%add3A_127, %dma_wait3A] : memref<40448x128xf32, #tpu.memory_space<hbm>> -> memref<128x128xf32, #tpu.memory_space<hbm>>
        %dma_wait3A_134 = arith.constant 0 : i32
        %dma_wait3A_135 = tpu.memref_slice %arg11[%mul3A_120, %dma_wait3A_134] : memref<10112x128xf32, #tpu.memory_space<vmem_shared>> -> memref<128x128xf32, #tpu.memory_space<vmem_shared>>
        tpu.wait_dma2 semaphore(%run_scoped3A : memref<!tpu.dma_semaphore, #tpu.memory_space<semaphore_mem>>) src(%dma_wait3A_135 : memref<128x128xf32, #tpu.memory_space<vmem_shared>>) dst(%dma_wait3A_133 : memref<128x128xf32, #tpu.memory_space<hbm>>)
        tpu.yield
      }) : () -> ()
      %mul3A_128 = arith.constant 128 : i32
      %mul3A_129 = arith.muli %add3A_70, %mul3A_128 : i32
      "tpu.region"() ({
        %run_scoped3A = tpu.sem_alloc : memref<!tpu.dma_semaphore, #tpu.memory_space<semaphore_mem>>
        %dma_start3A = arith.constant 0 : i32
        %dma_start3A_130 = tpu.memref_slice %arg11[%mul3A_129, %dma_start3A] : memref<10112x128xf32, #tpu.memory_space<vmem_shared>> -> memref<128x128xf32, #tpu.memory_space<vmem_shared>>
        %dma_start3A_131 = arith.constant 0 : i32
        %dma_start3A_132 = tpu.memref_slice %arg11[%mul3A_129, %dma_start3A_131] : memref<10112x128xf32, #tpu.memory_space<vmem_shared>> -> memref<128x128xf32, #tpu.memory_space<vmem_shared>>
        tpu.enqueue_dma source(%arg10 : memref<128x128xf32, #tpu.memory_space<vmem>>) target(%dma_start3A_132 : memref<128x128xf32, #tpu.memory_space<vmem_shared>>) target_semaphore(%run_scoped3A : memref<!tpu.dma_semaphore, #tpu.memory_space<semaphore_mem>>)
        %dma_wait3A = arith.constant 0 : i32
        %dma_wait3A_133 = tpu.memref_slice %arg11[%mul3A_129, %dma_wait3A] : memref<10112x128xf32, #tpu.memory_space<vmem_shared>> -> memref<128x128xf32, #tpu.memory_space<vmem_shared>>
        %dma_wait3A_134 = arith.constant 0 : i32
        %dma_wait3A_135 = tpu.memref_slice %arg11[%mul3A_129, %dma_wait3A_134] : memref<10112x128xf32, #tpu.memory_space<vmem_shared>> -> memref<128x128xf32, #tpu.memory_space<vmem_shared>>
        tpu.wait_dma2 semaphore(%run_scoped3A : memref<!tpu.dma_semaphore, #tpu.memory_space<semaphore_mem>>) src(%arg10 : memref<128x128xf32, #tpu.memory_space<vmem>>) dst(%dma_wait3A_135 : memref<128x128xf32, #tpu.memory_space<vmem_shared>>)
        tpu.yield
      }) : () -> ()
    } else {
    }
    %barrier3A_76 = arith.constant 0 : index
    tpu.barrier barrier_id(%barrier3A_76)
    "tpu.region"() ({
      %run_scoped3A = tpu.sem_alloc : memref<!tpu.dma_semaphore, #tpu.memory_space<semaphore_mem>>
      %dma_start3A = tpu.memref_slice %arg2[%mul3A_2] : memref<323584xi32, #tpu.memory_space<hbm>> -> memref<128xi32, #tpu.memory_space<hbm>>
      %dma_start3A_119 = tpu.memref_slice %arg2[%mul3A_2] : memref<323584xi32, #tpu.memory_space<hbm>> -> memref<128xi32, #tpu.memory_space<hbm>>
      tpu.enqueue_dma source(%dma_start3A_119 : memref<128xi32, #tpu.memory_space<hbm>>) target(%arg7 : memref<128xi32, #tpu.memory_space<vmem>>) target_semaphore(%run_scoped3A : memref<!tpu.dma_semaphore, #tpu.memory_space<semaphore_mem>>)
      %dma_wait3A = tpu.memref_slice %arg2[%mul3A_2] : memref<323584xi32, #tpu.memory_space<hbm>> -> memref<128xi32, #tpu.memory_space<hbm>>
      %dma_wait3A_120 = tpu.memref_slice %arg2[%mul3A_2] : memref<323584xi32, #tpu.memory_space<hbm>> -> memref<128xi32, #tpu.memory_space<hbm>>
      tpu.wait_dma2 semaphore(%run_scoped3A : memref<!tpu.dma_semaphore, #tpu.memory_space<semaphore_mem>>) src(%dma_wait3A_120 : memref<128xi32, #tpu.memory_space<hbm>>) dst(%arg7 : memref<128xi32, #tpu.memory_space<vmem>>)
      tpu.yield
    }) : () -> ()
    %scan3A_77 = arith.constant 0 : i32
    %scan3A_78 = arith.constant 0 : i32
    %scan3A_79 = arith.constant 39 : i32
    %scan3A_80 = arith.addi %scan3A_78, %scan3A_79 : i32
    %scan3A_81 = arith.constant 1 : i32
    scf.for %scan3A_119 = %scan3A_78 to %scan3A_80 step %scan3A_81  : i32 {
      %mul3A_120 = arith.constant 2 : i32
      %mul3A_121 = arith.muli %mul3A_120, %scan3A_119 : i32
      %add3A_122 = arith.constant 1 : i32
      %add3A_123 = arith.addi %mul3A_121, %add3A_122 : i32
      %mul3A_124 = arith.constant 128 : i32
      %mul3A_125 = arith.muli %add3A_123, %mul3A_124 : i32
      %add3A_126 = arith.addi %mul3A_2, %mul3A_125 : i32
      "tpu.region"() ({
        %run_scoped3A = tpu.sem_alloc : memref<!tpu.dma_semaphore, #tpu.memory_space<semaphore_mem>>
        %dma_start3A = tpu.memref_slice %arg2[%add3A_126] : memref<323584xi32, #tpu.memory_space<hbm>> -> memref<128xi32, #tpu.memory_space<hbm>>
        %dma_start3A_134 = tpu.memref_slice %arg2[%add3A_126] : memref<323584xi32, #tpu.memory_space<hbm>> -> memref<128xi32, #tpu.memory_space<hbm>>
        tpu.enqueue_dma source(%dma_start3A_134 : memref<128xi32, #tpu.memory_space<hbm>>) target(%arg8 : memref<128xi32, #tpu.memory_space<vmem>>) target_semaphore(%run_scoped3A : memref<!tpu.dma_semaphore, #tpu.memory_space<semaphore_mem>>)
        %dma_wait3A = tpu.memref_slice %arg2[%add3A_126] : memref<323584xi32, #tpu.memory_space<hbm>> -> memref<128xi32, #tpu.memory_space<hbm>>
        %dma_wait3A_135 = tpu.memref_slice %arg2[%add3A_126] : memref<323584xi32, #tpu.memory_space<hbm>> -> memref<128xi32, #tpu.memory_space<hbm>>
        tpu.wait_dma2 semaphore(%run_scoped3A : memref<!tpu.dma_semaphore, #tpu.memory_space<semaphore_mem>>) src(%dma_wait3A_135 : memref<128xi32, #tpu.memory_space<hbm>>) dst(%arg8 : memref<128xi32, #tpu.memory_space<vmem>>)
        tpu.yield
      }) : () -> ()
      "tpu.region"() ({
        %run_scoped3A = tpu.sem_alloc : memref<!tpu.dma_semaphore, #tpu.memory_space<semaphore_mem>>
        %dma_start3A = arith.constant 0 : i32
        %dma_start3A_134 = arith.constant 0 : i32
        %dma_start3A_135 = tpu.memref_slice %arg11[%dma_start3A, %dma_start3A_134] : memref<10112x128xf32, #tpu.memory_space<vmem_shared>> -> memref<10112x128xf32, #tpu.memory_space<vmem_shared>>
        tpu.enqueue_indirect_dma source(%arg9 : memref<128x128xf32, #tpu.memory_space<vmem>>) target(%dma_start3A_135 : memref<10112x128xf32, #tpu.memory_space<vmem_shared>>) offsets(%arg7 : memref<128xi32, #tpu.memory_space<vmem>>) semaphore(%run_scoped3A : memref<!tpu.dma_semaphore, #tpu.memory_space<semaphore_mem>>) {add = true}
        %dma_wait3A = arith.constant 0 : i32
        %dma_wait3A_136 = arith.constant 0 : i32
        %dma_wait3A_137 = tpu.memref_slice %arg11[%dma_wait3A, %dma_wait3A_136] : memref<10112x128xf32, #tpu.memory_space<vmem_shared>> -> memref<10112x128xf32, #tpu.memory_space<vmem_shared>>
        tpu.wait_indirect_dma semaphore(%run_scoped3A : memref<!tpu.dma_semaphore, #tpu.memory_space<semaphore_mem>>) src(%arg9 : memref<128x128xf32, #tpu.memory_space<vmem>>) dst(%dma_wait3A_137 : memref<10112x128xf32, #tpu.memory_space<vmem_shared>>)
        tpu.yield
      }) : () -> ()
      %mul3A_127 = arith.constant 2 : i32
      %mul3A_128 = arith.muli %mul3A_127, %scan3A_119 : i32
      %add3A_129 = arith.constant 2 : i32
      %add3A_130 = arith.addi %mul3A_128, %add3A_129 : i32
      %mul3A_131 = arith.constant 128 : i32
      %mul3A_132 = arith.muli %add3A_130, %mul3A_131 : i32
      %add3A_133 = arith.addi %mul3A_2, %mul3A_132 : i32
      "tpu.region"() ({
        %run_scoped3A = tpu.sem_alloc : memref<!tpu.dma_semaphore, #tpu.memory_space<semaphore_mem>>
        %dma_start3A = tpu.memref_slice %arg2[%add3A_133] : memref<323584xi32, #tpu.memory_space<hbm>> -> memref<128xi32, #tpu.memory_space<hbm>>
        %dma_start3A_134 = tpu.memref_slice %arg2[%add3A_133] : memref<323584xi32, #tpu.memory_space<hbm>> -> memref<128xi32, #tpu.memory_space<hbm>>
        tpu.enqueue_dma source(%dma_start3A_134 : memref<128xi32, #tpu.memory_space<hbm>>) target(%arg7 : memref<128xi32, #tpu.memory_space<vmem>>) target_semaphore(%run_scoped3A : memref<!tpu.dma_semaphore, #tpu.memory_space<semaphore_mem>>)
        %dma_wait3A = tpu.memref_slice %arg2[%add3A_133] : memref<323584xi32, #tpu.memory_space<hbm>> -> memref<128xi32, #tpu.memory_space<hbm>>
        %dma_wait3A_135 = tpu.memref_slice %arg2[%add3A_133] : memref<323584xi32, #tpu.memory_space<hbm>> -> memref<128xi32, #tpu.memory_space<hbm>>
        tpu.wait_dma2 semaphore(%run_scoped3A : memref<!tpu.dma_semaphore, #tpu.memory_space<semaphore_mem>>) src(%dma_wait3A_135 : memref<128xi32, #tpu.memory_space<hbm>>) dst(%arg7 : memref<128xi32, #tpu.memory_space<vmem>>)
        tpu.yield
      }) : () -> ()
      "tpu.region"() ({
        %run_scoped3A = tpu.sem_alloc : memref<!tpu.dma_semaphore, #tpu.memory_space<semaphore_mem>>
        %dma_start3A = arith.constant 0 : i32
        %dma_start3A_134 = arith.constant 0 : i32
        %dma_start3A_135 = tpu.memref_slice %arg11[%dma_start3A, %dma_start3A_134] : memref<10112x128xf32, #tpu.memory_space<vmem_shared>> -> memref<10112x128xf32, #tpu.memory_space<vmem_shared>>
        tpu.enqueue_indirect_dma source(%arg9 : memref<128x128xf32, #tpu.memory_space<vmem>>) target(%dma_start3A_135 : memref<10112x128xf32, #tpu.memory_space<vmem_shared>>) offsets(%arg8 : memref<128xi32, #tpu.memory_space<vmem>>) semaphore(%run_scoped3A : memref<!tpu.dma_semaphore, #tpu.memory_space<semaphore_mem>>) {add = true}
        %dma_wait3A = arith.constant 0 : i32
        %dma_wait3A_136 = arith.constant 0 : i32
        %dma_wait3A_137 = tpu.memref_slice %arg11[%dma_wait3A, %dma_wait3A_136] : memref<10112x128xf32, #tpu.memory_space<vmem_shared>> -> memref<10112x128xf32, #tpu.memory_space<vmem_shared>>
        tpu.wait_indirect_dma semaphore(%run_scoped3A : memref<!tpu.dma_semaphore, #tpu.memory_space<semaphore_mem>>) src(%arg9 : memref<128x128xf32, #tpu.memory_space<vmem>>) dst(%dma_wait3A_137 : memref<10112x128xf32, #tpu.memory_space<vmem_shared>>)
        tpu.yield
      }) : () -> ()
    }
    %scan3A_82 = arith.constant 39 : i32
    "tpu.region"() ({
      %run_scoped3A = tpu.sem_alloc : memref<!tpu.dma_semaphore, #tpu.memory_space<semaphore_mem>>
      %dma_start3A = arith.constant 0 : i32
      %dma_start3A_119 = arith.constant 0 : i32
      %dma_start3A_120 = tpu.memref_slice %arg11[%dma_start3A, %dma_start3A_119] : memref<10112x128xf32, #tpu.memory_space<vmem_shared>> -> memref<10112x128xf32, #tpu.memory_space<vmem_shared>>
      tpu.enqueue_indirect_dma source(%arg9 : memref<128x128xf32, #tpu.memory_space<vmem>>) target(%dma_start3A_120 : memref<10112x128xf32, #tpu.memory_space<vmem_shared>>) offsets(%arg7 : memref<128xi32, #tpu.memory_space<vmem>>) semaphore(%run_scoped3A : memref<!tpu.dma_semaphore, #tpu.memory_space<semaphore_mem>>) {add = true}
      %dma_wait3A = arith.constant 0 : i32
      %dma_wait3A_121 = arith.constant 0 : i32
      %dma_wait3A_122 = tpu.memref_slice %arg11[%dma_wait3A, %dma_wait3A_121] : memref<10112x128xf32, #tpu.memory_space<vmem_shared>> -> memref<10112x128xf32, #tpu.memory_space<vmem_shared>>
      tpu.wait_indirect_dma semaphore(%run_scoped3A : memref<!tpu.dma_semaphore, #tpu.memory_space<semaphore_mem>>) src(%arg9 : memref<128x128xf32, #tpu.memory_space<vmem>>) dst(%dma_wait3A_122 : memref<10112x128xf32, #tpu.memory_space<vmem_shared>>)
      tpu.yield
    }) : () -> ()
    %barrier3A_83 = arith.constant 0 : index
    tpu.barrier barrier_id(%barrier3A_83)
    %add3A_84 = arith.constant 0 : i32
    %add3A_85 = arith.addi %arg1, %add3A_84 : i32
    %lt3A_86 = arith.constant 79 : i32
    %lt3A_87 = arith.cmpi slt, %add3A_85, %lt3A_86 : i32
    %convert_element_type3A_88 = arith.extui %lt3A_87 : i1 to i32
    %cond3A_89 = arith.constant 0 : i32
    %cond3A_90 = arith.cmpi ne, %convert_element_type3A_88, %cond3A_89 : i32
    scf.if %cond3A_90 {
      %mul3A_119 = arith.constant 128 : i32
      %mul3A_120 = arith.muli %add3A_85, %mul3A_119 : i32
      %add3A_121 = arith.constant 2 : i32
      %add3A_122 = arith.addi %add3A_121, %arg0 : i32
      %mul3A_123 = arith.constant 10112 : i32
      %mul3A_124 = arith.muli %add3A_122, %mul3A_123 : i32
      %mul3A_125 = arith.constant 128 : i32
      %mul3A_126 = arith.muli %add3A_85, %mul3A_125 : i32
      %add3A_127 = arith.addi %mul3A_124, %mul3A_126 : i32
      "tpu.region"() ({
        %run_scoped3A = tpu.sem_alloc : memref<!tpu.dma_semaphore, #tpu.memory_space<semaphore_mem>>
        %dma_start3A = arith.constant 0 : i32
        %dma_start3A_128 = tpu.memref_slice %arg6[%add3A_127, %dma_start3A] : memref<40448x128xf32, #tpu.memory_space<hbm>> -> memref<128x128xf32, #tpu.memory_space<hbm>>
        %dma_start3A_129 = arith.constant 0 : i32
        %dma_start3A_130 = tpu.memref_slice %arg11[%mul3A_120, %dma_start3A_129] : memref<10112x128xf32, #tpu.memory_space<vmem_shared>> -> memref<128x128xf32, #tpu.memory_space<vmem_shared>>
        tpu.enqueue_dma source(%dma_start3A_130 : memref<128x128xf32, #tpu.memory_space<vmem_shared>>) target(%dma_start3A_128 : memref<128x128xf32, #tpu.memory_space<hbm>>) target_semaphore(%run_scoped3A : memref<!tpu.dma_semaphore, #tpu.memory_space<semaphore_mem>>)
        %dma_wait3A = arith.constant 0 : i32
        %dma_wait3A_131 = tpu.memref_slice %arg6[%add3A_127, %dma_wait3A] : memref<40448x128xf32, #tpu.memory_space<hbm>> -> memref<128x128xf32, #tpu.memory_space<hbm>>
        %dma_wait3A_132 = arith.constant 0 : i32
        %dma_wait3A_133 = tpu.memref_slice %arg11[%mul3A_120, %dma_wait3A_132] : memref<10112x128xf32, #tpu.memory_space<vmem_shared>> -> memref<128x128xf32, #tpu.memory_space<vmem_shared>>
        tpu.wait_dma2 semaphore(%run_scoped3A : memref<!tpu.dma_semaphore, #tpu.memory_space<semaphore_mem>>) src(%dma_wait3A_133 : memref<128x128xf32, #tpu.memory_space<vmem_shared>>) dst(%dma_wait3A_131 : memref<128x128xf32, #tpu.memory_space<hbm>>)
        tpu.yield
      }) : () -> ()
    } else {
    }
    %add3A_91 = arith.constant 16 : i32
    %add3A_92 = arith.addi %arg1, %add3A_91 : i32
    %lt3A_93 = arith.constant 79 : i32
    %lt3A_94 = arith.cmpi slt, %add3A_92, %lt3A_93 : i32
    %convert_element_type3A_95 = arith.extui %lt3A_94 : i1 to i32
    %cond3A_96 = arith.constant 0 : i32
    %cond3A_97 = arith.cmpi ne, %convert_element_type3A_95, %cond3A_96 : i32
    scf.if %cond3A_97 {
      %mul3A_119 = arith.constant 128 : i32
      %mul3A_120 = arith.muli %add3A_92, %mul3A_119 : i32
      %add3A_121 = arith.constant 2 : i32
      %add3A_122 = arith.addi %add3A_121, %arg0 : i32
      %mul3A_123 = arith.constant 10112 : i32
      %mul3A_124 = arith.muli %add3A_122, %mul3A_123 : i32
      %mul3A_125 = arith.constant 128 : i32
      %mul3A_126 = arith.muli %add3A_92, %mul3A_125 : i32
      %add3A_127 = arith.addi %mul3A_124, %mul3A_126 : i32
      "tpu.region"() ({
        %run_scoped3A = tpu.sem_alloc : memref<!tpu.dma_semaphore, #tpu.memory_space<semaphore_mem>>
        %dma_start3A = arith.constant 0 : i32
        %dma_start3A_128 = tpu.memref_slice %arg6[%add3A_127, %dma_start3A] : memref<40448x128xf32, #tpu.memory_space<hbm>> -> memref<128x128xf32, #tpu.memory_space<hbm>>
        %dma_start3A_129 = arith.constant 0 : i32
        %dma_start3A_130 = tpu.memref_slice %arg11[%mul3A_120, %dma_start3A_129] : memref<10112x128xf32, #tpu.memory_space<vmem_shared>> -> memref<128x128xf32, #tpu.memory_space<vmem_shared>>
        tpu.enqueue_dma source(%dma_start3A_130 : memref<128x128xf32, #tpu.memory_space<vmem_shared>>) target(%dma_start3A_128 : memref<128x128xf32, #tpu.memory_space<hbm>>) target_semaphore(%run_scoped3A : memref<!tpu.dma_semaphore, #tpu.memory_space<semaphore_mem>>)
        %dma_wait3A = arith.constant 0 : i32
        %dma_wait3A_131 = tpu.memref_slice %arg6[%add3A_127, %dma_wait3A] : memref<40448x128xf32, #tpu.memory_space<hbm>> -> memref<128x128xf32, #tpu.memory_space<hbm>>
        %dma_wait3A_132 = arith.constant 0 : i32
        %dma_wait3A_133 = tpu.memref_slice %arg11[%mul3A_120, %dma_wait3A_132] : memref<10112x128xf32, #tpu.memory_space<vmem_shared>> -> memref<128x128xf32, #tpu.memory_space<vmem_shared>>
        tpu.wait_dma2 semaphore(%run_scoped3A : memref<!tpu.dma_semaphore, #tpu.memory_space<semaphore_mem>>) src(%dma_wait3A_133 : memref<128x128xf32, #tpu.memory_space<vmem_shared>>) dst(%dma_wait3A_131 : memref<128x128xf32, #tpu.memory_space<hbm>>)
        tpu.yield
      }) : () -> ()
    } else {
    }
    %add3A_98 = arith.constant 32 : i32
    %add3A_99 = arith.addi %arg1, %add3A_98 : i32
    %lt3A_100 = arith.constant 79 : i32
    %lt3A_101 = arith.cmpi slt, %add3A_99, %lt3A_100 : i32
    %convert_element_type3A_102 = arith.extui %lt3A_101 : i1 to i32
    %cond3A_103 = arith.constant 0 : i32
    %cond3A_104 = arith.cmpi ne, %convert_element_type3A_102, %cond3A_103 : i32
    scf.if %cond3A_104 {
      %mul3A_119 = arith.constant 128 : i32
      %mul3A_120 = arith.muli %add3A_99, %mul3A_119 : i32
      %add3A_121 = arith.constant 2 : i32
      %add3A_122 = arith.addi %add3A_121, %arg0 : i32
      %mul3A_123 = arith.constant 10112 : i32
      %mul3A_124 = arith.muli %add3A_122, %mul3A_123 : i32
      %mul3A_125 = arith.constant 128 : i32
      %mul3A_126 = arith.muli %add3A_99, %mul3A_125 : i32
      %add3A_127 = arith.addi %mul3A_124, %mul3A_126 : i32
      "tpu.region"() ({
        %run_scoped3A = tpu.sem_alloc : memref<!tpu.dma_semaphore, #tpu.memory_space<semaphore_mem>>
        %dma_start3A = arith.constant 0 : i32
        %dma_start3A_128 = tpu.memref_slice %arg6[%add3A_127, %dma_start3A] : memref<40448x128xf32, #tpu.memory_space<hbm>> -> memref<128x128xf32, #tpu.memory_space<hbm>>
        %dma_start3A_129 = arith.constant 0 : i32
        %dma_start3A_130 = tpu.memref_slice %arg11[%mul3A_120, %dma_start3A_129] : memref<10112x128xf32, #tpu.memory_space<vmem_shared>> -> memref<128x128xf32, #tpu.memory_space<vmem_shared>>
        tpu.enqueue_dma source(%dma_start3A_130 : memref<128x128xf32, #tpu.memory_space<vmem_shared>>) target(%dma_start3A_128 : memref<128x128xf32, #tpu.memory_space<hbm>>) target_semaphore(%run_scoped3A : memref<!tpu.dma_semaphore, #tpu.memory_space<semaphore_mem>>)
        %dma_wait3A = arith.constant 0 : i32
        %dma_wait3A_131 = tpu.memref_slice %arg6[%add3A_127, %dma_wait3A] : memref<40448x128xf32, #tpu.memory_space<hbm>> -> memref<128x128xf32, #tpu.memory_space<hbm>>
        %dma_wait3A_132 = arith.constant 0 : i32
        %dma_wait3A_133 = tpu.memref_slice %arg11[%mul3A_120, %dma_wait3A_132] : memref<10112x128xf32, #tpu.memory_space<vmem_shared>> -> memref<128x128xf32, #tpu.memory_space<vmem_shared>>
        tpu.wait_dma2 semaphore(%run_scoped3A : memref<!tpu.dma_semaphore, #tpu.memory_space<semaphore_mem>>) src(%dma_wait3A_133 : memref<128x128xf32, #tpu.memory_space<vmem_shared>>) dst(%dma_wait3A_131 : memref<128x128xf32, #tpu.memory_space<hbm>>)
        tpu.yield
      }) : () -> ()
    } else {
    }
    %add3A_105 = arith.constant 48 : i32
    %add3A_106 = arith.addi %arg1, %add3A_105 : i32
    %lt3A_107 = arith.constant 79 : i32
    %lt3A_108 = arith.cmpi slt, %add3A_106, %lt3A_107 : i32
    %convert_element_type3A_109 = arith.extui %lt3A_108 : i1 to i32
    %cond3A_110 = arith.constant 0 : i32
    %cond3A_111 = arith.cmpi ne, %convert_element_type3A_109, %cond3A_110 : i32
    scf.if %cond3A_111 {
      %mul3A_119 = arith.constant 128 : i32
      %mul3A_120 = arith.muli %add3A_106, %mul3A_119 : i32
      %add3A_121 = arith.constant 2 : i32
      %add3A_122 = arith.addi %add3A_121, %arg0 : i32
      %mul3A_123 = arith.constant 10112 : i32
      %mul3A_124 = arith.muli %add3A_122, %mul3A_123 : i32
      %mul3A_125 = arith.constant 128 : i32
      %mul3A_126 = arith.muli %add3A_106, %mul3A_125 : i32
      %add3A_127 = arith.addi %mul3A_124, %mul3A_126 : i32
      "tpu.region"() ({
        %run_scoped3A = tpu.sem_alloc : memref<!tpu.dma_semaphore, #tpu.memory_space<semaphore_mem>>
        %dma_start3A = arith.constant 0 : i32
        %dma_start3A_128 = tpu.memref_slice %arg6[%add3A_127, %dma_start3A] : memref<40448x128xf32, #tpu.memory_space<hbm>> -> memref<128x128xf32, #tpu.memory_space<hbm>>
        %dma_start3A_129 = arith.constant 0 : i32
        %dma_start3A_130 = tpu.memref_slice %arg11[%mul3A_120, %dma_start3A_129] : memref<10112x128xf32, #tpu.memory_space<vmem_shared>> -> memref<128x128xf32, #tpu.memory_space<vmem_shared>>
        tpu.enqueue_dma source(%dma_start3A_130 : memref<128x128xf32, #tpu.memory_space<vmem_shared>>) target(%dma_start3A_128 : memref<128x128xf32, #tpu.memory_space<hbm>>) target_semaphore(%run_scoped3A : memref<!tpu.dma_semaphore, #tpu.memory_space<semaphore_mem>>)
        %dma_wait3A = arith.constant 0 : i32
        %dma_wait3A_131 = tpu.memref_slice %arg6[%add3A_127, %dma_wait3A] : memref<40448x128xf32, #tpu.memory_space<hbm>> -> memref<128x128xf32, #tpu.memory_space<hbm>>
        %dma_wait3A_132 = arith.constant 0 : i32
        %dma_wait3A_133 = tpu.memref_slice %arg11[%mul3A_120, %dma_wait3A_132] : memref<10112x128xf32, #tpu.memory_space<vmem_shared>> -> memref<128x128xf32, #tpu.memory_space<vmem_shared>>
        tpu.wait_dma2 semaphore(%run_scoped3A : memref<!tpu.dma_semaphore, #tpu.memory_space<semaphore_mem>>) src(%dma_wait3A_133 : memref<128x128xf32, #tpu.memory_space<vmem_shared>>) dst(%dma_wait3A_131 : memref<128x128xf32, #tpu.memory_space<hbm>>)
        tpu.yield
      }) : () -> ()
    } else {
    }
    %add3A_112 = arith.constant 64 : i32
    %add3A_113 = arith.addi %arg1, %add3A_112 : i32
    %lt3A_114 = arith.constant 79 : i32
    %lt3A_115 = arith.cmpi slt, %add3A_113, %lt3A_114 : i32
    %convert_element_type3A_116 = arith.extui %lt3A_115 : i1 to i32
    %cond3A_117 = arith.constant 0 : i32
    %cond3A_118 = arith.cmpi ne, %convert_element_type3A_116, %cond3A_117 : i32
    scf.if %cond3A_118 {
      %mul3A_119 = arith.constant 128 : i32
      %mul3A_120 = arith.muli %add3A_113, %mul3A_119 : i32
      %add3A_121 = arith.constant 2 : i32
      %add3A_122 = arith.addi %add3A_121, %arg0 : i32
      %mul3A_123 = arith.constant 10112 : i32
      %mul3A_124 = arith.muli %add3A_122, %mul3A_123 : i32
      %mul3A_125 = arith.constant 128 : i32
      %mul3A_126 = arith.muli %add3A_113, %mul3A_125 : i32
      %add3A_127 = arith.addi %mul3A_124, %mul3A_126 : i32
      "tpu.region"() ({
        %run_scoped3A = tpu.sem_alloc : memref<!tpu.dma_semaphore, #tpu.memory_space<semaphore_mem>>
        %dma_start3A = arith.constant 0 : i32
        %dma_start3A_128 = tpu.memref_slice %arg6[%add3A_127, %dma_start3A] : memref<40448x128xf32, #tpu.memory_space<hbm>> -> memref<128x128xf32, #tpu.memory_space<hbm>>
        %dma_start3A_129 = arith.constant 0 : i32
        %dma_start3A_130 = tpu.memref_slice %arg11[%mul3A_120, %dma_start3A_129] : memref<10112x128xf32, #tpu.memory_space<vmem_shared>> -> memref<128x128xf32, #tpu.memory_space<vmem_shared>>
        tpu.enqueue_dma source(%dma_start3A_130 : memref<128x128xf32, #tpu.memory_space<vmem_shared>>) target(%dma_start3A_128 : memref<128x128xf32, #tpu.memory_space<hbm>>) target_semaphore(%run_scoped3A : memref<!tpu.dma_semaphore, #tpu.memory_space<semaphore_mem>>)
        %dma_wait3A = arith.constant 0 : i32
        %dma_wait3A_131 = tpu.memref_slice %arg6[%add3A_127, %dma_wait3A] : memref<40448x128xf32, #tpu.memory_space<hbm>> -> memref<128x128xf32, #tpu.memory_space<hbm>>
        %dma_wait3A_132 = arith.constant 0 : i32
        %dma_wait3A_133 = tpu.memref_slice %arg11[%mul3A_120, %dma_wait3A_132] : memref<10112x128xf32, #tpu.memory_space<vmem_shared>> -> memref<128x128xf32, #tpu.memory_space<vmem_shared>>
        tpu.wait_dma2 semaphore(%run_scoped3A : memref<!tpu.dma_semaphore, #tpu.memory_space<semaphore_mem>>) src(%dma_wait3A_133 : memref<128x128xf32, #tpu.memory_space<vmem_shared>>) dst(%dma_wait3A_131 : memref<128x128xf32, #tpu.memory_space<hbm>>)
        tpu.yield
      }) : () -> ()
    } else {
    }
    return
  }
}

#map = affine_map<(d0, d1) -> (0, 0)>
#map1 = affine_map<(d0, d1) -> (0)>
module attributes {stable_mosaic.version = 14 : i64} {
  func.func @_sc_gs_body(%arg0: i32, %arg1: i32, %arg2: memref<10112x128xf32, #tpu.memory_space<hbm>>, %arg3: memref<323584xi32, #tpu.memory_space<hbm>>, %arg4: memref<323584xi32, #tpu.memory_space<hbm>>, %arg5: memref<128x128xf32, #tpu.memory_space<hbm>>, %arg6: memref<20224x128xf32, #tpu.memory_space<hbm>>, %arg7: memref<128xi32, #tpu.memory_space<vmem>>, %arg8: memref<128xi32, #tpu.memory_space<vmem>>, %arg9: memref<128xi32, #tpu.memory_space<vmem>>, %arg10: memref<128xi32, #tpu.memory_space<vmem>>, %arg11: memref<128x128xf32, #tpu.memory_space<vmem>>, %arg12: memref<128x128xf32, #tpu.memory_space<vmem>>, %arg13: memref<10112x128xf32, #tpu.memory_space<vmem_shared>>, %arg14: memref<!tpu.dma_semaphore, #tpu.memory_space<semaphore_mem>>, %arg15: memref<!tpu.dma_semaphore, #tpu.memory_space<semaphore_mem>>) attributes {dimension_semantics = [#tpu.dimension_semantics<core_parallel>, #tpu.dimension_semantics<subcore_parallel>], iteration_bounds = array<i64: 2, 16>, scalar_prefetch = 0 : i64, scratch_operands = 9 : i64, tpu.core_type = #tpu.core_type<sc_vector_subcore>, window_params = [{transform_indices = #map}, {transform_indices = #map1}, {transform_indices = #map1}, {transform_indices = #map}, {transform_indices = #map}]} {
    %mul3A = arith.constant 158 : i32
    %mul3A_0 = arith.muli %arg1, %mul3A : i32
    %mul3A_1 = arith.constant 129 : i32
    %mul3A_2 = arith.muli %arg0, %mul3A_1 : i32
    %add3A = arith.addi %mul3A_0, %mul3A_2 : i32
    %mul3A_3 = arith.constant 128 : i32
    %mul3A_4 = arith.muli %add3A, %mul3A_3 : i32
    %eq3A = arith.constant 0 : i32
    %eq3A_5 = arith.cmpi eq, %arg0, %eq3A : i32
    %jit3A = arith.constant 129 : i32
    %jit3A_6 = arith.constant 29 : i32
    %select_n3A = arith.select %eq3A_5, %jit3A, %jit3A_6 : i32
    "tpu.region"() ({
      %run_scoped3A = tpu.sem_alloc : memref<!tpu.dma_semaphore, #tpu.memory_space<semaphore_mem>>
      tpu.enqueue_dma source(%arg5 : memref<128x128xf32, #tpu.memory_space<hbm>>) target(%arg11 : memref<128x128xf32, #tpu.memory_space<vmem>>) target_semaphore(%run_scoped3A : memref<!tpu.dma_semaphore, #tpu.memory_space<semaphore_mem>>)
      tpu.wait_dma2 semaphore(%run_scoped3A : memref<!tpu.dma_semaphore, #tpu.memory_space<semaphore_mem>>) src(%arg5 : memref<128x128xf32, #tpu.memory_space<hbm>>) dst(%arg11 : memref<128x128xf32, #tpu.memory_space<vmem>>)
      tpu.yield
    }) : () -> ()
    %add3A_7 = arith.constant 0 : i32
    %add3A_8 = arith.addi %arg1, %add3A_7 : i32
    %lt3A = arith.constant 79 : i32
    %lt3A_9 = arith.cmpi slt, %add3A_8, %lt3A : i32
    %convert_element_type3A = arith.extui %lt3A_9 : i1 to i32
    %cond3A = arith.constant 0 : i32
    %cond3A_10 = arith.cmpi ne, %convert_element_type3A, %cond3A : i32
    scf.if %cond3A_10 {
      %mul3A_108 = arith.constant 128 : i32
      %mul3A_109 = arith.muli %add3A_8, %mul3A_108 : i32
      "tpu.region"() ({
        %run_scoped3A = tpu.sem_alloc : memref<!tpu.dma_semaphore, #tpu.memory_space<semaphore_mem>>
        %dma_start3A_110 = arith.constant 0 : i32
        %dma_start3A_111 = tpu.memref_slice %arg13[%mul3A_109, %dma_start3A_110] : memref<10112x128xf32, #tpu.memory_space<vmem_shared>> -> memref<128x128xf32, #tpu.memory_space<vmem_shared>>
        %dma_start3A_112 = arith.constant 0 : i32
        %dma_start3A_113 = tpu.memref_slice %arg13[%mul3A_109, %dma_start3A_112] : memref<10112x128xf32, #tpu.memory_space<vmem_shared>> -> memref<128x128xf32, #tpu.memory_space<vmem_shared>>
        tpu.enqueue_dma source(%arg11 : memref<128x128xf32, #tpu.memory_space<vmem>>) target(%dma_start3A_113 : memref<128x128xf32, #tpu.memory_space<vmem_shared>>) target_semaphore(%run_scoped3A : memref<!tpu.dma_semaphore, #tpu.memory_space<semaphore_mem>>)
        %dma_wait3A_114 = arith.constant 0 : i32
        %dma_wait3A_115 = tpu.memref_slice %arg13[%mul3A_109, %dma_wait3A_114] : memref<10112x128xf32, #tpu.memory_space<vmem_shared>> -> memref<128x128xf32, #tpu.memory_space<vmem_shared>>
        %dma_wait3A_116 = arith.constant 0 : i32
        %dma_wait3A_117 = tpu.memref_slice %arg13[%mul3A_109, %dma_wait3A_116] : memref<10112x128xf32, #tpu.memory_space<vmem_shared>> -> memref<128x128xf32, #tpu.memory_space<vmem_shared>>
        tpu.wait_dma2 semaphore(%run_scoped3A : memref<!tpu.dma_semaphore, #tpu.memory_space<semaphore_mem>>) src(%arg11 : memref<128x128xf32, #tpu.memory_space<vmem>>) dst(%dma_wait3A_117 : memref<128x128xf32, #tpu.memory_space<vmem_shared>>)
        tpu.yield
      }) : () -> ()
    } else {
    }
    %add3A_11 = arith.constant 16 : i32
    %add3A_12 = arith.addi %arg1, %add3A_11 : i32
    %lt3A_13 = arith.constant 79 : i32
    %lt3A_14 = arith.cmpi slt, %add3A_12, %lt3A_13 : i32
    %convert_element_type3A_15 = arith.extui %lt3A_14 : i1 to i32
    %cond3A_16 = arith.constant 0 : i32
    %cond3A_17 = arith.cmpi ne, %convert_element_type3A_15, %cond3A_16 : i32
    scf.if %cond3A_17 {
      %mul3A_108 = arith.constant 128 : i32
      %mul3A_109 = arith.muli %add3A_12, %mul3A_108 : i32
      "tpu.region"() ({
        %run_scoped3A = tpu.sem_alloc : memref<!tpu.dma_semaphore, #tpu.memory_space<semaphore_mem>>
        %dma_start3A_110 = arith.constant 0 : i32
        %dma_start3A_111 = tpu.memref_slice %arg13[%mul3A_109, %dma_start3A_110] : memref<10112x128xf32, #tpu.memory_space<vmem_shared>> -> memref<128x128xf32, #tpu.memory_space<vmem_shared>>
        %dma_start3A_112 = arith.constant 0 : i32
        %dma_start3A_113 = tpu.memref_slice %arg13[%mul3A_109, %dma_start3A_112] : memref<10112x128xf32, #tpu.memory_space<vmem_shared>> -> memref<128x128xf32, #tpu.memory_space<vmem_shared>>
        tpu.enqueue_dma source(%arg11 : memref<128x128xf32, #tpu.memory_space<vmem>>) target(%dma_start3A_113 : memref<128x128xf32, #tpu.memory_space<vmem_shared>>) target_semaphore(%run_scoped3A : memref<!tpu.dma_semaphore, #tpu.memory_space<semaphore_mem>>)
        %dma_wait3A_114 = arith.constant 0 : i32
        %dma_wait3A_115 = tpu.memref_slice %arg13[%mul3A_109, %dma_wait3A_114] : memref<10112x128xf32, #tpu.memory_space<vmem_shared>> -> memref<128x128xf32, #tpu.memory_space<vmem_shared>>
        %dma_wait3A_116 = arith.constant 0 : i32
        %dma_wait3A_117 = tpu.memref_slice %arg13[%mul3A_109, %dma_wait3A_116] : memref<10112x128xf32, #tpu.memory_space<vmem_shared>> -> memref<128x128xf32, #tpu.memory_space<vmem_shared>>
        tpu.wait_dma2 semaphore(%run_scoped3A : memref<!tpu.dma_semaphore, #tpu.memory_space<semaphore_mem>>) src(%arg11 : memref<128x128xf32, #tpu.memory_space<vmem>>) dst(%dma_wait3A_117 : memref<128x128xf32, #tpu.memory_space<vmem_shared>>)
        tpu.yield
      }) : () -> ()
    } else {
    }
    %add3A_18 = arith.constant 32 : i32
    %add3A_19 = arith.addi %arg1, %add3A_18 : i32
    %lt3A_20 = arith.constant 79 : i32
    %lt3A_21 = arith.cmpi slt, %add3A_19, %lt3A_20 : i32
    %convert_element_type3A_22 = arith.extui %lt3A_21 : i1 to i32
    %cond3A_23 = arith.constant 0 : i32
    %cond3A_24 = arith.cmpi ne, %convert_element_type3A_22, %cond3A_23 : i32
    scf.if %cond3A_24 {
      %mul3A_108 = arith.constant 128 : i32
      %mul3A_109 = arith.muli %add3A_19, %mul3A_108 : i32
      "tpu.region"() ({
        %run_scoped3A = tpu.sem_alloc : memref<!tpu.dma_semaphore, #tpu.memory_space<semaphore_mem>>
        %dma_start3A_110 = arith.constant 0 : i32
        %dma_start3A_111 = tpu.memref_slice %arg13[%mul3A_109, %dma_start3A_110] : memref<10112x128xf32, #tpu.memory_space<vmem_shared>> -> memref<128x128xf32, #tpu.memory_space<vmem_shared>>
        %dma_start3A_112 = arith.constant 0 : i32
        %dma_start3A_113 = tpu.memref_slice %arg13[%mul3A_109, %dma_start3A_112] : memref<10112x128xf32, #tpu.memory_space<vmem_shared>> -> memref<128x128xf32, #tpu.memory_space<vmem_shared>>
        tpu.enqueue_dma source(%arg11 : memref<128x128xf32, #tpu.memory_space<vmem>>) target(%dma_start3A_113 : memref<128x128xf32, #tpu.memory_space<vmem_shared>>) target_semaphore(%run_scoped3A : memref<!tpu.dma_semaphore, #tpu.memory_space<semaphore_mem>>)
        %dma_wait3A_114 = arith.constant 0 : i32
        %dma_wait3A_115 = tpu.memref_slice %arg13[%mul3A_109, %dma_wait3A_114] : memref<10112x128xf32, #tpu.memory_space<vmem_shared>> -> memref<128x128xf32, #tpu.memory_space<vmem_shared>>
        %dma_wait3A_116 = arith.constant 0 : i32
        %dma_wait3A_117 = tpu.memref_slice %arg13[%mul3A_109, %dma_wait3A_116] : memref<10112x128xf32, #tpu.memory_space<vmem_shared>> -> memref<128x128xf32, #tpu.memory_space<vmem_shared>>
        tpu.wait_dma2 semaphore(%run_scoped3A : memref<!tpu.dma_semaphore, #tpu.memory_space<semaphore_mem>>) src(%arg11 : memref<128x128xf32, #tpu.memory_space<vmem>>) dst(%dma_wait3A_117 : memref<128x128xf32, #tpu.memory_space<vmem_shared>>)
        tpu.yield
      }) : () -> ()
    } else {
    }
    %add3A_25 = arith.constant 48 : i32
    %add3A_26 = arith.addi %arg1, %add3A_25 : i32
    %lt3A_27 = arith.constant 79 : i32
    %lt3A_28 = arith.cmpi slt, %add3A_26, %lt3A_27 : i32
    %convert_element_type3A_29 = arith.extui %lt3A_28 : i1 to i32
    %cond3A_30 = arith.constant 0 : i32
    %cond3A_31 = arith.cmpi ne, %convert_element_type3A_29, %cond3A_30 : i32
    scf.if %cond3A_31 {
      %mul3A_108 = arith.constant 128 : i32
      %mul3A_109 = arith.muli %add3A_26, %mul3A_108 : i32
      "tpu.region"() ({
        %run_scoped3A = tpu.sem_alloc : memref<!tpu.dma_semaphore, #tpu.memory_space<semaphore_mem>>
        %dma_start3A_110 = arith.constant 0 : i32
        %dma_start3A_111 = tpu.memref_slice %arg13[%mul3A_109, %dma_start3A_110] : memref<10112x128xf32, #tpu.memory_space<vmem_shared>> -> memref<128x128xf32, #tpu.memory_space<vmem_shared>>
        %dma_start3A_112 = arith.constant 0 : i32
        %dma_start3A_113 = tpu.memref_slice %arg13[%mul3A_109, %dma_start3A_112] : memref<10112x128xf32, #tpu.memory_space<vmem_shared>> -> memref<128x128xf32, #tpu.memory_space<vmem_shared>>
        tpu.enqueue_dma source(%arg11 : memref<128x128xf32, #tpu.memory_space<vmem>>) target(%dma_start3A_113 : memref<128x128xf32, #tpu.memory_space<vmem_shared>>) target_semaphore(%run_scoped3A : memref<!tpu.dma_semaphore, #tpu.memory_space<semaphore_mem>>)
        %dma_wait3A_114 = arith.constant 0 : i32
        %dma_wait3A_115 = tpu.memref_slice %arg13[%mul3A_109, %dma_wait3A_114] : memref<10112x128xf32, #tpu.memory_space<vmem_shared>> -> memref<128x128xf32, #tpu.memory_space<vmem_shared>>
        %dma_wait3A_116 = arith.constant 0 : i32
        %dma_wait3A_117 = tpu.memref_slice %arg13[%mul3A_109, %dma_wait3A_116] : memref<10112x128xf32, #tpu.memory_space<vmem_shared>> -> memref<128x128xf32, #tpu.memory_space<vmem_shared>>
        tpu.wait_dma2 semaphore(%run_scoped3A : memref<!tpu.dma_semaphore, #tpu.memory_space<semaphore_mem>>) src(%arg11 : memref<128x128xf32, #tpu.memory_space<vmem>>) dst(%dma_wait3A_117 : memref<128x128xf32, #tpu.memory_space<vmem_shared>>)
        tpu.yield
      }) : () -> ()
    } else {
    }
    %add3A_32 = arith.constant 64 : i32
    %add3A_33 = arith.addi %arg1, %add3A_32 : i32
    %lt3A_34 = arith.constant 79 : i32
    %lt3A_35 = arith.cmpi slt, %add3A_33, %lt3A_34 : i32
    %convert_element_type3A_36 = arith.extui %lt3A_35 : i1 to i32
    %cond3A_37 = arith.constant 0 : i32
    %cond3A_38 = arith.cmpi ne, %convert_element_type3A_36, %cond3A_37 : i32
    scf.if %cond3A_38 {
      %mul3A_108 = arith.constant 128 : i32
      %mul3A_109 = arith.muli %add3A_33, %mul3A_108 : i32
      "tpu.region"() ({
        %run_scoped3A = tpu.sem_alloc : memref<!tpu.dma_semaphore, #tpu.memory_space<semaphore_mem>>
        %dma_start3A_110 = arith.constant 0 : i32
        %dma_start3A_111 = tpu.memref_slice %arg13[%mul3A_109, %dma_start3A_110] : memref<10112x128xf32, #tpu.memory_space<vmem_shared>> -> memref<128x128xf32, #tpu.memory_space<vmem_shared>>
        %dma_start3A_112 = arith.constant 0 : i32
        %dma_start3A_113 = tpu.memref_slice %arg13[%mul3A_109, %dma_start3A_112] : memref<10112x128xf32, #tpu.memory_space<vmem_shared>> -> memref<128x128xf32, #tpu.memory_space<vmem_shared>>
        tpu.enqueue_dma source(%arg11 : memref<128x128xf32, #tpu.memory_space<vmem>>) target(%dma_start3A_113 : memref<128x128xf32, #tpu.memory_space<vmem_shared>>) target_semaphore(%run_scoped3A : memref<!tpu.dma_semaphore, #tpu.memory_space<semaphore_mem>>)
        %dma_wait3A_114 = arith.constant 0 : i32
        %dma_wait3A_115 = tpu.memref_slice %arg13[%mul3A_109, %dma_wait3A_114] : memref<10112x128xf32, #tpu.memory_space<vmem_shared>> -> memref<128x128xf32, #tpu.memory_space<vmem_shared>>
        %dma_wait3A_116 = arith.constant 0 : i32
        %dma_wait3A_117 = tpu.memref_slice %arg13[%mul3A_109, %dma_wait3A_116] : memref<10112x128xf32, #tpu.memory_space<vmem_shared>> -> memref<128x128xf32, #tpu.memory_space<vmem_shared>>
        tpu.wait_dma2 semaphore(%run_scoped3A : memref<!tpu.dma_semaphore, #tpu.memory_space<semaphore_mem>>) src(%arg11 : memref<128x128xf32, #tpu.memory_space<vmem>>) dst(%dma_wait3A_117 : memref<128x128xf32, #tpu.memory_space<vmem_shared>>)
        tpu.yield
      }) : () -> ()
    } else {
    }
    %barrier3A = arith.constant 0 : index
    tpu.barrier barrier_id(%barrier3A)
    "tpu.region"() ({
      %run_scoped3A = tpu.sem_alloc : memref<!tpu.dma_semaphore, #tpu.memory_space<semaphore_mem>>
      %dma_start3A_108 = tpu.memref_slice %arg3[%mul3A_4] : memref<323584xi32, #tpu.memory_space<hbm>> -> memref<128xi32, #tpu.memory_space<hbm>>
      %dma_start3A_109 = tpu.memref_slice %arg3[%mul3A_4] : memref<323584xi32, #tpu.memory_space<hbm>> -> memref<128xi32, #tpu.memory_space<hbm>>
      tpu.enqueue_dma source(%dma_start3A_109 : memref<128xi32, #tpu.memory_space<hbm>>) target(%arg7 : memref<128xi32, #tpu.memory_space<vmem>>) target_semaphore(%run_scoped3A : memref<!tpu.dma_semaphore, #tpu.memory_space<semaphore_mem>>)
      %dma_wait3A_110 = tpu.memref_slice %arg3[%mul3A_4] : memref<323584xi32, #tpu.memory_space<hbm>> -> memref<128xi32, #tpu.memory_space<hbm>>
      %dma_wait3A_111 = tpu.memref_slice %arg3[%mul3A_4] : memref<323584xi32, #tpu.memory_space<hbm>> -> memref<128xi32, #tpu.memory_space<hbm>>
      tpu.wait_dma2 semaphore(%run_scoped3A : memref<!tpu.dma_semaphore, #tpu.memory_space<semaphore_mem>>) src(%dma_wait3A_111 : memref<128xi32, #tpu.memory_space<hbm>>) dst(%arg7 : memref<128xi32, #tpu.memory_space<vmem>>)
      tpu.yield
    }) : () -> ()
    "tpu.region"() ({
      %run_scoped3A = tpu.sem_alloc : memref<!tpu.dma_semaphore, #tpu.memory_space<semaphore_mem>>
      %dma_start3A_108 = tpu.memref_slice %arg4[%mul3A_4] : memref<323584xi32, #tpu.memory_space<hbm>> -> memref<128xi32, #tpu.memory_space<hbm>>
      %dma_start3A_109 = tpu.memref_slice %arg4[%mul3A_4] : memref<323584xi32, #tpu.memory_space<hbm>> -> memref<128xi32, #tpu.memory_space<hbm>>
      tpu.enqueue_dma source(%dma_start3A_109 : memref<128xi32, #tpu.memory_space<hbm>>) target(%arg9 : memref<128xi32, #tpu.memory_space<vmem>>) target_semaphore(%run_scoped3A : memref<!tpu.dma_semaphore, #tpu.memory_space<semaphore_mem>>)
      %dma_wait3A_110 = tpu.memref_slice %arg4[%mul3A_4] : memref<323584xi32, #tpu.memory_space<hbm>> -> memref<128xi32, #tpu.memory_space<hbm>>
      %dma_wait3A_111 = tpu.memref_slice %arg4[%mul3A_4] : memref<323584xi32, #tpu.memory_space<hbm>> -> memref<128xi32, #tpu.memory_space<hbm>>
      tpu.wait_dma2 semaphore(%run_scoped3A : memref<!tpu.dma_semaphore, #tpu.memory_space<semaphore_mem>>) src(%dma_wait3A_111 : memref<128xi32, #tpu.memory_space<hbm>>) dst(%arg9 : memref<128xi32, #tpu.memory_space<vmem>>)
      tpu.yield
    }) : () -> ()
    %dma_start3A = arith.constant 0 : i32
    %dma_start3A_39 = arith.constant 0 : i32
    %dma_start3A_40 = tpu.memref_slice %arg2[%dma_start3A, %dma_start3A_39] : memref<10112x128xf32, #tpu.memory_space<hbm>> -> memref<10112x128xf32, #tpu.memory_space<hbm>>
    tpu.enqueue_indirect_dma source(%dma_start3A_40 : memref<10112x128xf32, #tpu.memory_space<hbm>>) target(%arg11 : memref<128x128xf32, #tpu.memory_space<vmem>>) offsets(%arg7 : memref<128xi32, #tpu.memory_space<vmem>>) semaphore(%arg14 : memref<!tpu.dma_semaphore, #tpu.memory_space<semaphore_mem>>)
    %sub3A = arith.constant 1 : i32
    %sub3A_41 = arith.subi %select_n3A, %sub3A : i32
    %jit3A_42 = arith.constant 2 : i32
    %div3A = arith.divsi %sub3A_41, %jit3A_42 : i32
    %sign3A = arith.constant 0 : i32
    %sign3A_43 = arith.cmpi sgt, %sub3A_41, %sign3A : i32
    %sign3A_44 = arith.extui %sign3A_43 : i1 to i32
    %sign3A_45 = arith.constant 0 : i32
    %sign3A_46 = arith.cmpi slt, %sub3A_41, %sign3A_45 : i32
    %sign3A_47 = arith.extui %sign3A_46 : i1 to i32
    %sign3A_48 = arith.subi %sign3A_44, %sign3A_47 : i32
    %sign3A_49 = arith.constant 0 : i32
    %sign3A_50 = arith.cmpi sgt, %jit3A_42, %sign3A_49 : i32
    %sign3A_51 = arith.extui %sign3A_50 : i1 to i32
    %sign3A_52 = arith.constant 0 : i32
    %sign3A_53 = arith.cmpi slt, %jit3A_42, %sign3A_52 : i32
    %sign3A_54 = arith.extui %sign3A_53 : i1 to i32
    %sign3A_55 = arith.subi %sign3A_51, %sign3A_54 : i32
    %ne3A = arith.cmpi ne, %sign3A_48, %sign3A_55 : i32
    %rem3A = arith.remsi %sub3A_41, %jit3A_42 : i32
    %ne3A_56 = arith.constant 0 : i32
    %ne3A_57 = arith.cmpi ne, %rem3A, %ne3A_56 : i32
    %and3A = arith.andi %ne3A, %ne3A_57 : i1
    %sub3A_58 = arith.constant 1 : i32
    %sub3A_59 = arith.subi %div3A, %sub3A_58 : i32
    %select_n3A_60 = arith.select %and3A, %sub3A_59, %div3A : i32
    %while3A = arith.constant 0 : i32
    %while3A_61 = arith.constant 0 : i32
    %while3A_62 = arith.subi %select_n3A_60, %while3A_61 : i32
    %while3A_63 = arith.addi %while3A_61, %while3A_62 : i32
    %while3A_64 = arith.constant 1 : i32
    %while3A_65 = arith.divsi %while3A_62, %while3A_64 : i32
    %while3A_66 = arith.muli %while3A_65, %while3A_64 : i32
    %while3A_67 = arith.addi %while3A_61, %while3A_66 : i32
    %while3A_68 = arith.constant 1 : i32
    scf.for %while3A_108 = %while3A_61 to %while3A_67 step %while3A_68  : i32 {
      %mul3A_109 = arith.constant 2 : i32
      %mul3A_110 = arith.muli %mul3A_109, %while3A_108 : i32
      %add3A_111 = arith.constant 1 : i32
      %add3A_112 = arith.addi %mul3A_110, %add3A_111 : i32
      %mul3A_113 = arith.constant 128 : i32
      %mul3A_114 = arith.muli %add3A_112, %mul3A_113 : i32
      %add3A_115 = arith.addi %mul3A_4, %mul3A_114 : i32
      "tpu.region"() ({
        %run_scoped3A = tpu.sem_alloc : memref<!tpu.dma_semaphore, #tpu.memory_space<semaphore_mem>>
        %dma_start3A_135 = tpu.memref_slice %arg3[%add3A_115] : memref<323584xi32, #tpu.memory_space<hbm>> -> memref<128xi32, #tpu.memory_space<hbm>>
        %dma_start3A_136 = tpu.memref_slice %arg3[%add3A_115] : memref<323584xi32, #tpu.memory_space<hbm>> -> memref<128xi32, #tpu.memory_space<hbm>>
        tpu.enqueue_dma source(%dma_start3A_136 : memref<128xi32, #tpu.memory_space<hbm>>) target(%arg8 : memref<128xi32, #tpu.memory_space<vmem>>) target_semaphore(%run_scoped3A : memref<!tpu.dma_semaphore, #tpu.memory_space<semaphore_mem>>)
        %dma_wait3A_137 = tpu.memref_slice %arg3[%add3A_115] : memref<323584xi32, #tpu.memory_space<hbm>> -> memref<128xi32, #tpu.memory_space<hbm>>
        %dma_wait3A_138 = tpu.memref_slice %arg3[%add3A_115] : memref<323584xi32, #tpu.memory_space<hbm>> -> memref<128xi32, #tpu.memory_space<hbm>>
        tpu.wait_dma2 semaphore(%run_scoped3A : memref<!tpu.dma_semaphore, #tpu.memory_space<semaphore_mem>>) src(%dma_wait3A_138 : memref<128xi32, #tpu.memory_space<hbm>>) dst(%arg8 : memref<128xi32, #tpu.memory_space<vmem>>)
        tpu.yield
      }) : () -> ()
      "tpu.region"() ({
        %run_scoped3A = tpu.sem_alloc : memref<!tpu.dma_semaphore, #tpu.memory_space<semaphore_mem>>
        %dma_start3A_135 = tpu.memref_slice %arg4[%add3A_115] : memref<323584xi32, #tpu.memory_space<hbm>> -> memref<128xi32, #tpu.memory_space<hbm>>
        %dma_start3A_136 = tpu.memref_slice %arg4[%add3A_115] : memref<323584xi32, #tpu.memory_space<hbm>> -> memref<128xi32, #tpu.memory_space<hbm>>
        tpu.enqueue_dma source(%dma_start3A_136 : memref<128xi32, #tpu.memory_space<hbm>>) target(%arg10 : memref<128xi32, #tpu.memory_space<vmem>>) target_semaphore(%run_scoped3A : memref<!tpu.dma_semaphore, #tpu.memory_space<semaphore_mem>>)
        %dma_wait3A_137 = tpu.memref_slice %arg4[%add3A_115] : memref<323584xi32, #tpu.memory_space<hbm>> -> memref<128xi32, #tpu.memory_space<hbm>>
        %dma_wait3A_138 = tpu.memref_slice %arg4[%add3A_115] : memref<323584xi32, #tpu.memory_space<hbm>> -> memref<128xi32, #tpu.memory_space<hbm>>
        tpu.wait_dma2 semaphore(%run_scoped3A : memref<!tpu.dma_semaphore, #tpu.memory_space<semaphore_mem>>) src(%dma_wait3A_138 : memref<128xi32, #tpu.memory_space<hbm>>) dst(%arg10 : memref<128xi32, #tpu.memory_space<vmem>>)
        tpu.yield
      }) : () -> ()
      %dma_start3A_116 = arith.constant 0 : i32
      %dma_start3A_117 = arith.constant 0 : i32
      %dma_start3A_118 = tpu.memref_slice %arg2[%dma_start3A_116, %dma_start3A_117] : memref<10112x128xf32, #tpu.memory_space<hbm>> -> memref<10112x128xf32, #tpu.memory_space<hbm>>
      tpu.enqueue_indirect_dma source(%dma_start3A_118 : memref<10112x128xf32, #tpu.memory_space<hbm>>) target(%arg12 : memref<128x128xf32, #tpu.memory_space<vmem>>) offsets(%arg8 : memref<128xi32, #tpu.memory_space<vmem>>) semaphore(%arg15 : memref<!tpu.dma_semaphore, #tpu.memory_space<semaphore_mem>>)
      %dma_wait3A_119 = arith.constant 0 : i32
      %dma_wait3A_120 = arith.constant 0 : i32
      %dma_wait3A_121 = tpu.memref_slice %arg2[%dma_wait3A_119, %dma_wait3A_120] : memref<10112x128xf32, #tpu.memory_space<hbm>> -> memref<10112x128xf32, #tpu.memory_space<hbm>>
      tpu.wait_indirect_dma semaphore(%arg14 : memref<!tpu.dma_semaphore, #tpu.memory_space<semaphore_mem>>) src(%dma_wait3A_121 : memref<10112x128xf32, #tpu.memory_space<hbm>>) dst(%arg11 : memref<128x128xf32, #tpu.memory_space<vmem>>)
      "tpu.region"() ({
        %run_scoped3A = tpu.sem_alloc : memref<!tpu.dma_semaphore, #tpu.memory_space<semaphore_mem>>
        %dma_start3A_135 = arith.constant 0 : i32
        %dma_start3A_136 = arith.constant 0 : i32
        %dma_start3A_137 = tpu.memref_slice %arg13[%dma_start3A_135, %dma_start3A_136] : memref<10112x128xf32, #tpu.memory_space<vmem_shared>> -> memref<10112x128xf32, #tpu.memory_space<vmem_shared>>
        tpu.enqueue_indirect_dma source(%arg11 : memref<128x128xf32, #tpu.memory_space<vmem>>) target(%dma_start3A_137 : memref<10112x128xf32, #tpu.memory_space<vmem_shared>>) offsets(%arg9 : memref<128xi32, #tpu.memory_space<vmem>>) semaphore(%run_scoped3A : memref<!tpu.dma_semaphore, #tpu.memory_space<semaphore_mem>>) {add = true}
        %dma_wait3A_138 = arith.constant 0 : i32
        %dma_wait3A_139 = arith.constant 0 : i32
        %dma_wait3A_140 = tpu.memref_slice %arg13[%dma_wait3A_138, %dma_wait3A_139] : memref<10112x128xf32, #tpu.memory_space<vmem_shared>> -> memref<10112x128xf32, #tpu.memory_space<vmem_shared>>
        tpu.wait_indirect_dma semaphore(%run_scoped3A : memref<!tpu.dma_semaphore, #tpu.memory_space<semaphore_mem>>) src(%arg11 : memref<128x128xf32, #tpu.memory_space<vmem>>) dst(%dma_wait3A_140 : memref<10112x128xf32, #tpu.memory_space<vmem_shared>>)
        tpu.yield
      }) : () -> ()
      %mul3A_122 = arith.constant 2 : i32
      %mul3A_123 = arith.muli %mul3A_122, %while3A_108 : i32
      %add3A_124 = arith.constant 2 : i32
      %add3A_125 = arith.addi %mul3A_123, %add3A_124 : i32
      %mul3A_126 = arith.constant 128 : i32
      %mul3A_127 = arith.muli %add3A_125, %mul3A_126 : i32
      %add3A_128 = arith.addi %mul3A_4, %mul3A_127 : i32
      "tpu.region"() ({
        %run_scoped3A = tpu.sem_alloc : memref<!tpu.dma_semaphore, #tpu.memory_space<semaphore_mem>>
        %dma_start3A_135 = tpu.memref_slice %arg3[%add3A_128] : memref<323584xi32, #tpu.memory_space<hbm>> -> memref<128xi32, #tpu.memory_space<hbm>>
        %dma_start3A_136 = tpu.memref_slice %arg3[%add3A_128] : memref<323584xi32, #tpu.memory_space<hbm>> -> memref<128xi32, #tpu.memory_space<hbm>>
        tpu.enqueue_dma source(%dma_start3A_136 : memref<128xi32, #tpu.memory_space<hbm>>) target(%arg7 : memref<128xi32, #tpu.memory_space<vmem>>) target_semaphore(%run_scoped3A : memref<!tpu.dma_semaphore, #tpu.memory_space<semaphore_mem>>)
        %dma_wait3A_137 = tpu.memref_slice %arg3[%add3A_128] : memref<323584xi32, #tpu.memory_space<hbm>> -> memref<128xi32, #tpu.memory_space<hbm>>
        %dma_wait3A_138 = tpu.memref_slice %arg3[%add3A_128] : memref<323584xi32, #tpu.memory_space<hbm>> -> memref<128xi32, #tpu.memory_space<hbm>>
        tpu.wait_dma2 semaphore(%run_scoped3A : memref<!tpu.dma_semaphore, #tpu.memory_space<semaphore_mem>>) src(%dma_wait3A_138 : memref<128xi32, #tpu.memory_space<hbm>>) dst(%arg7 : memref<128xi32, #tpu.memory_space<vmem>>)
        tpu.yield
      }) : () -> ()
      "tpu.region"() ({
        %run_scoped3A = tpu.sem_alloc : memref<!tpu.dma_semaphore, #tpu.memory_space<semaphore_mem>>
        %dma_start3A_135 = tpu.memref_slice %arg4[%add3A_128] : memref<323584xi32, #tpu.memory_space<hbm>> -> memref<128xi32, #tpu.memory_space<hbm>>
        %dma_start3A_136 = tpu.memref_slice %arg4[%add3A_128] : memref<323584xi32, #tpu.memory_space<hbm>> -> memref<128xi32, #tpu.memory_space<hbm>>
        tpu.enqueue_dma source(%dma_start3A_136 : memref<128xi32, #tpu.memory_space<hbm>>) target(%arg9 : memref<128xi32, #tpu.memory_space<vmem>>) target_semaphore(%run_scoped3A : memref<!tpu.dma_semaphore, #tpu.memory_space<semaphore_mem>>)
        %dma_wait3A_137 = tpu.memref_slice %arg4[%add3A_128] : memref<323584xi32, #tpu.memory_space<hbm>> -> memref<128xi32, #tpu.memory_space<hbm>>
        %dma_wait3A_138 = tpu.memref_slice %arg4[%add3A_128] : memref<323584xi32, #tpu.memory_space<hbm>> -> memref<128xi32, #tpu.memory_space<hbm>>
        tpu.wait_dma2 semaphore(%run_scoped3A : memref<!tpu.dma_semaphore, #tpu.memory_space<semaphore_mem>>) src(%dma_wait3A_138 : memref<128xi32, #tpu.memory_space<hbm>>) dst(%arg9 : memref<128xi32, #tpu.memory_space<vmem>>)
        tpu.yield
      }) : () -> ()
      %dma_start3A_129 = arith.constant 0 : i32
      %dma_start3A_130 = arith.constant 0 : i32
      %dma_start3A_131 = tpu.memref_slice %arg2[%dma_start3A_129, %dma_start3A_130] : memref<10112x128xf32, #tpu.memory_space<hbm>> -> memref<10112x128xf32, #tpu.memory_space<hbm>>
      tpu.enqueue_indirect_dma source(%dma_start3A_131 : memref<10112x128xf32, #tpu.memory_space<hbm>>) target(%arg11 : memref<128x128xf32, #tpu.memory_space<vmem>>) offsets(%arg7 : memref<128xi32, #tpu.memory_space<vmem>>) semaphore(%arg14 : memref<!tpu.dma_semaphore, #tpu.memory_space<semaphore_mem>>)
      %dma_wait3A_132 = arith.constant 0 : i32
      %dma_wait3A_133 = arith.constant 0 : i32
      %dma_wait3A_134 = tpu.memref_slice %arg2[%dma_wait3A_132, %dma_wait3A_133] : memref<10112x128xf32, #tpu.memory_space<hbm>> -> memref<10112x128xf32, #tpu.memory_space<hbm>>
      tpu.wait_indirect_dma semaphore(%arg15 : memref<!tpu.dma_semaphore, #tpu.memory_space<semaphore_mem>>) src(%dma_wait3A_134 : memref<10112x128xf32, #tpu.memory_space<hbm>>) dst(%arg12 : memref<128x128xf32, #tpu.memory_space<vmem>>)
      "tpu.region"() ({
        %run_scoped3A = tpu.sem_alloc : memref<!tpu.dma_semaphore, #tpu.memory_space<semaphore_mem>>
        %dma_start3A_135 = arith.constant 0 : i32
        %dma_start3A_136 = arith.constant 0 : i32
        %dma_start3A_137 = tpu.memref_slice %arg13[%dma_start3A_135, %dma_start3A_136] : memref<10112x128xf32, #tpu.memory_space<vmem_shared>> -> memref<10112x128xf32, #tpu.memory_space<vmem_shared>>
        tpu.enqueue_indirect_dma source(%arg12 : memref<128x128xf32, #tpu.memory_space<vmem>>) target(%dma_start3A_137 : memref<10112x128xf32, #tpu.memory_space<vmem_shared>>) offsets(%arg10 : memref<128xi32, #tpu.memory_space<vmem>>) semaphore(%run_scoped3A : memref<!tpu.dma_semaphore, #tpu.memory_space<semaphore_mem>>) {add = true}
        %dma_wait3A_138 = arith.constant 0 : i32
        %dma_wait3A_139 = arith.constant 0 : i32
        %dma_wait3A_140 = tpu.memref_slice %arg13[%dma_wait3A_138, %dma_wait3A_139] : memref<10112x128xf32, #tpu.memory_space<vmem_shared>> -> memref<10112x128xf32, #tpu.memory_space<vmem_shared>>
        tpu.wait_indirect_dma semaphore(%run_scoped3A : memref<!tpu.dma_semaphore, #tpu.memory_space<semaphore_mem>>) src(%arg12 : memref<128x128xf32, #tpu.memory_space<vmem>>) dst(%dma_wait3A_140 : memref<10112x128xf32, #tpu.memory_space<vmem_shared>>)
        tpu.yield
      }) : () -> ()
    }
    %while3A_69 = arith.constant 1 : i32
    scf.for %while3A_108 = %while3A_67 to %while3A_63 step %while3A_69  : i32 {
      %mul3A_109 = arith.constant 2 : i32
      %mul3A_110 = arith.muli %mul3A_109, %while3A_108 : i32
      %add3A_111 = arith.constant 1 : i32
      %add3A_112 = arith.addi %mul3A_110, %add3A_111 : i32
      %mul3A_113 = arith.constant 128 : i32
      %mul3A_114 = arith.muli %add3A_112, %mul3A_113 : i32
      %add3A_115 = arith.addi %mul3A_4, %mul3A_114 : i32
      "tpu.region"() ({
        %run_scoped3A = tpu.sem_alloc : memref<!tpu.dma_semaphore, #tpu.memory_space<semaphore_mem>>
        %dma_start3A_135 = tpu.memref_slice %arg3[%add3A_115] : memref<323584xi32, #tpu.memory_space<hbm>> -> memref<128xi32, #tpu.memory_space<hbm>>
        %dma_start3A_136 = tpu.memref_slice %arg3[%add3A_115] : memref<323584xi32, #tpu.memory_space<hbm>> -> memref<128xi32, #tpu.memory_space<hbm>>
        tpu.enqueue_dma source(%dma_start3A_136 : memref<128xi32, #tpu.memory_space<hbm>>) target(%arg8 : memref<128xi32, #tpu.memory_space<vmem>>) target_semaphore(%run_scoped3A : memref<!tpu.dma_semaphore, #tpu.memory_space<semaphore_mem>>)
        %dma_wait3A_137 = tpu.memref_slice %arg3[%add3A_115] : memref<323584xi32, #tpu.memory_space<hbm>> -> memref<128xi32, #tpu.memory_space<hbm>>
        %dma_wait3A_138 = tpu.memref_slice %arg3[%add3A_115] : memref<323584xi32, #tpu.memory_space<hbm>> -> memref<128xi32, #tpu.memory_space<hbm>>
        tpu.wait_dma2 semaphore(%run_scoped3A : memref<!tpu.dma_semaphore, #tpu.memory_space<semaphore_mem>>) src(%dma_wait3A_138 : memref<128xi32, #tpu.memory_space<hbm>>) dst(%arg8 : memref<128xi32, #tpu.memory_space<vmem>>)
        tpu.yield
      }) : () -> ()
      "tpu.region"() ({
        %run_scoped3A = tpu.sem_alloc : memref<!tpu.dma_semaphore, #tpu.memory_space<semaphore_mem>>
        %dma_start3A_135 = tpu.memref_slice %arg4[%add3A_115] : memref<323584xi32, #tpu.memory_space<hbm>> -> memref<128xi32, #tpu.memory_space<hbm>>
        %dma_start3A_136 = tpu.memref_slice %arg4[%add3A_115] : memref<323584xi32, #tpu.memory_space<hbm>> -> memref<128xi32, #tpu.memory_space<hbm>>
        tpu.enqueue_dma source(%dma_start3A_136 : memref<128xi32, #tpu.memory_space<hbm>>) target(%arg10 : memref<128xi32, #tpu.memory_space<vmem>>) target_semaphore(%run_scoped3A : memref<!tpu.dma_semaphore, #tpu.memory_space<semaphore_mem>>)
        %dma_wait3A_137 = tpu.memref_slice %arg4[%add3A_115] : memref<323584xi32, #tpu.memory_space<hbm>> -> memref<128xi32, #tpu.memory_space<hbm>>
        %dma_wait3A_138 = tpu.memref_slice %arg4[%add3A_115] : memref<323584xi32, #tpu.memory_space<hbm>> -> memref<128xi32, #tpu.memory_space<hbm>>
        tpu.wait_dma2 semaphore(%run_scoped3A : memref<!tpu.dma_semaphore, #tpu.memory_space<semaphore_mem>>) src(%dma_wait3A_138 : memref<128xi32, #tpu.memory_space<hbm>>) dst(%arg10 : memref<128xi32, #tpu.memory_space<vmem>>)
        tpu.yield
      }) : () -> ()
      %dma_start3A_116 = arith.constant 0 : i32
      %dma_start3A_117 = arith.constant 0 : i32
      %dma_start3A_118 = tpu.memref_slice %arg2[%dma_start3A_116, %dma_start3A_117] : memref<10112x128xf32, #tpu.memory_space<hbm>> -> memref<10112x128xf32, #tpu.memory_space<hbm>>
      tpu.enqueue_indirect_dma source(%dma_start3A_118 : memref<10112x128xf32, #tpu.memory_space<hbm>>) target(%arg12 : memref<128x128xf32, #tpu.memory_space<vmem>>) offsets(%arg8 : memref<128xi32, #tpu.memory_space<vmem>>) semaphore(%arg15 : memref<!tpu.dma_semaphore, #tpu.memory_space<semaphore_mem>>)
      %dma_wait3A_119 = arith.constant 0 : i32
      %dma_wait3A_120 = arith.constant 0 : i32
      %dma_wait3A_121 = tpu.memref_slice %arg2[%dma_wait3A_119, %dma_wait3A_120] : memref<10112x128xf32, #tpu.memory_space<hbm>> -> memref<10112x128xf32, #tpu.memory_space<hbm>>
      tpu.wait_indirect_dma semaphore(%arg14 : memref<!tpu.dma_semaphore, #tpu.memory_space<semaphore_mem>>) src(%dma_wait3A_121 : memref<10112x128xf32, #tpu.memory_space<hbm>>) dst(%arg11 : memref<128x128xf32, #tpu.memory_space<vmem>>)
      "tpu.region"() ({
        %run_scoped3A = tpu.sem_alloc : memref<!tpu.dma_semaphore, #tpu.memory_space<semaphore_mem>>
        %dma_start3A_135 = arith.constant 0 : i32
        %dma_start3A_136 = arith.constant 0 : i32
        %dma_start3A_137 = tpu.memref_slice %arg13[%dma_start3A_135, %dma_start3A_136] : memref<10112x128xf32, #tpu.memory_space<vmem_shared>> -> memref<10112x128xf32, #tpu.memory_space<vmem_shared>>
        tpu.enqueue_indirect_dma source(%arg11 : memref<128x128xf32, #tpu.memory_space<vmem>>) target(%dma_start3A_137 : memref<10112x128xf32, #tpu.memory_space<vmem_shared>>) offsets(%arg9 : memref<128xi32, #tpu.memory_space<vmem>>) semaphore(%run_scoped3A : memref<!tpu.dma_semaphore, #tpu.memory_space<semaphore_mem>>) {add = true}
        %dma_wait3A_138 = arith.constant 0 : i32
        %dma_wait3A_139 = arith.constant 0 : i32
        %dma_wait3A_140 = tpu.memref_slice %arg13[%dma_wait3A_138, %dma_wait3A_139] : memref<10112x128xf32, #tpu.memory_space<vmem_shared>> -> memref<10112x128xf32, #tpu.memory_space<vmem_shared>>
        tpu.wait_indirect_dma semaphore(%run_scoped3A : memref<!tpu.dma_semaphore, #tpu.memory_space<semaphore_mem>>) src(%arg11 : memref<128x128xf32, #tpu.memory_space<vmem>>) dst(%dma_wait3A_140 : memref<10112x128xf32, #tpu.memory_space<vmem_shared>>)
        tpu.yield
      }) : () -> ()
      %mul3A_122 = arith.constant 2 : i32
      %mul3A_123 = arith.muli %mul3A_122, %while3A_108 : i32
      %add3A_124 = arith.constant 2 : i32
      %add3A_125 = arith.addi %mul3A_123, %add3A_124 : i32
      %mul3A_126 = arith.constant 128 : i32
      %mul3A_127 = arith.muli %add3A_125, %mul3A_126 : i32
      %add3A_128 = arith.addi %mul3A_4, %mul3A_127 : i32
      "tpu.region"() ({
        %run_scoped3A = tpu.sem_alloc : memref<!tpu.dma_semaphore, #tpu.memory_space<semaphore_mem>>
        %dma_start3A_135 = tpu.memref_slice %arg3[%add3A_128] : memref<323584xi32, #tpu.memory_space<hbm>> -> memref<128xi32, #tpu.memory_space<hbm>>
        %dma_start3A_136 = tpu.memref_slice %arg3[%add3A_128] : memref<323584xi32, #tpu.memory_space<hbm>> -> memref<128xi32, #tpu.memory_space<hbm>>
        tpu.enqueue_dma source(%dma_start3A_136 : memref<128xi32, #tpu.memory_space<hbm>>) target(%arg7 : memref<128xi32, #tpu.memory_space<vmem>>) target_semaphore(%run_scoped3A : memref<!tpu.dma_semaphore, #tpu.memory_space<semaphore_mem>>)
        %dma_wait3A_137 = tpu.memref_slice %arg3[%add3A_128] : memref<323584xi32, #tpu.memory_space<hbm>> -> memref<128xi32, #tpu.memory_space<hbm>>
        %dma_wait3A_138 = tpu.memref_slice %arg3[%add3A_128] : memref<323584xi32, #tpu.memory_space<hbm>> -> memref<128xi32, #tpu.memory_space<hbm>>
        tpu.wait_dma2 semaphore(%run_scoped3A : memref<!tpu.dma_semaphore, #tpu.memory_space<semaphore_mem>>) src(%dma_wait3A_138 : memref<128xi32, #tpu.memory_space<hbm>>) dst(%arg7 : memref<128xi32, #tpu.memory_space<vmem>>)
        tpu.yield
      }) : () -> ()
      "tpu.region"() ({
        %run_scoped3A = tpu.sem_alloc : memref<!tpu.dma_semaphore, #tpu.memory_space<semaphore_mem>>
        %dma_start3A_135 = tpu.memref_slice %arg4[%add3A_128] : memref<323584xi32, #tpu.memory_space<hbm>> -> memref<128xi32, #tpu.memory_space<hbm>>
        %dma_start3A_136 = tpu.memref_slice %arg4[%add3A_128] : memref<323584xi32, #tpu.memory_space<hbm>> -> memref<128xi32, #tpu.memory_space<hbm>>
        tpu.enqueue_dma source(%dma_start3A_136 : memref<128xi32, #tpu.memory_space<hbm>>) target(%arg9 : memref<128xi32, #tpu.memory_space<vmem>>) target_semaphore(%run_scoped3A : memref<!tpu.dma_semaphore, #tpu.memory_space<semaphore_mem>>)
        %dma_wait3A_137 = tpu.memref_slice %arg4[%add3A_128] : memref<323584xi32, #tpu.memory_space<hbm>> -> memref<128xi32, #tpu.memory_space<hbm>>
        %dma_wait3A_138 = tpu.memref_slice %arg4[%add3A_128] : memref<323584xi32, #tpu.memory_space<hbm>> -> memref<128xi32, #tpu.memory_space<hbm>>
        tpu.wait_dma2 semaphore(%run_scoped3A : memref<!tpu.dma_semaphore, #tpu.memory_space<semaphore_mem>>) src(%dma_wait3A_138 : memref<128xi32, #tpu.memory_space<hbm>>) dst(%arg9 : memref<128xi32, #tpu.memory_space<vmem>>)
        tpu.yield
      }) : () -> ()
      %dma_start3A_129 = arith.constant 0 : i32
      %dma_start3A_130 = arith.constant 0 : i32
      %dma_start3A_131 = tpu.memref_slice %arg2[%dma_start3A_129, %dma_start3A_130] : memref<10112x128xf32, #tpu.memory_space<hbm>> -> memref<10112x128xf32, #tpu.memory_space<hbm>>
      tpu.enqueue_indirect_dma source(%dma_start3A_131 : memref<10112x128xf32, #tpu.memory_space<hbm>>) target(%arg11 : memref<128x128xf32, #tpu.memory_space<vmem>>) offsets(%arg7 : memref<128xi32, #tpu.memory_space<vmem>>) semaphore(%arg14 : memref<!tpu.dma_semaphore, #tpu.memory_space<semaphore_mem>>)
      %dma_wait3A_132 = arith.constant 0 : i32
      %dma_wait3A_133 = arith.constant 0 : i32
      %dma_wait3A_134 = tpu.memref_slice %arg2[%dma_wait3A_132, %dma_wait3A_133] : memref<10112x128xf32, #tpu.memory_space<hbm>> -> memref<10112x128xf32, #tpu.memory_space<hbm>>
      tpu.wait_indirect_dma semaphore(%arg15 : memref<!tpu.dma_semaphore, #tpu.memory_space<semaphore_mem>>) src(%dma_wait3A_134 : memref<10112x128xf32, #tpu.memory_space<hbm>>) dst(%arg12 : memref<128x128xf32, #tpu.memory_space<vmem>>)
      "tpu.region"() ({
        %run_scoped3A = tpu.sem_alloc : memref<!tpu.dma_semaphore, #tpu.memory_space<semaphore_mem>>
        %dma_start3A_135 = arith.constant 0 : i32
        %dma_start3A_136 = arith.constant 0 : i32
        %dma_start3A_137 = tpu.memref_slice %arg13[%dma_start3A_135, %dma_start3A_136] : memref<10112x128xf32, #tpu.memory_space<vmem_shared>> -> memref<10112x128xf32, #tpu.memory_space<vmem_shared>>
        tpu.enqueue_indirect_dma source(%arg12 : memref<128x128xf32, #tpu.memory_space<vmem>>) target(%dma_start3A_137 : memref<10112x128xf32, #tpu.memory_space<vmem_shared>>) offsets(%arg10 : memref<128xi32, #tpu.memory_space<vmem>>) semaphore(%run_scoped3A : memref<!tpu.dma_semaphore, #tpu.memory_space<semaphore_mem>>) {add = true}
        %dma_wait3A_138 = arith.constant 0 : i32
        %dma_wait3A_139 = arith.constant 0 : i32
        %dma_wait3A_140 = tpu.memref_slice %arg13[%dma_wait3A_138, %dma_wait3A_139] : memref<10112x128xf32, #tpu.memory_space<vmem_shared>> -> memref<10112x128xf32, #tpu.memory_space<vmem_shared>>
        tpu.wait_indirect_dma semaphore(%run_scoped3A : memref<!tpu.dma_semaphore, #tpu.memory_space<semaphore_mem>>) src(%arg12 : memref<128x128xf32, #tpu.memory_space<vmem>>) dst(%dma_wait3A_140 : memref<10112x128xf32, #tpu.memory_space<vmem_shared>>)
        tpu.yield
      }) : () -> ()
    }
    %dma_wait3A = arith.constant 0 : i32
    %dma_wait3A_70 = arith.constant 0 : i32
    %dma_wait3A_71 = tpu.memref_slice %arg2[%dma_wait3A, %dma_wait3A_70] : memref<10112x128xf32, #tpu.memory_space<hbm>> -> memref<10112x128xf32, #tpu.memory_space<hbm>>
    tpu.wait_indirect_dma semaphore(%arg14 : memref<!tpu.dma_semaphore, #tpu.memory_space<semaphore_mem>>) src(%dma_wait3A_71 : memref<10112x128xf32, #tpu.memory_space<hbm>>) dst(%arg11 : memref<128x128xf32, #tpu.memory_space<vmem>>)
    "tpu.region"() ({
      %run_scoped3A = tpu.sem_alloc : memref<!tpu.dma_semaphore, #tpu.memory_space<semaphore_mem>>
      %dma_start3A_108 = arith.constant 0 : i32
      %dma_start3A_109 = arith.constant 0 : i32
      %dma_start3A_110 = tpu.memref_slice %arg13[%dma_start3A_108, %dma_start3A_109] : memref<10112x128xf32, #tpu.memory_space<vmem_shared>> -> memref<10112x128xf32, #tpu.memory_space<vmem_shared>>
      tpu.enqueue_indirect_dma source(%arg11 : memref<128x128xf32, #tpu.memory_space<vmem>>) target(%dma_start3A_110 : memref<10112x128xf32, #tpu.memory_space<vmem_shared>>) offsets(%arg9 : memref<128xi32, #tpu.memory_space<vmem>>) semaphore(%run_scoped3A : memref<!tpu.dma_semaphore, #tpu.memory_space<semaphore_mem>>) {add = true}
      %dma_wait3A_111 = arith.constant 0 : i32
      %dma_wait3A_112 = arith.constant 0 : i32
      %dma_wait3A_113 = tpu.memref_slice %arg13[%dma_wait3A_111, %dma_wait3A_112] : memref<10112x128xf32, #tpu.memory_space<vmem_shared>> -> memref<10112x128xf32, #tpu.memory_space<vmem_shared>>
      tpu.wait_indirect_dma semaphore(%run_scoped3A : memref<!tpu.dma_semaphore, #tpu.memory_space<semaphore_mem>>) src(%arg11 : memref<128x128xf32, #tpu.memory_space<vmem>>) dst(%dma_wait3A_113 : memref<10112x128xf32, #tpu.memory_space<vmem_shared>>)
      tpu.yield
    }) : () -> ()
    %barrier3A_72 = arith.constant 0 : index
    tpu.barrier barrier_id(%barrier3A_72)
    %add3A_73 = arith.constant 0 : i32
    %add3A_74 = arith.addi %arg1, %add3A_73 : i32
    %lt3A_75 = arith.constant 79 : i32
    %lt3A_76 = arith.cmpi slt, %add3A_74, %lt3A_75 : i32
    %convert_element_type3A_77 = arith.extui %lt3A_76 : i1 to i32
    %cond3A_78 = arith.constant 0 : i32
    %cond3A_79 = arith.cmpi ne, %convert_element_type3A_77, %cond3A_78 : i32
    scf.if %cond3A_79 {
      %mul3A_108 = arith.constant 128 : i32
      %mul3A_109 = arith.muli %add3A_74, %mul3A_108 : i32
      %mul3A_110 = arith.constant 10112 : i32
      %mul3A_111 = arith.muli %arg0, %mul3A_110 : i32
      %mul3A_112 = arith.constant 128 : i32
      %mul3A_113 = arith.muli %add3A_74, %mul3A_112 : i32
      %add3A_114 = arith.addi %mul3A_111, %mul3A_113 : i32
      "tpu.region"() ({
        %run_scoped3A = tpu.sem_alloc : memref<!tpu.dma_semaphore, #tpu.memory_space<semaphore_mem>>
        %dma_start3A_115 = arith.constant 0 : i32
        %dma_start3A_116 = tpu.memref_slice %arg6[%add3A_114, %dma_start3A_115] : memref<20224x128xf32, #tpu.memory_space<hbm>> -> memref<128x128xf32, #tpu.memory_space<hbm>>
        %dma_start3A_117 = arith.constant 0 : i32
        %dma_start3A_118 = tpu.memref_slice %arg13[%mul3A_109, %dma_start3A_117] : memref<10112x128xf32, #tpu.memory_space<vmem_shared>> -> memref<128x128xf32, #tpu.memory_space<vmem_shared>>
        tpu.enqueue_dma source(%dma_start3A_118 : memref<128x128xf32, #tpu.memory_space<vmem_shared>>) target(%dma_start3A_116 : memref<128x128xf32, #tpu.memory_space<hbm>>) target_semaphore(%run_scoped3A : memref<!tpu.dma_semaphore, #tpu.memory_space<semaphore_mem>>)
        %dma_wait3A_119 = arith.constant 0 : i32
        %dma_wait3A_120 = tpu.memref_slice %arg6[%add3A_114, %dma_wait3A_119] : memref<20224x128xf32, #tpu.memory_space<hbm>> -> memref<128x128xf32, #tpu.memory_space<hbm>>
        %dma_wait3A_121 = arith.constant 0 : i32
        %dma_wait3A_122 = tpu.memref_slice %arg13[%mul3A_109, %dma_wait3A_121] : memref<10112x128xf32, #tpu.memory_space<vmem_shared>> -> memref<128x128xf32, #tpu.memory_space<vmem_shared>>
        tpu.wait_dma2 semaphore(%run_scoped3A : memref<!tpu.dma_semaphore, #tpu.memory_space<semaphore_mem>>) src(%dma_wait3A_122 : memref<128x128xf32, #tpu.memory_space<vmem_shared>>) dst(%dma_wait3A_120 : memref<128x128xf32, #tpu.memory_space<hbm>>)
        tpu.yield
      }) : () -> ()
    } else {
    }
    %add3A_80 = arith.constant 16 : i32
    %add3A_81 = arith.addi %arg1, %add3A_80 : i32
    %lt3A_82 = arith.constant 79 : i32
    %lt3A_83 = arith.cmpi slt, %add3A_81, %lt3A_82 : i32
    %convert_element_type3A_84 = arith.extui %lt3A_83 : i1 to i32
    %cond3A_85 = arith.constant 0 : i32
    %cond3A_86 = arith.cmpi ne, %convert_element_type3A_84, %cond3A_85 : i32
    scf.if %cond3A_86 {
      %mul3A_108 = arith.constant 128 : i32
      %mul3A_109 = arith.muli %add3A_81, %mul3A_108 : i32
      %mul3A_110 = arith.constant 10112 : i32
      %mul3A_111 = arith.muli %arg0, %mul3A_110 : i32
      %mul3A_112 = arith.constant 128 : i32
      %mul3A_113 = arith.muli %add3A_81, %mul3A_112 : i32
      %add3A_114 = arith.addi %mul3A_111, %mul3A_113 : i32
      "tpu.region"() ({
        %run_scoped3A = tpu.sem_alloc : memref<!tpu.dma_semaphore, #tpu.memory_space<semaphore_mem>>
        %dma_start3A_115 = arith.constant 0 : i32
        %dma_start3A_116 = tpu.memref_slice %arg6[%add3A_114, %dma_start3A_115] : memref<20224x128xf32, #tpu.memory_space<hbm>> -> memref<128x128xf32, #tpu.memory_space<hbm>>
        %dma_start3A_117 = arith.constant 0 : i32
        %dma_start3A_118 = tpu.memref_slice %arg13[%mul3A_109, %dma_start3A_117] : memref<10112x128xf32, #tpu.memory_space<vmem_shared>> -> memref<128x128xf32, #tpu.memory_space<vmem_shared>>
        tpu.enqueue_dma source(%dma_start3A_118 : memref<128x128xf32, #tpu.memory_space<vmem_shared>>) target(%dma_start3A_116 : memref<128x128xf32, #tpu.memory_space<hbm>>) target_semaphore(%run_scoped3A : memref<!tpu.dma_semaphore, #tpu.memory_space<semaphore_mem>>)
        %dma_wait3A_119 = arith.constant 0 : i32
        %dma_wait3A_120 = tpu.memref_slice %arg6[%add3A_114, %dma_wait3A_119] : memref<20224x128xf32, #tpu.memory_space<hbm>> -> memref<128x128xf32, #tpu.memory_space<hbm>>
        %dma_wait3A_121 = arith.constant 0 : i32
        %dma_wait3A_122 = tpu.memref_slice %arg13[%mul3A_109, %dma_wait3A_121] : memref<10112x128xf32, #tpu.memory_space<vmem_shared>> -> memref<128x128xf32, #tpu.memory_space<vmem_shared>>
        tpu.wait_dma2 semaphore(%run_scoped3A : memref<!tpu.dma_semaphore, #tpu.memory_space<semaphore_mem>>) src(%dma_wait3A_122 : memref<128x128xf32, #tpu.memory_space<vmem_shared>>) dst(%dma_wait3A_120 : memref<128x128xf32, #tpu.memory_space<hbm>>)
        tpu.yield
      }) : () -> ()
    } else {
    }
    %add3A_87 = arith.constant 32 : i32
    %add3A_88 = arith.addi %arg1, %add3A_87 : i32
    %lt3A_89 = arith.constant 79 : i32
    %lt3A_90 = arith.cmpi slt, %add3A_88, %lt3A_89 : i32
    %convert_element_type3A_91 = arith.extui %lt3A_90 : i1 to i32
    %cond3A_92 = arith.constant 0 : i32
    %cond3A_93 = arith.cmpi ne, %convert_element_type3A_91, %cond3A_92 : i32
    scf.if %cond3A_93 {
      %mul3A_108 = arith.constant 128 : i32
      %mul3A_109 = arith.muli %add3A_88, %mul3A_108 : i32
      %mul3A_110 = arith.constant 10112 : i32
      %mul3A_111 = arith.muli %arg0, %mul3A_110 : i32
      %mul3A_112 = arith.constant 128 : i32
      %mul3A_113 = arith.muli %add3A_88, %mul3A_112 : i32
      %add3A_114 = arith.addi %mul3A_111, %mul3A_113 : i32
      "tpu.region"() ({
        %run_scoped3A = tpu.sem_alloc : memref<!tpu.dma_semaphore, #tpu.memory_space<semaphore_mem>>
        %dma_start3A_115 = arith.constant 0 : i32
        %dma_start3A_116 = tpu.memref_slice %arg6[%add3A_114, %dma_start3A_115] : memref<20224x128xf32, #tpu.memory_space<hbm>> -> memref<128x128xf32, #tpu.memory_space<hbm>>
        %dma_start3A_117 = arith.constant 0 : i32
        %dma_start3A_118 = tpu.memref_slice %arg13[%mul3A_109, %dma_start3A_117] : memref<10112x128xf32, #tpu.memory_space<vmem_shared>> -> memref<128x128xf32, #tpu.memory_space<vmem_shared>>
        tpu.enqueue_dma source(%dma_start3A_118 : memref<128x128xf32, #tpu.memory_space<vmem_shared>>) target(%dma_start3A_116 : memref<128x128xf32, #tpu.memory_space<hbm>>) target_semaphore(%run_scoped3A : memref<!tpu.dma_semaphore, #tpu.memory_space<semaphore_mem>>)
        %dma_wait3A_119 = arith.constant 0 : i32
        %dma_wait3A_120 = tpu.memref_slice %arg6[%add3A_114, %dma_wait3A_119] : memref<20224x128xf32, #tpu.memory_space<hbm>> -> memref<128x128xf32, #tpu.memory_space<hbm>>
        %dma_wait3A_121 = arith.constant 0 : i32
        %dma_wait3A_122 = tpu.memref_slice %arg13[%mul3A_109, %dma_wait3A_121] : memref<10112x128xf32, #tpu.memory_space<vmem_shared>> -> memref<128x128xf32, #tpu.memory_space<vmem_shared>>
        tpu.wait_dma2 semaphore(%run_scoped3A : memref<!tpu.dma_semaphore, #tpu.memory_space<semaphore_mem>>) src(%dma_wait3A_122 : memref<128x128xf32, #tpu.memory_space<vmem_shared>>) dst(%dma_wait3A_120 : memref<128x128xf32, #tpu.memory_space<hbm>>)
        tpu.yield
      }) : () -> ()
    } else {
    }
    %add3A_94 = arith.constant 48 : i32
    %add3A_95 = arith.addi %arg1, %add3A_94 : i32
    %lt3A_96 = arith.constant 79 : i32
    %lt3A_97 = arith.cmpi slt, %add3A_95, %lt3A_96 : i32
    %convert_element_type3A_98 = arith.extui %lt3A_97 : i1 to i32
    %cond3A_99 = arith.constant 0 : i32
    %cond3A_100 = arith.cmpi ne, %convert_element_type3A_98, %cond3A_99 : i32
    scf.if %cond3A_100 {
      %mul3A_108 = arith.constant 128 : i32
      %mul3A_109 = arith.muli %add3A_95, %mul3A_108 : i32
      %mul3A_110 = arith.constant 10112 : i32
      %mul3A_111 = arith.muli %arg0, %mul3A_110 : i32
      %mul3A_112 = arith.constant 128 : i32
      %mul3A_113 = arith.muli %add3A_95, %mul3A_112 : i32
      %add3A_114 = arith.addi %mul3A_111, %mul3A_113 : i32
      "tpu.region"() ({
        %run_scoped3A = tpu.sem_alloc : memref<!tpu.dma_semaphore, #tpu.memory_space<semaphore_mem>>
        %dma_start3A_115 = arith.constant 0 : i32
        %dma_start3A_116 = tpu.memref_slice %arg6[%add3A_114, %dma_start3A_115] : memref<20224x128xf32, #tpu.memory_space<hbm>> -> memref<128x128xf32, #tpu.memory_space<hbm>>
        %dma_start3A_117 = arith.constant 0 : i32
        %dma_start3A_118 = tpu.memref_slice %arg13[%mul3A_109, %dma_start3A_117] : memref<10112x128xf32, #tpu.memory_space<vmem_shared>> -> memref<128x128xf32, #tpu.memory_space<vmem_shared>>
        tpu.enqueue_dma source(%dma_start3A_118 : memref<128x128xf32, #tpu.memory_space<vmem_shared>>) target(%dma_start3A_116 : memref<128x128xf32, #tpu.memory_space<hbm>>) target_semaphore(%run_scoped3A : memref<!tpu.dma_semaphore, #tpu.memory_space<semaphore_mem>>)
        %dma_wait3A_119 = arith.constant 0 : i32
        %dma_wait3A_120 = tpu.memref_slice %arg6[%add3A_114, %dma_wait3A_119] : memref<20224x128xf32, #tpu.memory_space<hbm>> -> memref<128x128xf32, #tpu.memory_space<hbm>>
        %dma_wait3A_121 = arith.constant 0 : i32
        %dma_wait3A_122 = tpu.memref_slice %arg13[%mul3A_109, %dma_wait3A_121] : memref<10112x128xf32, #tpu.memory_space<vmem_shared>> -> memref<128x128xf32, #tpu.memory_space<vmem_shared>>
        tpu.wait_dma2 semaphore(%run_scoped3A : memref<!tpu.dma_semaphore, #tpu.memory_space<semaphore_mem>>) src(%dma_wait3A_122 : memref<128x128xf32, #tpu.memory_space<vmem_shared>>) dst(%dma_wait3A_120 : memref<128x128xf32, #tpu.memory_space<hbm>>)
        tpu.yield
      }) : () -> ()
    } else {
    }
    %add3A_101 = arith.constant 64 : i32
    %add3A_102 = arith.addi %arg1, %add3A_101 : i32
    %lt3A_103 = arith.constant 79 : i32
    %lt3A_104 = arith.cmpi slt, %add3A_102, %lt3A_103 : i32
    %convert_element_type3A_105 = arith.extui %lt3A_104 : i1 to i32
    %cond3A_106 = arith.constant 0 : i32
    %cond3A_107 = arith.cmpi ne, %convert_element_type3A_105, %cond3A_106 : i32
    scf.if %cond3A_107 {
      %mul3A_108 = arith.constant 128 : i32
      %mul3A_109 = arith.muli %add3A_102, %mul3A_108 : i32
      %mul3A_110 = arith.constant 10112 : i32
      %mul3A_111 = arith.muli %arg0, %mul3A_110 : i32
      %mul3A_112 = arith.constant 128 : i32
      %mul3A_113 = arith.muli %add3A_102, %mul3A_112 : i32
      %add3A_114 = arith.addi %mul3A_111, %mul3A_113 : i32
      "tpu.region"() ({
        %run_scoped3A = tpu.sem_alloc : memref<!tpu.dma_semaphore, #tpu.memory_space<semaphore_mem>>
        %dma_start3A_115 = arith.constant 0 : i32
        %dma_start3A_116 = tpu.memref_slice %arg6[%add3A_114, %dma_start3A_115] : memref<20224x128xf32, #tpu.memory_space<hbm>> -> memref<128x128xf32, #tpu.memory_space<hbm>>
        %dma_start3A_117 = arith.constant 0 : i32
        %dma_start3A_118 = tpu.memref_slice %arg13[%mul3A_109, %dma_start3A_117] : memref<10112x128xf32, #tpu.memory_space<vmem_shared>> -> memref<128x128xf32, #tpu.memory_space<vmem_shared>>
        tpu.enqueue_dma source(%dma_start3A_118 : memref<128x128xf32, #tpu.memory_space<vmem_shared>>) target(%dma_start3A_116 : memref<128x128xf32, #tpu.memory_space<hbm>>) target_semaphore(%run_scoped3A : memref<!tpu.dma_semaphore, #tpu.memory_space<semaphore_mem>>)
        %dma_wait3A_119 = arith.constant 0 : i32
        %dma_wait3A_120 = tpu.memref_slice %arg6[%add3A_114, %dma_wait3A_119] : memref<20224x128xf32, #tpu.memory_space<hbm>> -> memref<128x128xf32, #tpu.memory_space<hbm>>
        %dma_wait3A_121 = arith.constant 0 : i32
        %dma_wait3A_122 = tpu.memref_slice %arg13[%mul3A_109, %dma_wait3A_121] : memref<10112x128xf32, #tpu.memory_space<vmem_shared>> -> memref<128x128xf32, #tpu.memory_space<vmem_shared>>
        tpu.wait_dma2 semaphore(%run_scoped3A : memref<!tpu.dma_semaphore, #tpu.memory_space<semaphore_mem>>) src(%dma_wait3A_122 : memref<128x128xf32, #tpu.memory_space<vmem_shared>>) dst(%dma_wait3A_120 : memref<128x128xf32, #tpu.memory_space<hbm>>)
        tpu.yield
      }) : () -> ()
    } else {
    }
    return
  }
}

#map = affine_map<(d0, d1) -> (0, 0)>
#map1 = affine_map<(d0, d1) -> (0)>
module attributes {stable_mosaic.version = 14 : i64} {
  func.func @_sc_gs_body(%arg0: i32, %arg1: i32, %arg2: memref<10112x128xf32, #tpu.memory_space<hbm>>, %arg3: memref<323584xi32, #tpu.memory_space<hbm>>, %arg4: memref<323584xi32, #tpu.memory_space<hbm>>, %arg5: memref<128x128xf32, #tpu.memory_space<hbm>>, %arg6: memref<20224x128xf32, #tpu.memory_space<hbm>>, %arg7: memref<128xi32, #tpu.memory_space<vmem>>, %arg8: memref<128xi32, #tpu.memory_space<vmem>>, %arg9: memref<128xi32, #tpu.memory_space<vmem>>, %arg10: memref<128xi32, #tpu.memory_space<vmem>>, %arg11: memref<128x128xf32, #tpu.memory_space<vmem>>, %arg12: memref<128x128xf32, #tpu.memory_space<vmem>>, %arg13: memref<10112x128xf32, #tpu.memory_space<vmem_shared>>, %arg14: memref<!tpu.dma_semaphore, #tpu.memory_space<semaphore_mem>>, %arg15: memref<!tpu.dma_semaphore, #tpu.memory_space<semaphore_mem>>) attributes {dimension_semantics = [#tpu.dimension_semantics<core_parallel>, #tpu.dimension_semantics<subcore_parallel>], iteration_bounds = array<i64: 2, 16>, scalar_prefetch = 0 : i64, scratch_operands = 9 : i64, tpu.core_type = #tpu.core_type<sc_vector_subcore>, window_params = [{transform_indices = #map}, {transform_indices = #map1}, {transform_indices = #map1}, {transform_indices = #map}, {transform_indices = #map}]} {
    %mul3A = arith.constant 158 : i32
    %mul3A_0 = arith.muli %arg1, %mul3A : i32
    %mul3A_1 = arith.constant 129 : i32
    %mul3A_2 = arith.muli %arg0, %mul3A_1 : i32
    %add3A = arith.addi %mul3A_0, %mul3A_2 : i32
    %mul3A_3 = arith.constant 128 : i32
    %mul3A_4 = arith.muli %add3A, %mul3A_3 : i32
    %eq3A = arith.constant 0 : i32
    %eq3A_5 = arith.cmpi eq, %arg0, %eq3A : i32
    %jit3A = arith.constant 129 : i32
    %jit3A_6 = arith.constant 29 : i32
    %select_n3A = arith.select %eq3A_5, %jit3A, %jit3A_6 : i32
    "tpu.region"() ({
      %run_scoped3A = tpu.sem_alloc : memref<!tpu.dma_semaphore, #tpu.memory_space<semaphore_mem>>
      tpu.enqueue_dma source(%arg5 : memref<128x128xf32, #tpu.memory_space<hbm>>) target(%arg11 : memref<128x128xf32, #tpu.memory_space<vmem>>) target_semaphore(%run_scoped3A : memref<!tpu.dma_semaphore, #tpu.memory_space<semaphore_mem>>)
      tpu.wait_dma2 semaphore(%run_scoped3A : memref<!tpu.dma_semaphore, #tpu.memory_space<semaphore_mem>>) src(%arg5 : memref<128x128xf32, #tpu.memory_space<hbm>>) dst(%arg11 : memref<128x128xf32, #tpu.memory_space<vmem>>)
      tpu.yield
    }) : () -> ()
    %add3A_7 = arith.constant 0 : i32
    %add3A_8 = arith.addi %arg1, %add3A_7 : i32
    %lt3A = arith.constant 79 : i32
    %lt3A_9 = arith.cmpi slt, %add3A_8, %lt3A : i32
    %convert_element_type3A = arith.extui %lt3A_9 : i1 to i32
    %cond3A = arith.constant 0 : i32
    %cond3A_10 = arith.cmpi ne, %convert_element_type3A, %cond3A : i32
    scf.if %cond3A_10 {
      %mul3A_108 = arith.constant 128 : i32
      %mul3A_109 = arith.muli %add3A_8, %mul3A_108 : i32
      "tpu.region"() ({
        %run_scoped3A = tpu.sem_alloc : memref<!tpu.dma_semaphore, #tpu.memory_space<semaphore_mem>>
        %dma_start3A_110 = arith.constant 0 : i32
        %dma_start3A_111 = tpu.memref_slice %arg13[%mul3A_109, %dma_start3A_110] : memref<10112x128xf32, #tpu.memory_space<vmem_shared>> -> memref<128x128xf32, #tpu.memory_space<vmem_shared>>
        %dma_start3A_112 = arith.constant 0 : i32
        %dma_start3A_113 = tpu.memref_slice %arg13[%mul3A_109, %dma_start3A_112] : memref<10112x128xf32, #tpu.memory_space<vmem_shared>> -> memref<128x128xf32, #tpu.memory_space<vmem_shared>>
        tpu.enqueue_dma source(%arg11 : memref<128x128xf32, #tpu.memory_space<vmem>>) target(%dma_start3A_113 : memref<128x128xf32, #tpu.memory_space<vmem_shared>>) target_semaphore(%run_scoped3A : memref<!tpu.dma_semaphore, #tpu.memory_space<semaphore_mem>>)
        %dma_wait3A_114 = arith.constant 0 : i32
        %dma_wait3A_115 = tpu.memref_slice %arg13[%mul3A_109, %dma_wait3A_114] : memref<10112x128xf32, #tpu.memory_space<vmem_shared>> -> memref<128x128xf32, #tpu.memory_space<vmem_shared>>
        %dma_wait3A_116 = arith.constant 0 : i32
        %dma_wait3A_117 = tpu.memref_slice %arg13[%mul3A_109, %dma_wait3A_116] : memref<10112x128xf32, #tpu.memory_space<vmem_shared>> -> memref<128x128xf32, #tpu.memory_space<vmem_shared>>
        tpu.wait_dma2 semaphore(%run_scoped3A : memref<!tpu.dma_semaphore, #tpu.memory_space<semaphore_mem>>) src(%arg11 : memref<128x128xf32, #tpu.memory_space<vmem>>) dst(%dma_wait3A_117 : memref<128x128xf32, #tpu.memory_space<vmem_shared>>)
        tpu.yield
      }) : () -> ()
    } else {
    }
    %add3A_11 = arith.constant 16 : i32
    %add3A_12 = arith.addi %arg1, %add3A_11 : i32
    %lt3A_13 = arith.constant 79 : i32
    %lt3A_14 = arith.cmpi slt, %add3A_12, %lt3A_13 : i32
    %convert_element_type3A_15 = arith.extui %lt3A_14 : i1 to i32
    %cond3A_16 = arith.constant 0 : i32
    %cond3A_17 = arith.cmpi ne, %convert_element_type3A_15, %cond3A_16 : i32
    scf.if %cond3A_17 {
      %mul3A_108 = arith.constant 128 : i32
      %mul3A_109 = arith.muli %add3A_12, %mul3A_108 : i32
      "tpu.region"() ({
        %run_scoped3A = tpu.sem_alloc : memref<!tpu.dma_semaphore, #tpu.memory_space<semaphore_mem>>
        %dma_start3A_110 = arith.constant 0 : i32
        %dma_start3A_111 = tpu.memref_slice %arg13[%mul3A_109, %dma_start3A_110] : memref<10112x128xf32, #tpu.memory_space<vmem_shared>> -> memref<128x128xf32, #tpu.memory_space<vmem_shared>>
        %dma_start3A_112 = arith.constant 0 : i32
        %dma_start3A_113 = tpu.memref_slice %arg13[%mul3A_109, %dma_start3A_112] : memref<10112x128xf32, #tpu.memory_space<vmem_shared>> -> memref<128x128xf32, #tpu.memory_space<vmem_shared>>
        tpu.enqueue_dma source(%arg11 : memref<128x128xf32, #tpu.memory_space<vmem>>) target(%dma_start3A_113 : memref<128x128xf32, #tpu.memory_space<vmem_shared>>) target_semaphore(%run_scoped3A : memref<!tpu.dma_semaphore, #tpu.memory_space<semaphore_mem>>)
        %dma_wait3A_114 = arith.constant 0 : i32
        %dma_wait3A_115 = tpu.memref_slice %arg13[%mul3A_109, %dma_wait3A_114] : memref<10112x128xf32, #tpu.memory_space<vmem_shared>> -> memref<128x128xf32, #tpu.memory_space<vmem_shared>>
        %dma_wait3A_116 = arith.constant 0 : i32
        %dma_wait3A_117 = tpu.memref_slice %arg13[%mul3A_109, %dma_wait3A_116] : memref<10112x128xf32, #tpu.memory_space<vmem_shared>> -> memref<128x128xf32, #tpu.memory_space<vmem_shared>>
        tpu.wait_dma2 semaphore(%run_scoped3A : memref<!tpu.dma_semaphore, #tpu.memory_space<semaphore_mem>>) src(%arg11 : memref<128x128xf32, #tpu.memory_space<vmem>>) dst(%dma_wait3A_117 : memref<128x128xf32, #tpu.memory_space<vmem_shared>>)
        tpu.yield
      }) : () -> ()
    } else {
    }
    %add3A_18 = arith.constant 32 : i32
    %add3A_19 = arith.addi %arg1, %add3A_18 : i32
    %lt3A_20 = arith.constant 79 : i32
    %lt3A_21 = arith.cmpi slt, %add3A_19, %lt3A_20 : i32
    %convert_element_type3A_22 = arith.extui %lt3A_21 : i1 to i32
    %cond3A_23 = arith.constant 0 : i32
    %cond3A_24 = arith.cmpi ne, %convert_element_type3A_22, %cond3A_23 : i32
    scf.if %cond3A_24 {
      %mul3A_108 = arith.constant 128 : i32
      %mul3A_109 = arith.muli %add3A_19, %mul3A_108 : i32
      "tpu.region"() ({
        %run_scoped3A = tpu.sem_alloc : memref<!tpu.dma_semaphore, #tpu.memory_space<semaphore_mem>>
        %dma_start3A_110 = arith.constant 0 : i32
        %dma_start3A_111 = tpu.memref_slice %arg13[%mul3A_109, %dma_start3A_110] : memref<10112x128xf32, #tpu.memory_space<vmem_shared>> -> memref<128x128xf32, #tpu.memory_space<vmem_shared>>
        %dma_start3A_112 = arith.constant 0 : i32
        %dma_start3A_113 = tpu.memref_slice %arg13[%mul3A_109, %dma_start3A_112] : memref<10112x128xf32, #tpu.memory_space<vmem_shared>> -> memref<128x128xf32, #tpu.memory_space<vmem_shared>>
        tpu.enqueue_dma source(%arg11 : memref<128x128xf32, #tpu.memory_space<vmem>>) target(%dma_start3A_113 : memref<128x128xf32, #tpu.memory_space<vmem_shared>>) target_semaphore(%run_scoped3A : memref<!tpu.dma_semaphore, #tpu.memory_space<semaphore_mem>>)
        %dma_wait3A_114 = arith.constant 0 : i32
        %dma_wait3A_115 = tpu.memref_slice %arg13[%mul3A_109, %dma_wait3A_114] : memref<10112x128xf32, #tpu.memory_space<vmem_shared>> -> memref<128x128xf32, #tpu.memory_space<vmem_shared>>
        %dma_wait3A_116 = arith.constant 0 : i32
        %dma_wait3A_117 = tpu.memref_slice %arg13[%mul3A_109, %dma_wait3A_116] : memref<10112x128xf32, #tpu.memory_space<vmem_shared>> -> memref<128x128xf32, #tpu.memory_space<vmem_shared>>
        tpu.wait_dma2 semaphore(%run_scoped3A : memref<!tpu.dma_semaphore, #tpu.memory_space<semaphore_mem>>) src(%arg11 : memref<128x128xf32, #tpu.memory_space<vmem>>) dst(%dma_wait3A_117 : memref<128x128xf32, #tpu.memory_space<vmem_shared>>)
        tpu.yield
      }) : () -> ()
    } else {
    }
    %add3A_25 = arith.constant 48 : i32
    %add3A_26 = arith.addi %arg1, %add3A_25 : i32
    %lt3A_27 = arith.constant 79 : i32
    %lt3A_28 = arith.cmpi slt, %add3A_26, %lt3A_27 : i32
    %convert_element_type3A_29 = arith.extui %lt3A_28 : i1 to i32
    %cond3A_30 = arith.constant 0 : i32
    %cond3A_31 = arith.cmpi ne, %convert_element_type3A_29, %cond3A_30 : i32
    scf.if %cond3A_31 {
      %mul3A_108 = arith.constant 128 : i32
      %mul3A_109 = arith.muli %add3A_26, %mul3A_108 : i32
      "tpu.region"() ({
        %run_scoped3A = tpu.sem_alloc : memref<!tpu.dma_semaphore, #tpu.memory_space<semaphore_mem>>
        %dma_start3A_110 = arith.constant 0 : i32
        %dma_start3A_111 = tpu.memref_slice %arg13[%mul3A_109, %dma_start3A_110] : memref<10112x128xf32, #tpu.memory_space<vmem_shared>> -> memref<128x128xf32, #tpu.memory_space<vmem_shared>>
        %dma_start3A_112 = arith.constant 0 : i32
        %dma_start3A_113 = tpu.memref_slice %arg13[%mul3A_109, %dma_start3A_112] : memref<10112x128xf32, #tpu.memory_space<vmem_shared>> -> memref<128x128xf32, #tpu.memory_space<vmem_shared>>
        tpu.enqueue_dma source(%arg11 : memref<128x128xf32, #tpu.memory_space<vmem>>) target(%dma_start3A_113 : memref<128x128xf32, #tpu.memory_space<vmem_shared>>) target_semaphore(%run_scoped3A : memref<!tpu.dma_semaphore, #tpu.memory_space<semaphore_mem>>)
        %dma_wait3A_114 = arith.constant 0 : i32
        %dma_wait3A_115 = tpu.memref_slice %arg13[%mul3A_109, %dma_wait3A_114] : memref<10112x128xf32, #tpu.memory_space<vmem_shared>> -> memref<128x128xf32, #tpu.memory_space<vmem_shared>>
        %dma_wait3A_116 = arith.constant 0 : i32
        %dma_wait3A_117 = tpu.memref_slice %arg13[%mul3A_109, %dma_wait3A_116] : memref<10112x128xf32, #tpu.memory_space<vmem_shared>> -> memref<128x128xf32, #tpu.memory_space<vmem_shared>>
        tpu.wait_dma2 semaphore(%run_scoped3A : memref<!tpu.dma_semaphore, #tpu.memory_space<semaphore_mem>>) src(%arg11 : memref<128x128xf32, #tpu.memory_space<vmem>>) dst(%dma_wait3A_117 : memref<128x128xf32, #tpu.memory_space<vmem_shared>>)
        tpu.yield
      }) : () -> ()
    } else {
    }
    %add3A_32 = arith.constant 64 : i32
    %add3A_33 = arith.addi %arg1, %add3A_32 : i32
    %lt3A_34 = arith.constant 79 : i32
    %lt3A_35 = arith.cmpi slt, %add3A_33, %lt3A_34 : i32
    %convert_element_type3A_36 = arith.extui %lt3A_35 : i1 to i32
    %cond3A_37 = arith.constant 0 : i32
    %cond3A_38 = arith.cmpi ne, %convert_element_type3A_36, %cond3A_37 : i32
    scf.if %cond3A_38 {
      %mul3A_108 = arith.constant 128 : i32
      %mul3A_109 = arith.muli %add3A_33, %mul3A_108 : i32
      "tpu.region"() ({
        %run_scoped3A = tpu.sem_alloc : memref<!tpu.dma_semaphore, #tpu.memory_space<semaphore_mem>>
        %dma_start3A_110 = arith.constant 0 : i32
        %dma_start3A_111 = tpu.memref_slice %arg13[%mul3A_109, %dma_start3A_110] : memref<10112x128xf32, #tpu.memory_space<vmem_shared>> -> memref<128x128xf32, #tpu.memory_space<vmem_shared>>
        %dma_start3A_112 = arith.constant 0 : i32
        %dma_start3A_113 = tpu.memref_slice %arg13[%mul3A_109, %dma_start3A_112] : memref<10112x128xf32, #tpu.memory_space<vmem_shared>> -> memref<128x128xf32, #tpu.memory_space<vmem_shared>>
        tpu.enqueue_dma source(%arg11 : memref<128x128xf32, #tpu.memory_space<vmem>>) target(%dma_start3A_113 : memref<128x128xf32, #tpu.memory_space<vmem_shared>>) target_semaphore(%run_scoped3A : memref<!tpu.dma_semaphore, #tpu.memory_space<semaphore_mem>>)
        %dma_wait3A_114 = arith.constant 0 : i32
        %dma_wait3A_115 = tpu.memref_slice %arg13[%mul3A_109, %dma_wait3A_114] : memref<10112x128xf32, #tpu.memory_space<vmem_shared>> -> memref<128x128xf32, #tpu.memory_space<vmem_shared>>
        %dma_wait3A_116 = arith.constant 0 : i32
        %dma_wait3A_117 = tpu.memref_slice %arg13[%mul3A_109, %dma_wait3A_116] : memref<10112x128xf32, #tpu.memory_space<vmem_shared>> -> memref<128x128xf32, #tpu.memory_space<vmem_shared>>
        tpu.wait_dma2 semaphore(%run_scoped3A : memref<!tpu.dma_semaphore, #tpu.memory_space<semaphore_mem>>) src(%arg11 : memref<128x128xf32, #tpu.memory_space<vmem>>) dst(%dma_wait3A_117 : memref<128x128xf32, #tpu.memory_space<vmem_shared>>)
        tpu.yield
      }) : () -> ()
    } else {
    }
    %barrier3A = arith.constant 0 : index
    tpu.barrier barrier_id(%barrier3A)
    "tpu.region"() ({
      %run_scoped3A = tpu.sem_alloc : memref<!tpu.dma_semaphore, #tpu.memory_space<semaphore_mem>>
      %dma_start3A_108 = tpu.memref_slice %arg3[%mul3A_4] : memref<323584xi32, #tpu.memory_space<hbm>> -> memref<128xi32, #tpu.memory_space<hbm>>
      %dma_start3A_109 = tpu.memref_slice %arg3[%mul3A_4] : memref<323584xi32, #tpu.memory_space<hbm>> -> memref<128xi32, #tpu.memory_space<hbm>>
      tpu.enqueue_dma source(%dma_start3A_109 : memref<128xi32, #tpu.memory_space<hbm>>) target(%arg7 : memref<128xi32, #tpu.memory_space<vmem>>) target_semaphore(%run_scoped3A : memref<!tpu.dma_semaphore, #tpu.memory_space<semaphore_mem>>)
      %dma_wait3A_110 = tpu.memref_slice %arg3[%mul3A_4] : memref<323584xi32, #tpu.memory_space<hbm>> -> memref<128xi32, #tpu.memory_space<hbm>>
      %dma_wait3A_111 = tpu.memref_slice %arg3[%mul3A_4] : memref<323584xi32, #tpu.memory_space<hbm>> -> memref<128xi32, #tpu.memory_space<hbm>>
      tpu.wait_dma2 semaphore(%run_scoped3A : memref<!tpu.dma_semaphore, #tpu.memory_space<semaphore_mem>>) src(%dma_wait3A_111 : memref<128xi32, #tpu.memory_space<hbm>>) dst(%arg7 : memref<128xi32, #tpu.memory_space<vmem>>)
      tpu.yield
    }) : () -> ()
    "tpu.region"() ({
      %run_scoped3A = tpu.sem_alloc : memref<!tpu.dma_semaphore, #tpu.memory_space<semaphore_mem>>
      %dma_start3A_108 = tpu.memref_slice %arg4[%mul3A_4] : memref<323584xi32, #tpu.memory_space<hbm>> -> memref<128xi32, #tpu.memory_space<hbm>>
      %dma_start3A_109 = tpu.memref_slice %arg4[%mul3A_4] : memref<323584xi32, #tpu.memory_space<hbm>> -> memref<128xi32, #tpu.memory_space<hbm>>
      tpu.enqueue_dma source(%dma_start3A_109 : memref<128xi32, #tpu.memory_space<hbm>>) target(%arg9 : memref<128xi32, #tpu.memory_space<vmem>>) target_semaphore(%run_scoped3A : memref<!tpu.dma_semaphore, #tpu.memory_space<semaphore_mem>>)
      %dma_wait3A_110 = tpu.memref_slice %arg4[%mul3A_4] : memref<323584xi32, #tpu.memory_space<hbm>> -> memref<128xi32, #tpu.memory_space<hbm>>
      %dma_wait3A_111 = tpu.memref_slice %arg4[%mul3A_4] : memref<323584xi32, #tpu.memory_space<hbm>> -> memref<128xi32, #tpu.memory_space<hbm>>
      tpu.wait_dma2 semaphore(%run_scoped3A : memref<!tpu.dma_semaphore, #tpu.memory_space<semaphore_mem>>) src(%dma_wait3A_111 : memref<128xi32, #tpu.memory_space<hbm>>) dst(%arg9 : memref<128xi32, #tpu.memory_space<vmem>>)
      tpu.yield
    }) : () -> ()
    %dma_start3A = arith.constant 0 : i32
    %dma_start3A_39 = arith.constant 0 : i32
    %dma_start3A_40 = tpu.memref_slice %arg2[%dma_start3A, %dma_start3A_39] : memref<10112x128xf32, #tpu.memory_space<hbm>> -> memref<10112x128xf32, #tpu.memory_space<hbm>>
    tpu.enqueue_indirect_dma source(%dma_start3A_40 : memref<10112x128xf32, #tpu.memory_space<hbm>>) target(%arg11 : memref<128x128xf32, #tpu.memory_space<vmem>>) offsets(%arg7 : memref<128xi32, #tpu.memory_space<vmem>>) semaphore(%arg14 : memref<!tpu.dma_semaphore, #tpu.memory_space<semaphore_mem>>)
    %sub3A = arith.constant 1 : i32
    %sub3A_41 = arith.subi %select_n3A, %sub3A : i32
    %jit3A_42 = arith.constant 2 : i32
    %div3A = arith.divsi %sub3A_41, %jit3A_42 : i32
    %sign3A = arith.constant 0 : i32
    %sign3A_43 = arith.cmpi sgt, %sub3A_41, %sign3A : i32
    %sign3A_44 = arith.extui %sign3A_43 : i1 to i32
    %sign3A_45 = arith.constant 0 : i32
    %sign3A_46 = arith.cmpi slt, %sub3A_41, %sign3A_45 : i32
    %sign3A_47 = arith.extui %sign3A_46 : i1 to i32
    %sign3A_48 = arith.subi %sign3A_44, %sign3A_47 : i32
    %sign3A_49 = arith.constant 0 : i32
    %sign3A_50 = arith.cmpi sgt, %jit3A_42, %sign3A_49 : i32
    %sign3A_51 = arith.extui %sign3A_50 : i1 to i32
    %sign3A_52 = arith.constant 0 : i32
    %sign3A_53 = arith.cmpi slt, %jit3A_42, %sign3A_52 : i32
    %sign3A_54 = arith.extui %sign3A_53 : i1 to i32
    %sign3A_55 = arith.subi %sign3A_51, %sign3A_54 : i32
    %ne3A = arith.cmpi ne, %sign3A_48, %sign3A_55 : i32
    %rem3A = arith.remsi %sub3A_41, %jit3A_42 : i32
    %ne3A_56 = arith.constant 0 : i32
    %ne3A_57 = arith.cmpi ne, %rem3A, %ne3A_56 : i32
    %and3A = arith.andi %ne3A, %ne3A_57 : i1
    %sub3A_58 = arith.constant 1 : i32
    %sub3A_59 = arith.subi %div3A, %sub3A_58 : i32
    %select_n3A_60 = arith.select %and3A, %sub3A_59, %div3A : i32
    %while3A = arith.constant 0 : i32
    %while3A_61 = arith.constant 0 : i32
    %while3A_62 = arith.subi %select_n3A_60, %while3A_61 : i32
    %while3A_63 = arith.addi %while3A_61, %while3A_62 : i32
    %while3A_64 = arith.constant 1 : i32
    %while3A_65 = arith.divsi %while3A_62, %while3A_64 : i32
    %while3A_66 = arith.muli %while3A_65, %while3A_64 : i32
    %while3A_67 = arith.addi %while3A_61, %while3A_66 : i32
    %while3A_68 = arith.constant 1 : i32
    scf.for %while3A_108 = %while3A_61 to %while3A_67 step %while3A_68  : i32 {
      %mul3A_109 = arith.constant 2 : i32
      %mul3A_110 = arith.muli %mul3A_109, %while3A_108 : i32
      %add3A_111 = arith.constant 1 : i32
      %add3A_112 = arith.addi %mul3A_110, %add3A_111 : i32
      %mul3A_113 = arith.constant 128 : i32
      %mul3A_114 = arith.muli %add3A_112, %mul3A_113 : i32
      %add3A_115 = arith.addi %mul3A_4, %mul3A_114 : i32
      "tpu.region"() ({
        %run_scoped3A = tpu.sem_alloc : memref<!tpu.dma_semaphore, #tpu.memory_space<semaphore_mem>>
        %dma_start3A_135 = tpu.memref_slice %arg3[%add3A_115] : memref<323584xi32, #tpu.memory_space<hbm>> -> memref<128xi32, #tpu.memory_space<hbm>>
        %dma_start3A_136 = tpu.memref_slice %arg3[%add3A_115] : memref<323584xi32, #tpu.memory_space<hbm>> -> memref<128xi32, #tpu.memory_space<hbm>>
        tpu.enqueue_dma source(%dma_start3A_136 : memref<128xi32, #tpu.memory_space<hbm>>) target(%arg8 : memref<128xi32, #tpu.memory_space<vmem>>) target_semaphore(%run_scoped3A : memref<!tpu.dma_semaphore, #tpu.memory_space<semaphore_mem>>)
        %dma_wait3A_137 = tpu.memref_slice %arg3[%add3A_115] : memref<323584xi32, #tpu.memory_space<hbm>> -> memref<128xi32, #tpu.memory_space<hbm>>
        %dma_wait3A_138 = tpu.memref_slice %arg3[%add3A_115] : memref<323584xi32, #tpu.memory_space<hbm>> -> memref<128xi32, #tpu.memory_space<hbm>>
        tpu.wait_dma2 semaphore(%run_scoped3A : memref<!tpu.dma_semaphore, #tpu.memory_space<semaphore_mem>>) src(%dma_wait3A_138 : memref<128xi32, #tpu.memory_space<hbm>>) dst(%arg8 : memref<128xi32, #tpu.memory_space<vmem>>)
        tpu.yield
      }) : () -> ()
      "tpu.region"() ({
        %run_scoped3A = tpu.sem_alloc : memref<!tpu.dma_semaphore, #tpu.memory_space<semaphore_mem>>
        %dma_start3A_135 = tpu.memref_slice %arg4[%add3A_115] : memref<323584xi32, #tpu.memory_space<hbm>> -> memref<128xi32, #tpu.memory_space<hbm>>
        %dma_start3A_136 = tpu.memref_slice %arg4[%add3A_115] : memref<323584xi32, #tpu.memory_space<hbm>> -> memref<128xi32, #tpu.memory_space<hbm>>
        tpu.enqueue_dma source(%dma_start3A_136 : memref<128xi32, #tpu.memory_space<hbm>>) target(%arg10 : memref<128xi32, #tpu.memory_space<vmem>>) target_semaphore(%run_scoped3A : memref<!tpu.dma_semaphore, #tpu.memory_space<semaphore_mem>>)
        %dma_wait3A_137 = tpu.memref_slice %arg4[%add3A_115] : memref<323584xi32, #tpu.memory_space<hbm>> -> memref<128xi32, #tpu.memory_space<hbm>>
        %dma_wait3A_138 = tpu.memref_slice %arg4[%add3A_115] : memref<323584xi32, #tpu.memory_space<hbm>> -> memref<128xi32, #tpu.memory_space<hbm>>
        tpu.wait_dma2 semaphore(%run_scoped3A : memref<!tpu.dma_semaphore, #tpu.memory_space<semaphore_mem>>) src(%dma_wait3A_138 : memref<128xi32, #tpu.memory_space<hbm>>) dst(%arg10 : memref<128xi32, #tpu.memory_space<vmem>>)
        tpu.yield
      }) : () -> ()
      %dma_start3A_116 = arith.constant 0 : i32
      %dma_start3A_117 = arith.constant 0 : i32
      %dma_start3A_118 = tpu.memref_slice %arg2[%dma_start3A_116, %dma_start3A_117] : memref<10112x128xf32, #tpu.memory_space<hbm>> -> memref<10112x128xf32, #tpu.memory_space<hbm>>
      tpu.enqueue_indirect_dma source(%dma_start3A_118 : memref<10112x128xf32, #tpu.memory_space<hbm>>) target(%arg12 : memref<128x128xf32, #tpu.memory_space<vmem>>) offsets(%arg8 : memref<128xi32, #tpu.memory_space<vmem>>) semaphore(%arg15 : memref<!tpu.dma_semaphore, #tpu.memory_space<semaphore_mem>>)
      %dma_wait3A_119 = arith.constant 0 : i32
      %dma_wait3A_120 = arith.constant 0 : i32
      %dma_wait3A_121 = tpu.memref_slice %arg2[%dma_wait3A_119, %dma_wait3A_120] : memref<10112x128xf32, #tpu.memory_space<hbm>> -> memref<10112x128xf32, #tpu.memory_space<hbm>>
      tpu.wait_indirect_dma semaphore(%arg14 : memref<!tpu.dma_semaphore, #tpu.memory_space<semaphore_mem>>) src(%dma_wait3A_121 : memref<10112x128xf32, #tpu.memory_space<hbm>>) dst(%arg11 : memref<128x128xf32, #tpu.memory_space<vmem>>)
      "tpu.region"() ({
        %run_scoped3A = tpu.sem_alloc : memref<!tpu.dma_semaphore, #tpu.memory_space<semaphore_mem>>
        %dma_start3A_135 = arith.constant 0 : i32
        %dma_start3A_136 = arith.constant 0 : i32
        %dma_start3A_137 = tpu.memref_slice %arg13[%dma_start3A_135, %dma_start3A_136] : memref<10112x128xf32, #tpu.memory_space<vmem_shared>> -> memref<10112x128xf32, #tpu.memory_space<vmem_shared>>
        tpu.enqueue_indirect_dma source(%arg11 : memref<128x128xf32, #tpu.memory_space<vmem>>) target(%dma_start3A_137 : memref<10112x128xf32, #tpu.memory_space<vmem_shared>>) offsets(%arg9 : memref<128xi32, #tpu.memory_space<vmem>>) semaphore(%run_scoped3A : memref<!tpu.dma_semaphore, #tpu.memory_space<semaphore_mem>>) {add = true}
        %dma_wait3A_138 = arith.constant 0 : i32
        %dma_wait3A_139 = arith.constant 0 : i32
        %dma_wait3A_140 = tpu.memref_slice %arg13[%dma_wait3A_138, %dma_wait3A_139] : memref<10112x128xf32, #tpu.memory_space<vmem_shared>> -> memref<10112x128xf32, #tpu.memory_space<vmem_shared>>
        tpu.wait_indirect_dma semaphore(%run_scoped3A : memref<!tpu.dma_semaphore, #tpu.memory_space<semaphore_mem>>) src(%arg11 : memref<128x128xf32, #tpu.memory_space<vmem>>) dst(%dma_wait3A_140 : memref<10112x128xf32, #tpu.memory_space<vmem_shared>>)
        tpu.yield
      }) : () -> ()
      %mul3A_122 = arith.constant 2 : i32
      %mul3A_123 = arith.muli %mul3A_122, %while3A_108 : i32
      %add3A_124 = arith.constant 2 : i32
      %add3A_125 = arith.addi %mul3A_123, %add3A_124 : i32
      %mul3A_126 = arith.constant 128 : i32
      %mul3A_127 = arith.muli %add3A_125, %mul3A_126 : i32
      %add3A_128 = arith.addi %mul3A_4, %mul3A_127 : i32
      "tpu.region"() ({
        %run_scoped3A = tpu.sem_alloc : memref<!tpu.dma_semaphore, #tpu.memory_space<semaphore_mem>>
        %dma_start3A_135 = tpu.memref_slice %arg3[%add3A_128] : memref<323584xi32, #tpu.memory_space<hbm>> -> memref<128xi32, #tpu.memory_space<hbm>>
        %dma_start3A_136 = tpu.memref_slice %arg3[%add3A_128] : memref<323584xi32, #tpu.memory_space<hbm>> -> memref<128xi32, #tpu.memory_space<hbm>>
        tpu.enqueue_dma source(%dma_start3A_136 : memref<128xi32, #tpu.memory_space<hbm>>) target(%arg7 : memref<128xi32, #tpu.memory_space<vmem>>) target_semaphore(%run_scoped3A : memref<!tpu.dma_semaphore, #tpu.memory_space<semaphore_mem>>)
        %dma_wait3A_137 = tpu.memref_slice %arg3[%add3A_128] : memref<323584xi32, #tpu.memory_space<hbm>> -> memref<128xi32, #tpu.memory_space<hbm>>
        %dma_wait3A_138 = tpu.memref_slice %arg3[%add3A_128] : memref<323584xi32, #tpu.memory_space<hbm>> -> memref<128xi32, #tpu.memory_space<hbm>>
        tpu.wait_dma2 semaphore(%run_scoped3A : memref<!tpu.dma_semaphore, #tpu.memory_space<semaphore_mem>>) src(%dma_wait3A_138 : memref<128xi32, #tpu.memory_space<hbm>>) dst(%arg7 : memref<128xi32, #tpu.memory_space<vmem>>)
        tpu.yield
      }) : () -> ()
      "tpu.region"() ({
        %run_scoped3A = tpu.sem_alloc : memref<!tpu.dma_semaphore, #tpu.memory_space<semaphore_mem>>
        %dma_start3A_135 = tpu.memref_slice %arg4[%add3A_128] : memref<323584xi32, #tpu.memory_space<hbm>> -> memref<128xi32, #tpu.memory_space<hbm>>
        %dma_start3A_136 = tpu.memref_slice %arg4[%add3A_128] : memref<323584xi32, #tpu.memory_space<hbm>> -> memref<128xi32, #tpu.memory_space<hbm>>
        tpu.enqueue_dma source(%dma_start3A_136 : memref<128xi32, #tpu.memory_space<hbm>>) target(%arg9 : memref<128xi32, #tpu.memory_space<vmem>>) target_semaphore(%run_scoped3A : memref<!tpu.dma_semaphore, #tpu.memory_space<semaphore_mem>>)
        %dma_wait3A_137 = tpu.memref_slice %arg4[%add3A_128] : memref<323584xi32, #tpu.memory_space<hbm>> -> memref<128xi32, #tpu.memory_space<hbm>>
        %dma_wait3A_138 = tpu.memref_slice %arg4[%add3A_128] : memref<323584xi32, #tpu.memory_space<hbm>> -> memref<128xi32, #tpu.memory_space<hbm>>
        tpu.wait_dma2 semaphore(%run_scoped3A : memref<!tpu.dma_semaphore, #tpu.memory_space<semaphore_mem>>) src(%dma_wait3A_138 : memref<128xi32, #tpu.memory_space<hbm>>) dst(%arg9 : memref<128xi32, #tpu.memory_space<vmem>>)
        tpu.yield
      }) : () -> ()
      %dma_start3A_129 = arith.constant 0 : i32
      %dma_start3A_130 = arith.constant 0 : i32
      %dma_start3A_131 = tpu.memref_slice %arg2[%dma_start3A_129, %dma_start3A_130] : memref<10112x128xf32, #tpu.memory_space<hbm>> -> memref<10112x128xf32, #tpu.memory_space<hbm>>
      tpu.enqueue_indirect_dma source(%dma_start3A_131 : memref<10112x128xf32, #tpu.memory_space<hbm>>) target(%arg11 : memref<128x128xf32, #tpu.memory_space<vmem>>) offsets(%arg7 : memref<128xi32, #tpu.memory_space<vmem>>) semaphore(%arg14 : memref<!tpu.dma_semaphore, #tpu.memory_space<semaphore_mem>>)
      %dma_wait3A_132 = arith.constant 0 : i32
      %dma_wait3A_133 = arith.constant 0 : i32
      %dma_wait3A_134 = tpu.memref_slice %arg2[%dma_wait3A_132, %dma_wait3A_133] : memref<10112x128xf32, #tpu.memory_space<hbm>> -> memref<10112x128xf32, #tpu.memory_space<hbm>>
      tpu.wait_indirect_dma semaphore(%arg15 : memref<!tpu.dma_semaphore, #tpu.memory_space<semaphore_mem>>) src(%dma_wait3A_134 : memref<10112x128xf32, #tpu.memory_space<hbm>>) dst(%arg12 : memref<128x128xf32, #tpu.memory_space<vmem>>)
      "tpu.region"() ({
        %run_scoped3A = tpu.sem_alloc : memref<!tpu.dma_semaphore, #tpu.memory_space<semaphore_mem>>
        %dma_start3A_135 = arith.constant 0 : i32
        %dma_start3A_136 = arith.constant 0 : i32
        %dma_start3A_137 = tpu.memref_slice %arg13[%dma_start3A_135, %dma_start3A_136] : memref<10112x128xf32, #tpu.memory_space<vmem_shared>> -> memref<10112x128xf32, #tpu.memory_space<vmem_shared>>
        tpu.enqueue_indirect_dma source(%arg12 : memref<128x128xf32, #tpu.memory_space<vmem>>) target(%dma_start3A_137 : memref<10112x128xf32, #tpu.memory_space<vmem_shared>>) offsets(%arg10 : memref<128xi32, #tpu.memory_space<vmem>>) semaphore(%run_scoped3A : memref<!tpu.dma_semaphore, #tpu.memory_space<semaphore_mem>>) {add = true}
        %dma_wait3A_138 = arith.constant 0 : i32
        %dma_wait3A_139 = arith.constant 0 : i32
        %dma_wait3A_140 = tpu.memref_slice %arg13[%dma_wait3A_138, %dma_wait3A_139] : memref<10112x128xf32, #tpu.memory_space<vmem_shared>> -> memref<10112x128xf32, #tpu.memory_space<vmem_shared>>
        tpu.wait_indirect_dma semaphore(%run_scoped3A : memref<!tpu.dma_semaphore, #tpu.memory_space<semaphore_mem>>) src(%arg12 : memref<128x128xf32, #tpu.memory_space<vmem>>) dst(%dma_wait3A_140 : memref<10112x128xf32, #tpu.memory_space<vmem_shared>>)
        tpu.yield
      }) : () -> ()
    }
    %while3A_69 = arith.constant 1 : i32
    scf.for %while3A_108 = %while3A_67 to %while3A_63 step %while3A_69  : i32 {
      %mul3A_109 = arith.constant 2 : i32
      %mul3A_110 = arith.muli %mul3A_109, %while3A_108 : i32
      %add3A_111 = arith.constant 1 : i32
      %add3A_112 = arith.addi %mul3A_110, %add3A_111 : i32
      %mul3A_113 = arith.constant 128 : i32
      %mul3A_114 = arith.muli %add3A_112, %mul3A_113 : i32
      %add3A_115 = arith.addi %mul3A_4, %mul3A_114 : i32
      "tpu.region"() ({
        %run_scoped3A = tpu.sem_alloc : memref<!tpu.dma_semaphore, #tpu.memory_space<semaphore_mem>>
        %dma_start3A_135 = tpu.memref_slice %arg3[%add3A_115] : memref<323584xi32, #tpu.memory_space<hbm>> -> memref<128xi32, #tpu.memory_space<hbm>>
        %dma_start3A_136 = tpu.memref_slice %arg3[%add3A_115] : memref<323584xi32, #tpu.memory_space<hbm>> -> memref<128xi32, #tpu.memory_space<hbm>>
        tpu.enqueue_dma source(%dma_start3A_136 : memref<128xi32, #tpu.memory_space<hbm>>) target(%arg8 : memref<128xi32, #tpu.memory_space<vmem>>) target_semaphore(%run_scoped3A : memref<!tpu.dma_semaphore, #tpu.memory_space<semaphore_mem>>)
        %dma_wait3A_137 = tpu.memref_slice %arg3[%add3A_115] : memref<323584xi32, #tpu.memory_space<hbm>> -> memref<128xi32, #tpu.memory_space<hbm>>
        %dma_wait3A_138 = tpu.memref_slice %arg3[%add3A_115] : memref<323584xi32, #tpu.memory_space<hbm>> -> memref<128xi32, #tpu.memory_space<hbm>>
        tpu.wait_dma2 semaphore(%run_scoped3A : memref<!tpu.dma_semaphore, #tpu.memory_space<semaphore_mem>>) src(%dma_wait3A_138 : memref<128xi32, #tpu.memory_space<hbm>>) dst(%arg8 : memref<128xi32, #tpu.memory_space<vmem>>)
        tpu.yield
      }) : () -> ()
      "tpu.region"() ({
        %run_scoped3A = tpu.sem_alloc : memref<!tpu.dma_semaphore, #tpu.memory_space<semaphore_mem>>
        %dma_start3A_135 = tpu.memref_slice %arg4[%add3A_115] : memref<323584xi32, #tpu.memory_space<hbm>> -> memref<128xi32, #tpu.memory_space<hbm>>
        %dma_start3A_136 = tpu.memref_slice %arg4[%add3A_115] : memref<323584xi32, #tpu.memory_space<hbm>> -> memref<128xi32, #tpu.memory_space<hbm>>
        tpu.enqueue_dma source(%dma_start3A_136 : memref<128xi32, #tpu.memory_space<hbm>>) target(%arg10 : memref<128xi32, #tpu.memory_space<vmem>>) target_semaphore(%run_scoped3A : memref<!tpu.dma_semaphore, #tpu.memory_space<semaphore_mem>>)
        %dma_wait3A_137 = tpu.memref_slice %arg4[%add3A_115] : memref<323584xi32, #tpu.memory_space<hbm>> -> memref<128xi32, #tpu.memory_space<hbm>>
        %dma_wait3A_138 = tpu.memref_slice %arg4[%add3A_115] : memref<323584xi32, #tpu.memory_space<hbm>> -> memref<128xi32, #tpu.memory_space<hbm>>
        tpu.wait_dma2 semaphore(%run_scoped3A : memref<!tpu.dma_semaphore, #tpu.memory_space<semaphore_mem>>) src(%dma_wait3A_138 : memref<128xi32, #tpu.memory_space<hbm>>) dst(%arg10 : memref<128xi32, #tpu.memory_space<vmem>>)
        tpu.yield
      }) : () -> ()
      %dma_start3A_116 = arith.constant 0 : i32
      %dma_start3A_117 = arith.constant 0 : i32
      %dma_start3A_118 = tpu.memref_slice %arg2[%dma_start3A_116, %dma_start3A_117] : memref<10112x128xf32, #tpu.memory_space<hbm>> -> memref<10112x128xf32, #tpu.memory_space<hbm>>
      tpu.enqueue_indirect_dma source(%dma_start3A_118 : memref<10112x128xf32, #tpu.memory_space<hbm>>) target(%arg12 : memref<128x128xf32, #tpu.memory_space<vmem>>) offsets(%arg8 : memref<128xi32, #tpu.memory_space<vmem>>) semaphore(%arg15 : memref<!tpu.dma_semaphore, #tpu.memory_space<semaphore_mem>>)
      %dma_wait3A_119 = arith.constant 0 : i32
      %dma_wait3A_120 = arith.constant 0 : i32
      %dma_wait3A_121 = tpu.memref_slice %arg2[%dma_wait3A_119, %dma_wait3A_120] : memref<10112x128xf32, #tpu.memory_space<hbm>> -> memref<10112x128xf32, #tpu.memory_space<hbm>>
      tpu.wait_indirect_dma semaphore(%arg14 : memref<!tpu.dma_semaphore, #tpu.memory_space<semaphore_mem>>) src(%dma_wait3A_121 : memref<10112x128xf32, #tpu.memory_space<hbm>>) dst(%arg11 : memref<128x128xf32, #tpu.memory_space<vmem>>)
      "tpu.region"() ({
        %run_scoped3A = tpu.sem_alloc : memref<!tpu.dma_semaphore, #tpu.memory_space<semaphore_mem>>
        %dma_start3A_135 = arith.constant 0 : i32
        %dma_start3A_136 = arith.constant 0 : i32
        %dma_start3A_137 = tpu.memref_slice %arg13[%dma_start3A_135, %dma_start3A_136] : memref<10112x128xf32, #tpu.memory_space<vmem_shared>> -> memref<10112x128xf32, #tpu.memory_space<vmem_shared>>
        tpu.enqueue_indirect_dma source(%arg11 : memref<128x128xf32, #tpu.memory_space<vmem>>) target(%dma_start3A_137 : memref<10112x128xf32, #tpu.memory_space<vmem_shared>>) offsets(%arg9 : memref<128xi32, #tpu.memory_space<vmem>>) semaphore(%run_scoped3A : memref<!tpu.dma_semaphore, #tpu.memory_space<semaphore_mem>>) {add = true}
        %dma_wait3A_138 = arith.constant 0 : i32
        %dma_wait3A_139 = arith.constant 0 : i32
        %dma_wait3A_140 = tpu.memref_slice %arg13[%dma_wait3A_138, %dma_wait3A_139] : memref<10112x128xf32, #tpu.memory_space<vmem_shared>> -> memref<10112x128xf32, #tpu.memory_space<vmem_shared>>
        tpu.wait_indirect_dma semaphore(%run_scoped3A : memref<!tpu.dma_semaphore, #tpu.memory_space<semaphore_mem>>) src(%arg11 : memref<128x128xf32, #tpu.memory_space<vmem>>) dst(%dma_wait3A_140 : memref<10112x128xf32, #tpu.memory_space<vmem_shared>>)
        tpu.yield
      }) : () -> ()
      %mul3A_122 = arith.constant 2 : i32
      %mul3A_123 = arith.muli %mul3A_122, %while3A_108 : i32
      %add3A_124 = arith.constant 2 : i32
      %add3A_125 = arith.addi %mul3A_123, %add3A_124 : i32
      %mul3A_126 = arith.constant 128 : i32
      %mul3A_127 = arith.muli %add3A_125, %mul3A_126 : i32
      %add3A_128 = arith.addi %mul3A_4, %mul3A_127 : i32
      "tpu.region"() ({
        %run_scoped3A = tpu.sem_alloc : memref<!tpu.dma_semaphore, #tpu.memory_space<semaphore_mem>>
        %dma_start3A_135 = tpu.memref_slice %arg3[%add3A_128] : memref<323584xi32, #tpu.memory_space<hbm>> -> memref<128xi32, #tpu.memory_space<hbm>>
        %dma_start3A_136 = tpu.memref_slice %arg3[%add3A_128] : memref<323584xi32, #tpu.memory_space<hbm>> -> memref<128xi32, #tpu.memory_space<hbm>>
        tpu.enqueue_dma source(%dma_start3A_136 : memref<128xi32, #tpu.memory_space<hbm>>) target(%arg7 : memref<128xi32, #tpu.memory_space<vmem>>) target_semaphore(%run_scoped3A : memref<!tpu.dma_semaphore, #tpu.memory_space<semaphore_mem>>)
        %dma_wait3A_137 = tpu.memref_slice %arg3[%add3A_128] : memref<323584xi32, #tpu.memory_space<hbm>> -> memref<128xi32, #tpu.memory_space<hbm>>
        %dma_wait3A_138 = tpu.memref_slice %arg3[%add3A_128] : memref<323584xi32, #tpu.memory_space<hbm>> -> memref<128xi32, #tpu.memory_space<hbm>>
        tpu.wait_dma2 semaphore(%run_scoped3A : memref<!tpu.dma_semaphore, #tpu.memory_space<semaphore_mem>>) src(%dma_wait3A_138 : memref<128xi32, #tpu.memory_space<hbm>>) dst(%arg7 : memref<128xi32, #tpu.memory_space<vmem>>)
        tpu.yield
      }) : () -> ()
      "tpu.region"() ({
        %run_scoped3A = tpu.sem_alloc : memref<!tpu.dma_semaphore, #tpu.memory_space<semaphore_mem>>
        %dma_start3A_135 = tpu.memref_slice %arg4[%add3A_128] : memref<323584xi32, #tpu.memory_space<hbm>> -> memref<128xi32, #tpu.memory_space<hbm>>
        %dma_start3A_136 = tpu.memref_slice %arg4[%add3A_128] : memref<323584xi32, #tpu.memory_space<hbm>> -> memref<128xi32, #tpu.memory_space<hbm>>
        tpu.enqueue_dma source(%dma_start3A_136 : memref<128xi32, #tpu.memory_space<hbm>>) target(%arg9 : memref<128xi32, #tpu.memory_space<vmem>>) target_semaphore(%run_scoped3A : memref<!tpu.dma_semaphore, #tpu.memory_space<semaphore_mem>>)
        %dma_wait3A_137 = tpu.memref_slice %arg4[%add3A_128] : memref<323584xi32, #tpu.memory_space<hbm>> -> memref<128xi32, #tpu.memory_space<hbm>>
        %dma_wait3A_138 = tpu.memref_slice %arg4[%add3A_128] : memref<323584xi32, #tpu.memory_space<hbm>> -> memref<128xi32, #tpu.memory_space<hbm>>
        tpu.wait_dma2 semaphore(%run_scoped3A : memref<!tpu.dma_semaphore, #tpu.memory_space<semaphore_mem>>) src(%dma_wait3A_138 : memref<128xi32, #tpu.memory_space<hbm>>) dst(%arg9 : memref<128xi32, #tpu.memory_space<vmem>>)
        tpu.yield
      }) : () -> ()
      %dma_start3A_129 = arith.constant 0 : i32
      %dma_start3A_130 = arith.constant 0 : i32
      %dma_start3A_131 = tpu.memref_slice %arg2[%dma_start3A_129, %dma_start3A_130] : memref<10112x128xf32, #tpu.memory_space<hbm>> -> memref<10112x128xf32, #tpu.memory_space<hbm>>
      tpu.enqueue_indirect_dma source(%dma_start3A_131 : memref<10112x128xf32, #tpu.memory_space<hbm>>) target(%arg11 : memref<128x128xf32, #tpu.memory_space<vmem>>) offsets(%arg7 : memref<128xi32, #tpu.memory_space<vmem>>) semaphore(%arg14 : memref<!tpu.dma_semaphore, #tpu.memory_space<semaphore_mem>>)
      %dma_wait3A_132 = arith.constant 0 : i32
      %dma_wait3A_133 = arith.constant 0 : i32
      %dma_wait3A_134 = tpu.memref_slice %arg2[%dma_wait3A_132, %dma_wait3A_133] : memref<10112x128xf32, #tpu.memory_space<hbm>> -> memref<10112x128xf32, #tpu.memory_space<hbm>>
      tpu.wait_indirect_dma semaphore(%arg15 : memref<!tpu.dma_semaphore, #tpu.memory_space<semaphore_mem>>) src(%dma_wait3A_134 : memref<10112x128xf32, #tpu.memory_space<hbm>>) dst(%arg12 : memref<128x128xf32, #tpu.memory_space<vmem>>)
      "tpu.region"() ({
        %run_scoped3A = tpu.sem_alloc : memref<!tpu.dma_semaphore, #tpu.memory_space<semaphore_mem>>
        %dma_start3A_135 = arith.constant 0 : i32
        %dma_start3A_136 = arith.constant 0 : i32
        %dma_start3A_137 = tpu.memref_slice %arg13[%dma_start3A_135, %dma_start3A_136] : memref<10112x128xf32, #tpu.memory_space<vmem_shared>> -> memref<10112x128xf32, #tpu.memory_space<vmem_shared>>
        tpu.enqueue_indirect_dma source(%arg12 : memref<128x128xf32, #tpu.memory_space<vmem>>) target(%dma_start3A_137 : memref<10112x128xf32, #tpu.memory_space<vmem_shared>>) offsets(%arg10 : memref<128xi32, #tpu.memory_space<vmem>>) semaphore(%run_scoped3A : memref<!tpu.dma_semaphore, #tpu.memory_space<semaphore_mem>>) {add = true}
        %dma_wait3A_138 = arith.constant 0 : i32
        %dma_wait3A_139 = arith.constant 0 : i32
        %dma_wait3A_140 = tpu.memref_slice %arg13[%dma_wait3A_138, %dma_wait3A_139] : memref<10112x128xf32, #tpu.memory_space<vmem_shared>> -> memref<10112x128xf32, #tpu.memory_space<vmem_shared>>
        tpu.wait_indirect_dma semaphore(%run_scoped3A : memref<!tpu.dma_semaphore, #tpu.memory_space<semaphore_mem>>) src(%arg12 : memref<128x128xf32, #tpu.memory_space<vmem>>) dst(%dma_wait3A_140 : memref<10112x128xf32, #tpu.memory_space<vmem_shared>>)
        tpu.yield
      }) : () -> ()
    }
    %dma_wait3A = arith.constant 0 : i32
    %dma_wait3A_70 = arith.constant 0 : i32
    %dma_wait3A_71 = tpu.memref_slice %arg2[%dma_wait3A, %dma_wait3A_70] : memref<10112x128xf32, #tpu.memory_space<hbm>> -> memref<10112x128xf32, #tpu.memory_space<hbm>>
    tpu.wait_indirect_dma semaphore(%arg14 : memref<!tpu.dma_semaphore, #tpu.memory_space<semaphore_mem>>) src(%dma_wait3A_71 : memref<10112x128xf32, #tpu.memory_space<hbm>>) dst(%arg11 : memref<128x128xf32, #tpu.memory_space<vmem>>)
    "tpu.region"() ({
      %run_scoped3A = tpu.sem_alloc : memref<!tpu.dma_semaphore, #tpu.memory_space<semaphore_mem>>
      %dma_start3A_108 = arith.constant 0 : i32
      %dma_start3A_109 = arith.constant 0 : i32
      %dma_start3A_110 = tpu.memref_slice %arg13[%dma_start3A_108, %dma_start3A_109] : memref<10112x128xf32, #tpu.memory_space<vmem_shared>> -> memref<10112x128xf32, #tpu.memory_space<vmem_shared>>
      tpu.enqueue_indirect_dma source(%arg11 : memref<128x128xf32, #tpu.memory_space<vmem>>) target(%dma_start3A_110 : memref<10112x128xf32, #tpu.memory_space<vmem_shared>>) offsets(%arg9 : memref<128xi32, #tpu.memory_space<vmem>>) semaphore(%run_scoped3A : memref<!tpu.dma_semaphore, #tpu.memory_space<semaphore_mem>>) {add = true}
      %dma_wait3A_111 = arith.constant 0 : i32
      %dma_wait3A_112 = arith.constant 0 : i32
      %dma_wait3A_113 = tpu.memref_slice %arg13[%dma_wait3A_111, %dma_wait3A_112] : memref<10112x128xf32, #tpu.memory_space<vmem_shared>> -> memref<10112x128xf32, #tpu.memory_space<vmem_shared>>
      tpu.wait_indirect_dma semaphore(%run_scoped3A : memref<!tpu.dma_semaphore, #tpu.memory_space<semaphore_mem>>) src(%arg11 : memref<128x128xf32, #tpu.memory_space<vmem>>) dst(%dma_wait3A_113 : memref<10112x128xf32, #tpu.memory_space<vmem_shared>>)
      tpu.yield
    }) : () -> ()
    %barrier3A_72 = arith.constant 0 : index
    tpu.barrier barrier_id(%barrier3A_72)
    %add3A_73 = arith.constant 0 : i32
    %add3A_74 = arith.addi %arg1, %add3A_73 : i32
    %lt3A_75 = arith.constant 79 : i32
    %lt3A_76 = arith.cmpi slt, %add3A_74, %lt3A_75 : i32
    %convert_element_type3A_77 = arith.extui %lt3A_76 : i1 to i32
    %cond3A_78 = arith.constant 0 : i32
    %cond3A_79 = arith.cmpi ne, %convert_element_type3A_77, %cond3A_78 : i32
    scf.if %cond3A_79 {
      %mul3A_108 = arith.constant 128 : i32
      %mul3A_109 = arith.muli %add3A_74, %mul3A_108 : i32
      %mul3A_110 = arith.constant 10112 : i32
      %mul3A_111 = arith.muli %arg0, %mul3A_110 : i32
      %mul3A_112 = arith.constant 128 : i32
      %mul3A_113 = arith.muli %add3A_74, %mul3A_112 : i32
      %add3A_114 = arith.addi %mul3A_111, %mul3A_113 : i32
      "tpu.region"() ({
        %run_scoped3A = tpu.sem_alloc : memref<!tpu.dma_semaphore, #tpu.memory_space<semaphore_mem>>
        %dma_start3A_115 = arith.constant 0 : i32
        %dma_start3A_116 = tpu.memref_slice %arg6[%add3A_114, %dma_start3A_115] : memref<20224x128xf32, #tpu.memory_space<hbm>> -> memref<128x128xf32, #tpu.memory_space<hbm>>
        %dma_start3A_117 = arith.constant 0 : i32
        %dma_start3A_118 = tpu.memref_slice %arg13[%mul3A_109, %dma_start3A_117] : memref<10112x128xf32, #tpu.memory_space<vmem_shared>> -> memref<128x128xf32, #tpu.memory_space<vmem_shared>>
        tpu.enqueue_dma source(%dma_start3A_118 : memref<128x128xf32, #tpu.memory_space<vmem_shared>>) target(%dma_start3A_116 : memref<128x128xf32, #tpu.memory_space<hbm>>) target_semaphore(%run_scoped3A : memref<!tpu.dma_semaphore, #tpu.memory_space<semaphore_mem>>)
        %dma_wait3A_119 = arith.constant 0 : i32
        %dma_wait3A_120 = tpu.memref_slice %arg6[%add3A_114, %dma_wait3A_119] : memref<20224x128xf32, #tpu.memory_space<hbm>> -> memref<128x128xf32, #tpu.memory_space<hbm>>
        %dma_wait3A_121 = arith.constant 0 : i32
        %dma_wait3A_122 = tpu.memref_slice %arg13[%mul3A_109, %dma_wait3A_121] : memref<10112x128xf32, #tpu.memory_space<vmem_shared>> -> memref<128x128xf32, #tpu.memory_space<vmem_shared>>
        tpu.wait_dma2 semaphore(%run_scoped3A : memref<!tpu.dma_semaphore, #tpu.memory_space<semaphore_mem>>) src(%dma_wait3A_122 : memref<128x128xf32, #tpu.memory_space<vmem_shared>>) dst(%dma_wait3A_120 : memref<128x128xf32, #tpu.memory_space<hbm>>)
        tpu.yield
      }) : () -> ()
    } else {
    }
    %add3A_80 = arith.constant 16 : i32
    %add3A_81 = arith.addi %arg1, %add3A_80 : i32
    %lt3A_82 = arith.constant 79 : i32
    %lt3A_83 = arith.cmpi slt, %add3A_81, %lt3A_82 : i32
    %convert_element_type3A_84 = arith.extui %lt3A_83 : i1 to i32
    %cond3A_85 = arith.constant 0 : i32
    %cond3A_86 = arith.cmpi ne, %convert_element_type3A_84, %cond3A_85 : i32
    scf.if %cond3A_86 {
      %mul3A_108 = arith.constant 128 : i32
      %mul3A_109 = arith.muli %add3A_81, %mul3A_108 : i32
      %mul3A_110 = arith.constant 10112 : i32
      %mul3A_111 = arith.muli %arg0, %mul3A_110 : i32
      %mul3A_112 = arith.constant 128 : i32
      %mul3A_113 = arith.muli %add3A_81, %mul3A_112 : i32
      %add3A_114 = arith.addi %mul3A_111, %mul3A_113 : i32
      "tpu.region"() ({
        %run_scoped3A = tpu.sem_alloc : memref<!tpu.dma_semaphore, #tpu.memory_space<semaphore_mem>>
        %dma_start3A_115 = arith.constant 0 : i32
        %dma_start3A_116 = tpu.memref_slice %arg6[%add3A_114, %dma_start3A_115] : memref<20224x128xf32, #tpu.memory_space<hbm>> -> memref<128x128xf32, #tpu.memory_space<hbm>>
        %dma_start3A_117 = arith.constant 0 : i32
        %dma_start3A_118 = tpu.memref_slice %arg13[%mul3A_109, %dma_start3A_117] : memref<10112x128xf32, #tpu.memory_space<vmem_shared>> -> memref<128x128xf32, #tpu.memory_space<vmem_shared>>
        tpu.enqueue_dma source(%dma_start3A_118 : memref<128x128xf32, #tpu.memory_space<vmem_shared>>) target(%dma_start3A_116 : memref<128x128xf32, #tpu.memory_space<hbm>>) target_semaphore(%run_scoped3A : memref<!tpu.dma_semaphore, #tpu.memory_space<semaphore_mem>>)
        %dma_wait3A_119 = arith.constant 0 : i32
        %dma_wait3A_120 = tpu.memref_slice %arg6[%add3A_114, %dma_wait3A_119] : memref<20224x128xf32, #tpu.memory_space<hbm>> -> memref<128x128xf32, #tpu.memory_space<hbm>>
        %dma_wait3A_121 = arith.constant 0 : i32
        %dma_wait3A_122 = tpu.memref_slice %arg13[%mul3A_109, %dma_wait3A_121] : memref<10112x128xf32, #tpu.memory_space<vmem_shared>> -> memref<128x128xf32, #tpu.memory_space<vmem_shared>>
        tpu.wait_dma2 semaphore(%run_scoped3A : memref<!tpu.dma_semaphore, #tpu.memory_space<semaphore_mem>>) src(%dma_wait3A_122 : memref<128x128xf32, #tpu.memory_space<vmem_shared>>) dst(%dma_wait3A_120 : memref<128x128xf32, #tpu.memory_space<hbm>>)
        tpu.yield
      }) : () -> ()
    } else {
    }
    %add3A_87 = arith.constant 32 : i32
    %add3A_88 = arith.addi %arg1, %add3A_87 : i32
    %lt3A_89 = arith.constant 79 : i32
    %lt3A_90 = arith.cmpi slt, %add3A_88, %lt3A_89 : i32
    %convert_element_type3A_91 = arith.extui %lt3A_90 : i1 to i32
    %cond3A_92 = arith.constant 0 : i32
    %cond3A_93 = arith.cmpi ne, %convert_element_type3A_91, %cond3A_92 : i32
    scf.if %cond3A_93 {
      %mul3A_108 = arith.constant 128 : i32
      %mul3A_109 = arith.muli %add3A_88, %mul3A_108 : i32
      %mul3A_110 = arith.constant 10112 : i32
      %mul3A_111 = arith.muli %arg0, %mul3A_110 : i32
      %mul3A_112 = arith.constant 128 : i32
      %mul3A_113 = arith.muli %add3A_88, %mul3A_112 : i32
      %add3A_114 = arith.addi %mul3A_111, %mul3A_113 : i32
      "tpu.region"() ({
        %run_scoped3A = tpu.sem_alloc : memref<!tpu.dma_semaphore, #tpu.memory_space<semaphore_mem>>
        %dma_start3A_115 = arith.constant 0 : i32
        %dma_start3A_116 = tpu.memref_slice %arg6[%add3A_114, %dma_start3A_115] : memref<20224x128xf32, #tpu.memory_space<hbm>> -> memref<128x128xf32, #tpu.memory_space<hbm>>
        %dma_start3A_117 = arith.constant 0 : i32
        %dma_start3A_118 = tpu.memref_slice %arg13[%mul3A_109, %dma_start3A_117] : memref<10112x128xf32, #tpu.memory_space<vmem_shared>> -> memref<128x128xf32, #tpu.memory_space<vmem_shared>>
        tpu.enqueue_dma source(%dma_start3A_118 : memref<128x128xf32, #tpu.memory_space<vmem_shared>>) target(%dma_start3A_116 : memref<128x128xf32, #tpu.memory_space<hbm>>) target_semaphore(%run_scoped3A : memref<!tpu.dma_semaphore, #tpu.memory_space<semaphore_mem>>)
        %dma_wait3A_119 = arith.constant 0 : i32
        %dma_wait3A_120 = tpu.memref_slice %arg6[%add3A_114, %dma_wait3A_119] : memref<20224x128xf32, #tpu.memory_space<hbm>> -> memref<128x128xf32, #tpu.memory_space<hbm>>
        %dma_wait3A_121 = arith.constant 0 : i32
        %dma_wait3A_122 = tpu.memref_slice %arg13[%mul3A_109, %dma_wait3A_121] : memref<10112x128xf32, #tpu.memory_space<vmem_shared>> -> memref<128x128xf32, #tpu.memory_space<vmem_shared>>
        tpu.wait_dma2 semaphore(%run_scoped3A : memref<!tpu.dma_semaphore, #tpu.memory_space<semaphore_mem>>) src(%dma_wait3A_122 : memref<128x128xf32, #tpu.memory_space<vmem_shared>>) dst(%dma_wait3A_120 : memref<128x128xf32, #tpu.memory_space<hbm>>)
        tpu.yield
      }) : () -> ()
    } else {
    }
    %add3A_94 = arith.constant 48 : i32
    %add3A_95 = arith.addi %arg1, %add3A_94 : i32
    %lt3A_96 = arith.constant 79 : i32
    %lt3A_97 = arith.cmpi slt, %add3A_95, %lt3A_96 : i32
    %convert_element_type3A_98 = arith.extui %lt3A_97 : i1 to i32
    %cond3A_99 = arith.constant 0 : i32
    %cond3A_100 = arith.cmpi ne, %convert_element_type3A_98, %cond3A_99 : i32
    scf.if %cond3A_100 {
      %mul3A_108 = arith.constant 128 : i32
      %mul3A_109 = arith.muli %add3A_95, %mul3A_108 : i32
      %mul3A_110 = arith.constant 10112 : i32
      %mul3A_111 = arith.muli %arg0, %mul3A_110 : i32
      %mul3A_112 = arith.constant 128 : i32
      %mul3A_113 = arith.muli %add3A_95, %mul3A_112 : i32
      %add3A_114 = arith.addi %mul3A_111, %mul3A_113 : i32
      "tpu.region"() ({
        %run_scoped3A = tpu.sem_alloc : memref<!tpu.dma_semaphore, #tpu.memory_space<semaphore_mem>>
        %dma_start3A_115 = arith.constant 0 : i32
        %dma_start3A_116 = tpu.memref_slice %arg6[%add3A_114, %dma_start3A_115] : memref<20224x128xf32, #tpu.memory_space<hbm>> -> memref<128x128xf32, #tpu.memory_space<hbm>>
        %dma_start3A_117 = arith.constant 0 : i32
        %dma_start3A_118 = tpu.memref_slice %arg13[%mul3A_109, %dma_start3A_117] : memref<10112x128xf32, #tpu.memory_space<vmem_shared>> -> memref<128x128xf32, #tpu.memory_space<vmem_shared>>
        tpu.enqueue_dma source(%dma_start3A_118 : memref<128x128xf32, #tpu.memory_space<vmem_shared>>) target(%dma_start3A_116 : memref<128x128xf32, #tpu.memory_space<hbm>>) target_semaphore(%run_scoped3A : memref<!tpu.dma_semaphore, #tpu.memory_space<semaphore_mem>>)
        %dma_wait3A_119 = arith.constant 0 : i32
        %dma_wait3A_120 = tpu.memref_slice %arg6[%add3A_114, %dma_wait3A_119] : memref<20224x128xf32, #tpu.memory_space<hbm>> -> memref<128x128xf32, #tpu.memory_space<hbm>>
        %dma_wait3A_121 = arith.constant 0 : i32
        %dma_wait3A_122 = tpu.memref_slice %arg13[%mul3A_109, %dma_wait3A_121] : memref<10112x128xf32, #tpu.memory_space<vmem_shared>> -> memref<128x128xf32, #tpu.memory_space<vmem_shared>>
        tpu.wait_dma2 semaphore(%run_scoped3A : memref<!tpu.dma_semaphore, #tpu.memory_space<semaphore_mem>>) src(%dma_wait3A_122 : memref<128x128xf32, #tpu.memory_space<vmem_shared>>) dst(%dma_wait3A_120 : memref<128x128xf32, #tpu.memory_space<hbm>>)
        tpu.yield
      }) : () -> ()
    } else {
    }
    %add3A_101 = arith.constant 64 : i32
    %add3A_102 = arith.addi %arg1, %add3A_101 : i32
    %lt3A_103 = arith.constant 79 : i32
    %lt3A_104 = arith.cmpi slt, %add3A_102, %lt3A_103 : i32
    %convert_element_type3A_105 = arith.extui %lt3A_104 : i1 to i32
    %cond3A_106 = arith.constant 0 : i32
    %cond3A_107 = arith.cmpi ne, %convert_element_type3A_105, %cond3A_106 : i32
    scf.if %cond3A_107 {
      %mul3A_108 = arith.constant 128 : i32
      %mul3A_109 = arith.muli %add3A_102, %mul3A_108 : i32
      %mul3A_110 = arith.constant 10112 : i32
      %mul3A_111 = arith.muli %arg0, %mul3A_110 : i32
      %mul3A_112 = arith.constant 128 : i32
      %mul3A_113 = arith.muli %add3A_102, %mul3A_112 : i32
      %add3A_114 = arith.addi %mul3A_111, %mul3A_113 : i32
      "tpu.region"() ({
        %run_scoped3A = tpu.sem_alloc : memref<!tpu.dma_semaphore, #tpu.memory_space<semaphore_mem>>
        %dma_start3A_115 = arith.constant 0 : i32
        %dma_start3A_116 = tpu.memref_slice %arg6[%add3A_114, %dma_start3A_115] : memref<20224x128xf32, #tpu.memory_space<hbm>> -> memref<128x128xf32, #tpu.memory_space<hbm>>
        %dma_start3A_117 = arith.constant 0 : i32
        %dma_start3A_118 = tpu.memref_slice %arg13[%mul3A_109, %dma_start3A_117] : memref<10112x128xf32, #tpu.memory_space<vmem_shared>> -> memref<128x128xf32, #tpu.memory_space<vmem_shared>>
        tpu.enqueue_dma source(%dma_start3A_118 : memref<128x128xf32, #tpu.memory_space<vmem_shared>>) target(%dma_start3A_116 : memref<128x128xf32, #tpu.memory_space<hbm>>) target_semaphore(%run_scoped3A : memref<!tpu.dma_semaphore, #tpu.memory_space<semaphore_mem>>)
        %dma_wait3A_119 = arith.constant 0 : i32
        %dma_wait3A_120 = tpu.memref_slice %arg6[%add3A_114, %dma_wait3A_119] : memref<20224x128xf32, #tpu.memory_space<hbm>> -> memref<128x128xf32, #tpu.memory_space<hbm>>
        %dma_wait3A_121 = arith.constant 0 : i32
        %dma_wait3A_122 = tpu.memref_slice %arg13[%mul3A_109, %dma_wait3A_121] : memref<10112x128xf32, #tpu.memory_space<vmem_shared>> -> memref<128x128xf32, #tpu.memory_space<vmem_shared>>
        tpu.wait_dma2 semaphore(%run_scoped3A : memref<!tpu.dma_semaphore, #tpu.memory_space<semaphore_mem>>) src(%dma_wait3A_122 : memref<128x128xf32, #tpu.memory_space<vmem_shared>>) dst(%dma_wait3A_120 : memref<128x128xf32, #tpu.memory_space<hbm>>)
        tpu.yield
      }) : () -> ()
    } else {
    }
    return
  }
}

module attributes {stable_mosaic.version = 14 : i64} {
  func.func @_tc_first_body(%arg0: i32, %arg1: memref<1024x128xf32, #tpu.memory_space<vmem>>, %arg2: memref<128x128xf32, #tpu.memory_space<vmem>>, %arg3: memref<1x128xf32, #tpu.memory_space<vmem>>, %arg4: memref<1024x1xf32, #tpu.memory_space<vmem>>, %arg5: memref<1024x1xf32, #tpu.memory_space<vmem>>, %arg6: memref<1024x1xf32, #tpu.memory_space<vmem>>, %arg7: memref<1024x1xf32, #tpu.memory_space<vmem>>, %arg8: memref<1024x128xf32, #tpu.memory_space<vmem>>, %arg9: memref<1024x128xf32, #tpu.memory_space<vmem>>, %arg10: memref<1024x1xf32, #tpu.memory_space<vmem>>, %arg11: memref<1024x1xf32, #tpu.memory_space<vmem>>) attributes {dimension_semantics = [#tpu.dimension_semantics<arbitrary>], iteration_bounds = array<i64: 10>, scalar_prefetch = 0 : i64, scratch_operands = 0 : i64, tpu.core_type = #tpu.core_type<tc>, window_params = [{transform_indices = @transform_0, window_bounds = array<i64: 1024, 128>}, {pipeline_mode = #tpu.pipeline_mode<synchronous>, transform_indices = @transform_1, window_bounds = array<i64: 128, 128>}, {pipeline_mode = #tpu.pipeline_mode<synchronous>, transform_indices = @transform_2, window_bounds = array<i64: 1, 128>}, {transform_indices = @transform_3, window_bounds = array<i64: 1024, 1>}, {transform_indices = @transform_4, window_bounds = array<i64: 1024, 1>}, {transform_indices = @transform_5, window_bounds = array<i64: 1024, 1>}, {transform_indices = @transform_6, window_bounds = array<i64: 1024, 1>}, {transform_indices = @transform_7, window_bounds = array<i64: 1024, 128>}, {transform_indices = @transform_8, window_bounds = array<i64: 1024, 128>}, {transform_indices = @transform_9, window_bounds = array<i64: 1024, 1>}, {transform_indices = @transform_10, window_bounds = array<i64: 1024, 1>}]} {
    %get3A = arith.constant 0 : index
    %get3A_0 = arith.constant 0 : index
    %get3A_1 = vector.load %arg1[%get3A, %get3A_0] : memref<1024x128xf32, #tpu.memory_space<vmem>>, vector<1024x128xf32>
    %get3A_2 = arith.constant 0 : index
    %get3A_3 = arith.constant 0 : index
    %get3A_4 = vector.load %arg2[%get3A_2, %get3A_3] : memref<128x128xf32, #tpu.memory_space<vmem>>, vector<128x128xf32>
    %dot_general3A = arith.constant dense<0.000000e+00> : vector<1024x128xf32>
    %dot_general3A_5 = tpu.matmul %get3A_1, %get3A_4, %dot_general3A {dimension_numbers = #tpu.dot_dimension_numbers<[1], [1], [0], [0], [0, 0, 1, 0], [], []>, transpose_lhs_hint = false} : vector<1024x128xf32>, vector<128x128xf32>, vector<1024x128xf32> -> vector<1024x128xf32>
    %get3A_6 = arith.constant 0 : index
    %get3A_7 = arith.constant 0 : index
    %get3A_8 = vector.load %arg3[%get3A_6, %get3A_7] : memref<1x128xf32, #tpu.memory_space<vmem>>, vector<1x128xf32>
    %add3A = vector.broadcast %get3A_8 : vector<1x128xf32> to vector<1024x128xf32>
    %add3A_9 = arith.addf %dot_general3A_5, %add3A : vector<1024x128xf32>
    %get3A_10 = arith.constant 0 : index
    %get3A_11 = arith.constant 0 : index
    %get3A_12 = vector.load %arg4[%get3A_10, %get3A_11] : memref<1024x1xf32, #tpu.memory_space<vmem>>, vector<1024x1xf32>
    %get3A_13 = arith.constant 0 : index
    %get3A_14 = arith.constant 0 : index
    %get3A_15 = vector.load %arg5[%get3A_13, %get3A_14] : memref<1024x1xf32, #tpu.memory_space<vmem>>, vector<1024x1xf32>
    %add3A_16 = arith.addf %get3A_12, %get3A_15 : vector<1024x1xf32>
    %add3A_17 = arith.constant 1.000000e+00 : f32
    %add3A_18 = vector.broadcast %add3A_17 : f32 to vector<1024x1xf32>
    %add3A_19 = arith.addf %add3A_16, %add3A_18 : vector<1024x1xf32>
    %rsqrt3A = math.rsqrt %add3A_19 : vector<1024x1xf32>
    %get3A_20 = arith.constant 0 : index
    %get3A_21 = arith.constant 0 : index
    %get3A_22 = vector.load %arg6[%get3A_20, %get3A_21] : memref<1024x1xf32, #tpu.memory_space<vmem>>, vector<1024x1xf32>
    %get3A_23 = arith.constant 0 : index
    %get3A_24 = arith.constant 0 : index
    %get3A_25 = vector.load %arg7[%get3A_23, %get3A_24] : memref<1024x1xf32, #tpu.memory_space<vmem>>, vector<1024x1xf32>
    %add3A_26 = arith.addf %get3A_22, %get3A_25 : vector<1024x1xf32>
    %add3A_27 = arith.constant 1.000000e+00 : f32
    %add3A_28 = vector.broadcast %add3A_27 : f32 to vector<1024x1xf32>
    %add3A_29 = arith.addf %add3A_26, %add3A_28 : vector<1024x1xf32>
    %rsqrt3A_30 = math.rsqrt %add3A_29 : vector<1024x1xf32>
    %swap3A = arith.constant 0 : index
    %swap3A_31 = arith.constant 0 : index
    %swap3A_32 = vector.load %arg8[%swap3A, %swap3A_31] : memref<1024x128xf32, #tpu.memory_space<vmem>>, vector<1024x128xf32>
    tpu.vector_store %arg8[%swap3A, %swap3A_31], %add3A_9 {strides = array<i32>} : memref<1024x128xf32, #tpu.memory_space<vmem>>, vector<1024x128xf32>,
    %mul3A = vector.broadcast %rsqrt3A : vector<1024x1xf32> to vector<1024x128xf32>
    %mul3A_33 = arith.mulf %mul3A, %add3A_9 : vector<1024x128xf32>
    %swap3A_34 = arith.constant 0 : index
    %swap3A_35 = arith.constant 0 : index
    %swap3A_36 = vector.load %arg9[%swap3A_34, %swap3A_35] : memref<1024x128xf32, #tpu.memory_space<vmem>>, vector<1024x128xf32>
    tpu.vector_store %arg9[%swap3A_34, %swap3A_35], %mul3A_33 {strides = array<i32>} : memref<1024x128xf32, #tpu.memory_space<vmem>>, vector<1024x128xf32>,
    %swap3A_37 = arith.constant 0 : index
    %swap3A_38 = arith.constant 0 : index
    %swap3A_39 = vector.load %arg10[%swap3A_37, %swap3A_38] : memref<1024x1xf32, #tpu.memory_space<vmem>>, vector<1024x1xf32>
    tpu.vector_store %arg10[%swap3A_37, %swap3A_38], %rsqrt3A {strides = array<i32>} : memref<1024x1xf32, #tpu.memory_space<vmem>>, vector<1024x1xf32>,
    %swap3A_40 = arith.constant 0 : index
    %swap3A_41 = arith.constant 0 : index
    %swap3A_42 = vector.load %arg11[%swap3A_40, %swap3A_41] : memref<1024x1xf32, #tpu.memory_space<vmem>>, vector<1024x1xf32>
    tpu.vector_store %arg11[%swap3A_40, %swap3A_41], %rsqrt3A_30 {strides = array<i32>} : memref<1024x1xf32, #tpu.memory_space<vmem>>, vector<1024x1xf32>,
    return
  }
  func.func @transform_0(%arg0: i32) -> (i32, i32) {
    %c0_i32 = arith.constant 0 : i32
    %c0_i32_0 = arith.constant 0 : i32
    return %arg0, %c0_i32 : i32, i32
  }
  func.func @transform_1(%arg0: i32) -> (i32, i32) {
    %c0_i32 = arith.constant 0 : i32
    %c0_i32_0 = arith.constant 0 : i32
    %c0_i32_1 = arith.constant 0 : i32
    return %c0_i32, %c0_i32_0 : i32, i32
  }
  func.func @transform_2(%arg0: i32) -> (i32, i32) {
    %c0_i32 = arith.constant 0 : i32
    %c0_i32_0 = arith.constant 0 : i32
    %c0_i32_1 = arith.constant 0 : i32
    return %c0_i32, %c0_i32_0 : i32, i32
  }
  func.func @transform_3(%arg0: i32) -> (i32, i32) {
    %c0_i32 = arith.constant 0 : i32
    %c0_i32_0 = arith.constant 0 : i32
    return %arg0, %c0_i32 : i32, i32
  }
  func.func @transform_4(%arg0: i32) -> (i32, i32) {
    %c0_i32 = arith.constant 0 : i32
    %c0_i32_0 = arith.constant 0 : i32
    return %arg0, %c0_i32 : i32, i32
  }
  func.func @transform_5(%arg0: i32) -> (i32, i32) {
    %c0_i32 = arith.constant 0 : i32
    %c0_i32_0 = arith.constant 0 : i32
    return %arg0, %c0_i32 : i32, i32
  }
  func.func @transform_6(%arg0: i32) -> (i32, i32) {
    %c0_i32 = arith.constant 0 : i32
    %c0_i32_0 = arith.constant 0 : i32
    return %arg0, %c0_i32 : i32, i32
  }
  func.func @transform_7(%arg0: i32) -> (i32, i32) {
    %c0_i32 = arith.constant 0 : i32
    %c0_i32_0 = arith.constant 0 : i32
    return %arg0, %c0_i32 : i32, i32
  }
  func.func @transform_8(%arg0: i32) -> (i32, i32) {
    %c0_i32 = arith.constant 0 : i32
    %c0_i32_0 = arith.constant 0 : i32
    return %arg0, %c0_i32 : i32, i32
  }
  func.func @transform_9(%arg0: i32) -> (i32, i32) {
    %c0_i32 = arith.constant 0 : i32
    %c0_i32_0 = arith.constant 0 : i32
    return %arg0, %c0_i32 : i32, i32
  }
  func.func @transform_10(%arg0: i32) -> (i32, i32) {
    %c0_i32 = arith.constant 0 : i32
    %c0_i32_0 = arith.constant 0 : i32
    return %arg0, %c0_i32 : i32, i32
  }
}

module attributes {stable_mosaic.version = 14 : i64} {
  func.func @_tc_mid_body(%arg0: i32, %arg1: memref<2x1024x128xf32, #tpu.memory_space<vmem>>, %arg2: memref<1024x128xf32, #tpu.memory_space<vmem>>, %arg3: memref<1024x1xf32, #tpu.memory_space<vmem>>, %arg4: memref<1024x1xf32, #tpu.memory_space<vmem>>, %arg5: memref<128x128xf32, #tpu.memory_space<vmem>>, %arg6: memref<1x128xf32, #tpu.memory_space<vmem>>, %arg7: memref<1024x128xf32, #tpu.memory_space<vmem>>, %arg8: memref<1024x128xf32, #tpu.memory_space<vmem>>) attributes {dimension_semantics = [#tpu.dimension_semantics<arbitrary>], iteration_bounds = array<i64: 10>, scalar_prefetch = 0 : i64, scratch_operands = 0 : i64, tpu.core_type = #tpu.core_type<tc>, window_params = [{transform_indices = @transform_0, window_bounds = array<i64: 2, 1024, 128>}, {transform_indices = @transform_1, window_bounds = array<i64: 1024, 128>}, {transform_indices = @transform_2, window_bounds = array<i64: 1024, 1>}, {transform_indices = @transform_3, window_bounds = array<i64: 1024, 1>}, {pipeline_mode = #tpu.pipeline_mode<synchronous>, transform_indices = @transform_4, window_bounds = array<i64: 128, 128>}, {pipeline_mode = #tpu.pipeline_mode<synchronous>, transform_indices = @transform_5, window_bounds = array<i64: 1, 128>}, {transform_indices = @transform_6, window_bounds = array<i64: 1024, 128>}, {transform_indices = @transform_7, window_bounds = array<i64: 1024, 128>}]} {
    %get3A = arith.constant 0 : index
    %get3A_0 = arith.constant 0 : index
    %get3A_1 = vector.load %arg4[%get3A, %get3A_0] : memref<1024x1xf32, #tpu.memory_space<vmem>>, vector<1024x1xf32>
    %get3A_2 = arith.constant 0 : index
    %get3A_3 = arith.constant 0 : index
    %get3A_4 = arith.constant 0 : index
    %get3A_5 = vector.load %arg1[%get3A_2, %get3A_3, %get3A_4] : memref<2x1024x128xf32, #tpu.memory_space<vmem>>, vector<1x1024x128xf32>
    %get3A_6 = vector.shape_cast %get3A_5 : vector<1x1024x128xf32> to vector<1024x128xf32>
    %get3A_7 = arith.constant 1 : index
    %get3A_8 = arith.constant 0 : index
    %get3A_9 = arith.constant 0 : index
    %get3A_10 = vector.load %arg1[%get3A_7, %get3A_8, %get3A_9] : memref<2x1024x128xf32, #tpu.memory_space<vmem>>, vector<1x1024x128xf32>
    %get3A_11 = vector.shape_cast %get3A_10 : vector<1x1024x128xf32> to vector<1024x128xf32>
    %add3A = arith.addf %get3A_6, %get3A_11 : vector<1024x128xf32>
    %get3A_12 = arith.constant 0 : index
    %get3A_13 = arith.constant 0 : index
    %get3A_14 = vector.load %arg3[%get3A_12, %get3A_13] : memref<1024x1xf32, #tpu.memory_space<vmem>>, vector<1024x1xf32>
    %get3A_15 = arith.constant 0 : index
    %get3A_16 = arith.constant 0 : index
    %get3A_17 = vector.load %arg2[%get3A_15, %get3A_16] : memref<1024x128xf32, #tpu.memory_space<vmem>>, vector<1024x128xf32>
    %mul3A = vector.broadcast %get3A_14 : vector<1024x1xf32> to vector<1024x128xf32>
    %mul3A_18 = arith.mulf %mul3A, %get3A_17 : vector<1024x128xf32>
    %add3A_19 = arith.addf %add3A, %mul3A_18 : vector<1024x128xf32>
    %mul3A_20 = vector.broadcast %get3A_1 : vector<1024x1xf32> to vector<1024x128xf32>
    %mul3A_21 = arith.mulf %mul3A_20, %add3A_19 : vector<1024x128xf32>
    %max3A = arith.constant 0.000000e+00 : f32
    %max3A_22 = vector.broadcast %max3A : f32 to vector<1024x128xf32>
    %max3A_23 = arith.maximumf %mul3A_21, %max3A_22 : vector<1024x128xf32>
    %get3A_24 = arith.constant 0 : index
    %get3A_25 = arith.constant 0 : index
    %get3A_26 = vector.load %arg5[%get3A_24, %get3A_25] : memref<128x128xf32, #tpu.memory_space<vmem>>, vector<128x128xf32>
    %dot_general3A = arith.constant dense<0.000000e+00> : vector<1024x128xf32>
    %dot_general3A_27 = tpu.matmul %max3A_23, %get3A_26, %dot_general3A {dimension_numbers = #tpu.dot_dimension_numbers<[1], [1], [0], [0], [0, 0, 1, 0], [], []>, transpose_lhs_hint = false} : vector<1024x128xf32>, vector<128x128xf32>, vector<1024x128xf32> -> vector<1024x128xf32>
    %get3A_28 = arith.constant 0 : index
    %get3A_29 = arith.constant 0 : index
    %get3A_30 = vector.load %arg6[%get3A_28, %get3A_29] : memref<1x128xf32, #tpu.memory_space<vmem>>, vector<1x128xf32>
    %add3A_31 = vector.broadcast %get3A_30 : vector<1x128xf32> to vector<1024x128xf32>
    %add3A_32 = arith.addf %dot_general3A_27, %add3A_31 : vector<1024x128xf32>
    %swap3A = arith.constant 0 : index
    %swap3A_33 = arith.constant 0 : index
    %swap3A_34 = vector.load %arg7[%swap3A, %swap3A_33] : memref<1024x128xf32, #tpu.memory_space<vmem>>, vector<1024x128xf32>
    tpu.vector_store %arg7[%swap3A, %swap3A_33], %add3A_32 {strides = array<i32>} : memref<1024x128xf32, #tpu.memory_space<vmem>>, vector<1024x128xf32>,
    %get3A_35 = arith.constant 0 : index
    %get3A_36 = arith.constant 0 : index
    %get3A_37 = vector.load %arg4[%get3A_35, %get3A_36] : memref<1024x1xf32, #tpu.memory_space<vmem>>, vector<1024x1xf32>
    %mul3A_38 = vector.broadcast %get3A_37 : vector<1024x1xf32> to vector<1024x128xf32>
    %mul3A_39 = arith.mulf %mul3A_38, %add3A_32 : vector<1024x128xf32>
    %swap3A_40 = arith.constant 0 : index
    %swap3A_41 = arith.constant 0 : index
    %swap3A_42 = vector.load %arg8[%swap3A_40, %swap3A_41] : memref<1024x128xf32, #tpu.memory_space<vmem>>, vector<1024x128xf32>
    tpu.vector_store %arg8[%swap3A_40, %swap3A_41], %mul3A_39 {strides = array<i32>} : memref<1024x128xf32, #tpu.memory_space<vmem>>, vector<1024x128xf32>,
    return
  }
  func.func @transform_0(%arg0: i32) -> (i32, i32, i32) {
    %c0_i32 = arith.constant 0 : i32
    %c0_i32_0 = arith.constant 0 : i32
    %c0_i32_1 = arith.constant 0 : i32
    return %c0_i32, %arg0, %c0_i32_0 : i32, i32, i32
  }
  func.func @transform_1(%arg0: i32) -> (i32, i32) {
    %c0_i32 = arith.constant 0 : i32
    %c0_i32_0 = arith.constant 0 : i32
    return %arg0, %c0_i32 : i32, i32
  }
  func.func @transform_2(%arg0: i32) -> (i32, i32) {
    %c0_i32 = arith.constant 0 : i32
    %c0_i32_0 = arith.constant 0 : i32
    return %arg0, %c0_i32 : i32, i32
  }
  func.func @transform_3(%arg0: i32) -> (i32, i32) {
    %c0_i32 = arith.constant 0 : i32
    %c0_i32_0 = arith.constant 0 : i32
    return %arg0, %c0_i32 : i32, i32
  }
  func.func @transform_4(%arg0: i32) -> (i32, i32) {
    %c0_i32 = arith.constant 0 : i32
    %c0_i32_0 = arith.constant 0 : i32
    %c0_i32_1 = arith.constant 0 : i32
    return %c0_i32, %c0_i32_0 : i32, i32
  }
  func.func @transform_5(%arg0: i32) -> (i32, i32) {
    %c0_i32 = arith.constant 0 : i32
    %c0_i32_0 = arith.constant 0 : i32
    %c0_i32_1 = arith.constant 0 : i32
    return %c0_i32, %c0_i32_0 : i32, i32
  }
  func.func @transform_6(%arg0: i32) -> (i32, i32) {
    %c0_i32 = arith.constant 0 : i32
    %c0_i32_0 = arith.constant 0 : i32
    return %arg0, %c0_i32 : i32, i32
  }
  func.func @transform_7(%arg0: i32) -> (i32, i32) {
    %c0_i32 = arith.constant 0 : i32
    %c0_i32_0 = arith.constant 0 : i32
    return %arg0, %c0_i32 : i32, i32
  }
}

module attributes {stable_mosaic.version = 14 : i64} {
  func.func @_tc_final_body(%arg0: i32, %arg1: memref<2x1024x128xf32, #tpu.memory_space<vmem>>, %arg2: memref<1024x128xf32, #tpu.memory_space<vmem>>, %arg3: memref<1024x1xf32, #tpu.memory_space<vmem>>, %arg4: memref<1024x1xf32, #tpu.memory_space<vmem>>, %arg5: memref<1024x128xf32, #tpu.memory_space<vmem>>) attributes {dimension_semantics = [#tpu.dimension_semantics<arbitrary>], iteration_bounds = array<i64: 10>, scalar_prefetch = 0 : i64, scratch_operands = 0 : i64, tpu.core_type = #tpu.core_type<tc>, window_params = [{transform_indices = @transform_0, window_bounds = array<i64: 2, 1024, 128>}, {transform_indices = @transform_1, window_bounds = array<i64: 1024, 128>}, {transform_indices = @transform_2, window_bounds = array<i64: 1024, 1>}, {transform_indices = @transform_3, window_bounds = array<i64: 1024, 1>}, {transform_indices = @transform_4, window_bounds = array<i64: 1024, 128>}]} {
    %get3A = arith.constant 0 : index
    %get3A_0 = arith.constant 0 : index
    %get3A_1 = vector.load %arg3[%get3A, %get3A_0] : memref<1024x1xf32, #tpu.memory_space<vmem>>, vector<1024x1xf32>
    %get3A_2 = arith.constant 0 : index
    %get3A_3 = arith.constant 0 : index
    %get3A_4 = arith.constant 0 : index
    %get3A_5 = vector.load %arg1[%get3A_2, %get3A_3, %get3A_4] : memref<2x1024x128xf32, #tpu.memory_space<vmem>>, vector<1x1024x128xf32>
    %get3A_6 = vector.shape_cast %get3A_5 : vector<1x1024x128xf32> to vector<1024x128xf32>
    %get3A_7 = arith.constant 1 : index
    %get3A_8 = arith.constant 0 : index
    %get3A_9 = arith.constant 0 : index
    %get3A_10 = vector.load %arg1[%get3A_7, %get3A_8, %get3A_9] : memref<2x1024x128xf32, #tpu.memory_space<vmem>>, vector<1x1024x128xf32>
    %get3A_11 = vector.shape_cast %get3A_10 : vector<1x1024x128xf32> to vector<1024x128xf32>
    %add3A = arith.addf %get3A_6, %get3A_11 : vector<1024x128xf32>
    %get3A_12 = arith.constant 0 : index
    %get3A_13 = arith.constant 0 : index
    %get3A_14 = vector.load %arg4[%get3A_12, %get3A_13] : memref<1024x1xf32, #tpu.memory_space<vmem>>, vector<1024x1xf32>
    %get3A_15 = arith.constant 0 : index
    %get3A_16 = arith.constant 0 : index
    %get3A_17 = vector.load %arg2[%get3A_15, %get3A_16] : memref<1024x128xf32, #tpu.memory_space<vmem>>, vector<1024x128xf32>
    %mul3A = vector.broadcast %get3A_14 : vector<1024x1xf32> to vector<1024x128xf32>
    %mul3A_18 = arith.mulf %mul3A, %get3A_17 : vector<1024x128xf32>
    %add3A_19 = arith.addf %add3A, %mul3A_18 : vector<1024x128xf32>
    %mul3A_20 = vector.broadcast %get3A_1 : vector<1024x1xf32> to vector<1024x128xf32>
    %mul3A_21 = arith.mulf %mul3A_20, %add3A_19 : vector<1024x128xf32>
    %swap3A = arith.constant 0 : index
    %swap3A_22 = arith.constant 0 : index
    %swap3A_23 = vector.load %arg5[%swap3A, %swap3A_22] : memref<1024x128xf32, #tpu.memory_space<vmem>>, vector<1024x128xf32>
    tpu.vector_store %arg5[%swap3A, %swap3A_22], %mul3A_21 {strides = array<i32>} : memref<1024x128xf32, #tpu.memory_space<vmem>>, vector<1024x128xf32>,
    return
  }
  func.func @transform_0(%arg0: i32) -> (i32, i32, i32) {
    %c0_i32 = arith.constant 0 : i32
    %c0_i32_0 = arith.constant 0 : i32
    %c0_i32_1 = arith.constant 0 : i32
    return %c0_i32, %arg0, %c0_i32_0 : i32, i32, i32
  }
  func.func @transform_1(%arg0: i32) -> (i32, i32) {
    %c0_i32 = arith.constant 0 : i32
    %c0_i32_0 = arith.constant 0 : i32
    return %arg0, %c0_i32 : i32, i32
  }
  func.func @transform_2(%arg0: i32) -> (i32, i32) {
    %c0_i32 = arith.constant 0 : i32
    %c0_i32_0 = arith.constant 0 : i32
    return %arg0, %c0_i32 : i32, i32
  }
  func.func @transform_3(%arg0: i32) -> (i32, i32) {
    %c0_i32 = arith.constant 0 : i32
    %c0_i32_0 = arith.constant 0 : i32
    return %arg0, %c0_i32 : i32, i32
  }
  func.func @transform_4(%arg0: i32) -> (i32, i32) {
    %c0_i32 = arith.constant 0 : i32
    %c0_i32_0 = arith.constant 0 : i32
    return %arg0, %c0_i32 : i32, i32
  }
}

</mosaic_0001>

<sc_bundles>
// kernel: kernel.11.cloned.1.call-start
scs
__scs_entry_jumppad:
0x0: {  	(pc) =	sbr.rel $0x88, $3  }
0x1: {  	(tag) =	ssettag $0x0;
	lr =	simm.s32 $0x1  }
0x2: {  	[smem:$0x3F9B] =	sst lr;
	_ =	strace $0xD0000000  }
0x3: {  	_ = 	snop  }
0x4: {  	_ = 	snop  }
0x5: {  	_ = 	snop  }
0x6: {  	_ = 	snop  }
0x7: {  	_ = 	snop  }
__scs_overlays_trampoline_lowered:
0x8: {  	[smem:$0x3FAA] =	sst s0  }
0x9: {  	[smem:$0x3FAB] =	sst s1  }
0xa: {  	[smem:$0x3FAC] =	sst s2  }
0xb: {  	[smem:$0x3FAD] =	sst s3  }
0xc: {  	[smem:$0x3FAE] =	sst s4  }
0xd: {  	[smem:$0x3FAF] =	sst s5  }
0xe: {  	[smem:$0x3FB0] =	sst s6  }
0xf: {  	[smem:$0x3FB1] =	sst s7  }
0x10: {  	[smem:$0x3FB2] =	sst s8  }
0x11: {  	[smem:$0x3FB3] =	sst s9;
	s0 =	simm.s32 @!p0 $0x0  }
0x12: {  	s1 =	sld [smem:$0x3F99];
	s0 =	simm.s32 @p0 $0x1  }
0x13: {  	[smem:$0x3FB4] =	sst s0;
	s0 =	simm.s32 @!p1 $0x0  }
0x14: {  	s2 =	sld [smem:$0x3F98];
	s0 =	simm.s32 @p1 $0x1  }
0x15: {  	[smem:$0x3FB5] =	sst s0;
	s0 =	simm.s32 @!p2 $0x0  }
0x16: {  	s3 =	sld [smem:$0x3FDB];
	s0 =	simm.s32 @p2 $0x1  }
0x17: {  	s4 =	simm.s32 $0x1BF5;
	[smem:$0x3FB7] =	sst s0  }
0x18: {  	s0 =	sld [smem:$0x3F9A];
	_ =	swait.ge [sflag:s4], $0x0  }
0x19: {  	s7 =	sld [smem:$0x3F9B]  }
0x1a: {  	s8 =	sadd.s32 $0xFFFFE003, lr  }
0x1b: {  	s9 =	sadd.s32 $0xFFFFFEF7, lr;
	s5 =	simm.s32 $0xFFFFFFFF;
	p2 =	slt.u32 s8, $0xFFFFF086  }
0x1c: {  	p1 =	slt.u32 s9, $0xF7A;
	s5 =	simm.s32 @!p2 $0x0  }
0x1d: {  	s5 =	simm.s32 @p1 $0x1;
	p0 =	seq.s32 s7, s2  }
0x1e: {  	s7 =	smul.u32 @!p0 $0xF7A, s2;
	p2 =	seq.s32 @!p0 s5, $0x0  }
0x1f: {  	s9 =	smul.u32 $0xF7A, s1;
	s8 =	simm.s32 @!p0 $0x1BF5;
	p2 =	por !p2, p0  }
0x20: {  	[sflag:s8] =	ssyncset.s32 @!p0 $0xFFFFF086;
	s6 =	sadd.s32 @!p0 s3, s7;
	s7 =	simm.s32 @!p0 $0x108  }
0x21: {  	s3 =	sadd.s32 s3, s9;
	s6 =	sadd.s32 @!p0 $0x88, s6;
	s7 =	simm.s32 @p2 $0x1082  }
0x22: {  	[simem:s7], [sflag:s8] =	dma.local @!p0 [hbm:s6], $0xF7A  }
0x23: {  	s9 =	sor.u32 $0xD0000000, s2;
	s6 =	simm.s32 $0x108;
	_ =	swait.ge @!p0 [sflag:s8], $0x0  }
0x24: {  	s3 =	sadd.s32 $0x88, s3;
	s6 =	simm.s32 @!p1 $0x1082;
	[sflag:s4] =	ssyncset.s32 $0xFFFFF086  }
0x25: {  	[simem:s6], [sflag:s4] =	dma.local [hbm:s3], $0xF7A  }
0x26: {  	[smem:$0x3F9B] =	sst s1;
	(tag) =	ssettag s2;
	_ =	strace s9  }
0x27: {  	s1 =	sld [smem:$0x3FAB]  }
0x28: {  	s2 =	sld [smem:$0x3FAC]  }
0x29: {  	s4 =	sld [smem:$0x3FAE]  }
0x2a: {  	p0 =	seq.s32 s5, $0x0;
	s5 =	sld [smem:$0x3FAF]  }
0x2b: {  	s6 =	sld [smem:$0x3FB0]  }
0x2c: {  	s7 =	sld [smem:$0x3FB1]  }
0x2d: {  	s3 =	simm.s32 $0x108;
	s8 =	sld [smem:$0x3FB2]  }
0x2e: {  	s3 =	simm.s32 @!p0 $0x1082;
	s9 =	sld [smem:$0x3FB3]  }
0x2f: {  	lr =	sadd.s32 s0, s3;
	s0 =	sld [smem:$0x3FAA]  }
0x30: {  	s3 =	sld [smem:$0x3FAD]  }
0x31: {  	[smem:$0x3FB6] =	sst s10  }
0x32: {  	s10 =	sld [smem:$0x3FB4];
	_ =	sdelay $0x3  }
0x33: {  	p0 =	seq.s32 s10, $0x1;
	s10 =	sld [smem:$0x3FB6];
	_ =	sdelay $0x3  }
0x34: {  	[smem:$0x3FB6] =	sst s10  }
0x35: {  	s10 =	sld [smem:$0x3FB5];
	_ =	sdelay $0x3  }
0x36: {  	p1 =	seq.s32 s10, $0x1;
	s10 =	sld [smem:$0x3FB6];
	_ =	sdelay $0x3  }
0x37: {  	[smem:$0x3FB6] =	sst s10  }
0x38: {  	s10 =	sld [smem:$0x3FB7]  }
0x39: {  	_ = 	snop;
	(pc) =	sbr.ind lr, $3  }
0x3a: {  	_ = 	snop  }
0x3b: {  	_ = 	snop  }
0x3c: {  	p2 =	seq.s32 s10, $0x1;
	s10 =	sld [smem:$0x3FB6]  }
0x3d: {  	_ =	shalt  }
0x3e: {  	_ =	shalt  }
0x3f: {  	_ =	shalt  }
0x40: {  	_ =	shalt  }
0x41: {  	_ =	shalt  }
0x42: {  	_ =	shalt  }
0x43: {  	_ =	shalt  }
0x44: {  	_ =	shalt  }
0x45: {  	_ =	shalt  }
0x46: {  	_ =	shalt  }
0x47: {  	_ =	shalt  }
0x48: {  	_ =	shalt  }
0x49: {  	_ =	shalt  }
0x4a: {  	_ =	shalt  }
0x4b: {  	_ =	shalt  }
0x4c: {  	_ =	shalt  }
0x4d: {  	_ =	shalt  }
0x4e: {  	_ =	shalt  }
0x4f: {  	_ =	shalt  }
0x50: {  	_ =	shalt  }
0x51: {  	_ =	shalt  }
0x52: {  	_ =	shalt  }
0x53: {  	_ =	shalt  }
0x54: {  	_ =	shalt  }
0x55: {  	_ =	shalt  }
0x56: {  	_ =	shalt  }
0x57: {  	_ =	shalt  }
0x58: {  	_ =	shalt  }
0x59: {  	_ =	shalt  }
0x5a: {  	_ =	shalt  }
0x5b: {  	_ =	shalt  }
0x5c: {  	_ =	shalt  }
0x5d: {  	_ =	shalt  }
0x5e: {  	_ =	shalt  }
0x5f: {  	_ =	shalt  }
0x60: {  	_ =	shalt  }
0x61: {  	_ =	shalt  }
0x62: {  	_ =	shalt  }
0x63: {  	_ =	shalt  }
0x64: {  	_ =	shalt  }
0x65: {  	_ =	shalt  }
0x66: {  	_ =	shalt  }
0x67: {  	_ =	shalt  }
0x68: {  	_ =	shalt  }
0x69: {  	_ =	shalt  }
0x6a: {  	_ =	shalt  }
0x6b: {  	_ =	shalt  }
0x6c: {  	_ =	shalt  }
0x6d: {  	_ =	shalt  }
0x6e: {  	_ =	shalt  }
0x6f: {  	_ =	shalt  }
0x70: {  	_ =	shalt  }
0x71: {  	_ =	shalt  }
0x72: {  	_ =	shalt  }
0x73: {  	_ =	shalt  }
0x74: {  	_ =	shalt  }
0x75: {  	_ =	shalt  }
0x76: {  	_ =	shalt  }
0x77: {  	_ =	shalt  }
0x78: {  	_ =	shalt  }
0x79: {  	_ =	shalt  }
0x7a: {  	_ =	shalt  }
0x7b: {  	_ =	shalt  }
0x7c: {  	_ =	shalt  }
0x7d: {  	_ =	shalt  }
0x7e: {  	_ =	shalt  }
0x7f: {  	_ =	shalt  }
0x80: {  	_ =	shalt  }
0x81: {  	_ =	shalt  }
0x82: {  	_ =	shalt  }
0x83: {  	_ =	shalt  }
0x84: {  	_ =	shalt  }
0x85: {  	_ =	shalt  }
0x86: {  	_ =	shalt  }
0x87: {  	_ =	shalt  }
.Lfunc_end0:
.L_simem_size_0:
called_computation.1_lowered:
.L_overlay_start_0:
0x88: {  	s2 =	sld [smem:$0x3FD9]  }
0x89: {  	s3 =	sld [smem:$0x3FFE];
	_ =	sdelay $0x1  }
0x8a: {  	s1 =	srdreg.scid  }
0x8b: {  	s0 =	sand.u32 $0x1, s1  }
0x8c: {  	s17 =	sshll.u32 s0, $0xA;
	s2 =	sadd.s32 s3, s2  }
0x8d: {  	s2 =	sadd.s32 s2, s17  }
0x8e: {  	[smem:$0x3FC2] =	sst s2  }
0x8f: {  	_ = 	snop  }
0x90: {  	s2 =	sld [smem:$0x3FD0];
	(tm) =	ssettm $0x1  }
0x91: {  	s18 =	sld [smem:$0x3FFB];
	_ =	sdelay $0x3  }
0x92: {  	_ =	strace s18  }
0x93: {  	s3 =	sld [smem:$0x3FFC];
	_ =	sdelay $0x3  }
0x94: {  	_ =	strace s3  }
0x95: {  	s3 =	sld [smem:$0x3FFD];
	_ =	sdelay $0x3  }
0x96: {  	_ =	strace s3  }
0x97: {  	_ =	strace $0x8FFFFFFF  }
0x98: {  	s19 =	sld [smem:$0x3FDB];
	_ =	sdelay $0x1  }
0x99: {  	s4 =	simm.s32 $_scs_section_size  }
0x9a: {  	s5 =	simm.s32 $_size__tile_overlayer_lowered;
	s6 =	simm.s32 $_tile_overlayer_lowered  }
0x9b: {  	s22 =	simm.s32 $0x1BFF;
	s21 =	sshll.u32 s6, $0x1;
	s3 =	sadd.s32 s4, s19  }
0x9c: {  	s7 =	simm.s32 $0x0;
	s20 =	sshll.u32 s5, $0x1;
	s5 =	sadd.s32 s21, s3  }
0x9d: {  	[timem:s7], [sflag:s22] =	dma.local [hbm:s5], s20  }
0x9e: {  	_ =	swait.ge [sflag:s22], s20  }
0x9f: {  	s4 =	ssub.s32 $0x0, s20;
	[sflag:s22] =	ssyncset.done $0x0  }
0xa0: {  	[sflag:s22] =	ssyncadd.s32 s4;
	_ =	sdelay $0x1  }
0xa1: {  	s23 =	simm.s32 $0x1B8B  }
0xa2: {  	_ =	swait.ge [sflag:s23], $0x1  }
0xa3: {  	[sflag:s23] =	ssyncset.done $0x0  }
0xa4: {  	s25 =	simm.s32 $0x1B8E;
	s24 =	sld [smem:$0x3FFE];
	[sflag:s23] =	ssyncadd.s32 $0xFFFFFFFF  }
0xa5: {  	s26 =	simm.s32 $execute0_lowered;
	[smem:$0x3FD2] =	sst s25  }
0xa6: {  	s5 =	sshll.u32 s26, $0x1;
	_ =	strace $0x80000049;
	[dreg:$0x1] =	wrdreg $0xFFFFFFFF  }
0xa7: {  	s28 =	simm.s32 $_size_execute0_lowered;
	s3 =	sadd.s32 s3, s5;
	[dreg:$0x0] =	wrdreg $0x0  }
0xa8: {  	s5 =	sshll.u32 s28, $0x1;
	[dreg:$0x2] =	wrdreg s3  }
0xa9: {  	[dreg:$0x3] =	wrdreg s5  }
0xaa: {  	[dreg:$0x4] =	wrdreg $0xC0  }
0xab: {  	_ =	task [dreg:s7], $0x5FFFF  }
0xac: {  	[dreg:$0x1] =	wrdreg $0xFFFFFFFF  }
0xad: {  	[dreg:$0x0] =	wrdreg $0x60  }
0xae: {  	[dreg:$0x2] =	wrdreg s24  }
0xaf: {  	[dreg:$0x3] =	wrdreg s2  }
0xb0: {  	[dreg:$0x4] =	wrdreg $0x82000  }
0xb1: {  	[dreg:$0x5] =	wrdreg $0x9  }
0xb2: {  	_ =	task.clear_ibuf [dreg:s7], $0x6FFFF;
	_ =	strace $0x90000049  }
0xb3: {  	s29 =	simm.s32 $0x9;
	_ =	strace $0x8000004B  }
0xb4: {  	_ =	swait.ge [sflag:s29], $0x1  }
0xb5: {  	[sflag:s29] =	ssyncadd.s32 $0xFFFFFFFF  }
0xb6: {  	_ =	strace $0x9000004B  }
0xb7: {  	_ =	sfence  }
0xb8: {  	s30 =	sld [smem:$0x0];
	_ =	sdelay $0x2  }
0xb9: {  	s31 =	sshll.u32 s1, $0xD;
	s1 =	sshrl.u32 s1, $0x2  }
0xba: {  	s3 =	sand.u32 $0x4000, s31;
	s1 =	sadd.s32 s1, s30  }
0xbb: {  	s0 =	sor.u32 s3, s0;
	s1 =	sshll.u32 s1, $0x11  }
0xbc: {  	s0 =	sor.u32 s1, s0  }
0xbd: {  	s0 =	sadd.s32 $0x8F2B, s0  }
0xbe: {  	[sflag:s0] =	ssyncadd.remote.s32 $0x1  }
0xbf: {  	_ =	sfence.sel $0xFFFF  }
0xc0: {  	[dreg:$0x0] =	wrdreg $0xFFFFFFFF;
	(pc) =	sbr.abs _section_cstart, $3  }
0xc1: {  	[dreg:$0x1] =	wrdreg $0xFFFFFFFF  }
0xc2: {  	_ =	task.clear_ibuf [dreg:s7], $0x2FFFF;
	_ =	strace $0x9FFFFFFF  }
0xc3: {  	(tm) =	ssettm $0x7FFFFFFF  }
tec
execute0_lowered:
.L_overlay_start_1:
0x0: {  	(tag) =	ssettag $0x1  }
0x1: {  	s0 =	rddreg [dreg:$0x0]  }
0x2: {  	s1 =	rddreg [dreg:$0x1]  }
0x3: {  	s2 =	rddreg [dreg:$0x2];
	s4 =	simm.s32 $0x0  }
0x4: {  	s3 =	srdreg.scid;
	s16 =	stileid.u32;
	s28 =	simm.s32 $0x180  }
0x5: {  	s29 =	simm.s32 $0x4200;
	s30 =	simm.s32 $0x1;
	s31 =	simm.s32 $0x2  }
0x6: {  	[smem:$0x7FF] =	sst s4;
	s3 =	sand.u32 $0x1, s3;
	s5 =	sadd.s32 $0xD200, s0  }
0x7: {  	s8 =	smul.u32 $0x9E, s16;
	s6 =	sadd.s32 $0x2C00, s0;
	s11 =	sadd.s32 $0xCA00, s0  }
0x8: {  	s0 =	sadd.s32 $0x5C200, s0;
	s13 =	sshll.u32 s16, $0xE;
	s23 =	smul.u32 $0x4F00, s16  }
0x9: {  	_ =	strace $0x8000004A;
	s7 =	ssub.s32 $0x2, s3;
	s10 =	smul.u32 $0x81, s3  }
0xa: {  	[dreg:$0x4] =	wrdreg s11;
	p0 =	seq.s32 s3, $0x0;
	s14 =	sor.u32 $0x40000, s13  }
0xb: {  	s17 =	sor.u32 $0x80000, s13;
	s18 =	sor.u32 $0xC0000, s13;
	s20 =	smul.u32 $0x13C000, s3  }
0xc: {  	s19 =	sor.u32 $0x100000, s13;
	s3 =	smul.u32 $0x4080, s3;
	s9 =	sshrl.u32 s7, $0x1  }
0xd: {  	s11 =	sadd.s32 s18, s2;
	s7 =	ssub.s32 s7, s9;
	s12 =	sadd.s32 s10, s8  }
0xe: {  	s8 =	sadd.s32 s13, s2;
	s9 =	sadd.s32 s14, s2;
	s10 =	sadd.s32 s17, s2  }
0xf: {  	s13 =	sadd.s32 s20, s13;
	s14 =	sadd.s32 s20, s14;
	s24 =	sadd.s32 s20, s18  }
0x10: {  	s26 =	sadd.s32 s3, s23;
	s23 =	simm.s32 $0x200;
	s15 =	sshll.u32 s12, $0x4  }
0x11: {  	s12 =	sadd.s32 s19, s2;
	s13 =	sshrl.u32 s13, $0x3;
	s14 =	sshrl.u32 s14, $0x3  }
0x12: {  	s19 =	sadd.s32 s20, s19;
	s25 =	sshrl.u32 s24, $0x3;
	s21 =	sadd.s32 s1, s15  }
0x13: {  	s24 =	simm.s32 $0x3;
	s15 =	sadd.s32 s6, s15;
	[dreg:$0x5] =	wrdreg s21  }
0x14: {  	s13 =	sadd.s32 s0, s13;
	[dreg:$0x6] =	wrdreg s15;
	s15 =	simm.s32 $0x40  }
0x15: {  	[dreg:$0x7] =	wrdreg s13;
	s21 =	sadd.s32 s20, s17;
	s17 =	sadd.s32 s0, s14  }
0x16: {  	s20 =	sshrl.u32 s19, $0x3;
	s19 =	sadd.s32 s0, s25;
	s25 =	simm.s32 $0x100  }
0x17: {  	s15 =	simm.s32 @!p0 $0xE;
	s22 =	sshrl.u32 s21, $0x3;
	s20 =	sadd.s32 s0, s20  }
0x18: {  	s21 =	smax.u32 s7, $0x1;
	s7 =	sadd.s32 $0x100, s26;
	p0 =	seq.s32 s16, $0xF  }
0x19: {  	s26 =	simm.s32 $0x80;
	s18 =	sadd.s32 s0, s22;
	s0 =	simm.s32 $0x0  }
.LBB2_1:
0x1a: {  	s3 =	rddreg [dreg:$0x4]  }
0x1b: {  	[tilespmem:s23], [sflag:$0x3] =	stream.linear.gather [hbm4b:s3+s4], $0x4000, $0x38;
	[tilespmem:$0x1BE00] =	vst v63  }
0x1c: {  	_ =	swait.ge [sflag:s24], $0x4000  }
0x1d: {  	[sflag:s24] =	ssyncset.done $0x0  }
0x1e: {  	[sflag:s24] =	ssyncadd.s32 $0xFFFFC000  }
0x1f: {  	[spmem:s8] =	stream.linear.scatter [tilespmem:s23], [sflag:$0x3], $0x4000, $0x38;
	[tilespmem:$0x1BE00] =	vst v63  }
0x20: {  	_ =	swait.ge [sflag:s24], $0x4000  }
0x21: {  	[sflag:s24] =	ssyncset.done $0x0  }
0x22: {  	[sflag:s24] =	ssyncadd.s32 $0xFFFFC000  }
0x23: {  	[spmem:s9] =	stream.linear.scatter [tilespmem:s23], [sflag:$0x3], $0x4000, $0x38;
	[tilespmem:$0x1BE00] =	vst v63  }
0x24: {  	_ =	swait.ge [sflag:s24], $0x4000  }
0x25: {  	[sflag:s24] =	ssyncset.done $0x0  }
0x26: {  	[sflag:s24] =	ssyncadd.s32 $0xFFFFC000  }
0x27: {  	[spmem:s10] =	stream.linear.scatter [tilespmem:s23], [sflag:$0x3], $0x4000, $0x38;
	[tilespmem:$0x1BE00] =	vst v63  }
0x28: {  	_ =	swait.ge [sflag:s24], $0x4000  }
0x29: {  	[sflag:s24] =	ssyncset.done $0x0  }
0x2a: {  	[sflag:s24] =	ssyncadd.s32 $0xFFFFC000  }
0x2b: {  	[spmem:s11] =	stream.linear.scatter [tilespmem:s23], [sflag:$0x3], $0x4000, $0x38;
	[tilespmem:$0x1BE00] =	vst v63  }
0x2c: {  	_ =	swait.ge [sflag:s24], $0x4000  }
0x2d: {  	[sflag:s24] =	ssyncset.done $0x0  }
0x2e: {  	s3 =	simm.s32 @!p0 $0x200;
	[sflag:s24] =	ssyncadd.s32 $0xFFFFC000  }
0x2f: {  	[spmem:s12] =	stream.linear.scatter @!p0 [tilespmem:s3], [sflag:$0x3], $0x4000, $0x38;
	[tilespmem:$0x1BE00] =	vst v63  }
0x30: {  	s3 =	simm.s32 @!p0 $0x3  }
0x31: {  	_ =	swait.ge @!p0 [sflag:s3], $0x4000  }
0x32: {  	[sflag:s3] =	ssyncset.done @!p0 $0x0  }
0x33: {  	[sflag:s3] =	ssyncadd.s32 @!p0 $0xFFFFC000  }
0x34: {  	[bflag:$0x0] =	sbarrier.arrive $0xFFFF  }
0x35: {  	s13 =	rddreg [dreg:$0x5]  }
0x36: {  	[tilespmem:s4], [sflag:$0x3] =	stream.linear.gather [hbm4b:s13+s4], $0x80, $0x38;
	[tilespmem:$0x1BE00] =	vst v63  }
0x37: {  	_ =	swait.ge [sflag:s24], $0x80  }
0x38: {  	[sflag:s24] =	ssyncset.done $0x0  }
0x39: {  	p2 =	sne.s32 s15, $0x1;
	s22 =	rddreg [dreg:$0x6];
	[sflag:s24] =	ssyncadd.s32 $0xFFFFFF80  }
0x3a: {  	[tilespmem:s25], [sflag:$0x3] =	stream.linear.gather [hbm4b:s22+s4], $0x80, $0x38;
	[tilespmem:$0x1BE00] =	vst v63  }
.Ltmp0:
0x3b: {  	_ = 	snop;
	(pc) =	sbr.rel @!p2 .LBB2_2-.Ltmp0, $4  }
0x3c: {  	_ =	swait.ge [sflag:s24], $0x80  }
0x3d: {  	s14 =	sadd.s32 $0xFFFFFF80, s7;
	p1 =	por $0x0, $0x0;
	[sflag:s24] =	ssyncset.done $0x0  }
0x3e: {  	s14 =	sshrl.u32 s14, $0x3;
	s13 =	sadd.s32 $0xFFFFFFFF, s15;
	[sflag:s24] =	ssyncadd.s32 $0xFFFFFF80  }
0x3f: {  	[tilespmem:s23], [sflag:$0x1] =	stream.indirect.gather [hbm4b:s5+s26], $0x80, s4, s26, $0xb8;
	[tilespmem:$0x1BE00] =	vst v63  }
0x40: {  	s22 =	sadd.s32 s1, s14  }
0x41: {  	[tilespmem:s26], [sflag:$0x3] =	stream.linear.gather [hbm4b:s22+s4], $0x80, $0x38;
	[tilespmem:$0x1BE00] =	vst v63  }
0x42: {  	_ =	swait.ge [sflag:s24], $0x80  }
0x43: {  	[sflag:s24] =	ssyncset.done $0x0  }
0x44: {  	s22 =	sadd.s32 s6, s14;
	[sflag:s24] =	ssyncadd.s32 $0xFFFFFF80  }
0x45: {  	[tilespmem:s28], [sflag:$0x3] =	stream.linear.gather [hbm4b:s22+s4], $0x80, $0x38;
	[tilespmem:$0x1BE00] =	vst v63  }
0x46: {  	_ =	swait.ge [sflag:s24], $0x80  }
0x47: {  	[sflag:s24] =	ssyncset.done $0x0  }
0x48: {  	[sflag:s24] =	ssyncadd.s32 $0xFFFFFF80  }
0x49: {  	[tilespmem:s29], [sflag:$0x2] =	stream.indirect.gather [hbm4b:s5+s26], $0x80, s26, s26, $0xb8;
	[tilespmem:$0x1BE00] =	vst v63  }
0x4a: {  	_ =	swait.ge [sflag:s30], $0x4000  }
0x4b: {  	[sflag:s30] =	ssyncset.done $0x0  }
0x4c: {  	[sflag:s30] =	ssyncadd.s32 $0xFFFFC000  }
0x4d: {  	[spmem:s2] =	stream.indirect.scatter.add.f32 [tilespmem:s23], [sflag:$0x3], $0x80, s25, s26, $0xb8;
	[tilespmem:$0x1BE00] =	vst v63  }
0x4e: {  	_ =	swait.ge [sflag:s24], $0x4000  }
0x4f: {  	s14 =	sshrl.u32 s7, $0x3;
	[sflag:s24] =	ssyncset.done $0x0  }
0x50: {  	s16 =	sadd.s32 s1, s14;
	[sflag:s24] =	ssyncadd.s32 $0xFFFFC000  }
0x51: {  	[tilespmem:s4], [sflag:$0x3] =	stream.linear.gather [hbm4b:s16+s4], $0x80, $0x38;
	[tilespmem:$0x1BE00] =	vst v63  }
0x52: {  	_ =	swait.ge [sflag:s24], $0x80  }
0x53: {  	[sflag:s24] =	ssyncset.done $0x0  }
0x54: {  	s14 =	sadd.s32 s6, s14;
	[sflag:s24] =	ssyncadd.s32 $0xFFFFFF80  }
0x55: {  	[tilespmem:s25], [sflag:$0x3] =	stream.linear.gather [hbm4b:s14+s4], $0x80, $0x38;
	[tilespmem:$0x1BE00] =	vst v63  }
0x56: {  	_ =	swait.ge [sflag:s24], $0x80  }
0x57: {  	[sflag:s24] =	ssyncset.done $0x0  }
0x58: {  	[sflag:s24] =	ssyncadd.s32 $0xFFFFFF80  }
0x59: {  	[tilespmem:s23], [sflag:$0x1] =	stream.indirect.gather [hbm4b:s5+s26], $0x80, s4, s26, $0xb8;
	[tilespmem:$0x1BE00] =	vst v63  }
0x5a: {  	p2 =	sne.s32 s13, $0x1;
	_ =	swait.ge [sflag:s31], $0x4000  }
.Ltmp1:
0x5b: {  	[sflag:s31] =	ssyncset.done $0x0;
	(pc) =	sbr.rel @!p2 .LBB2_5-.Ltmp1, $4  }
0x5c: {  	s22 =	sadd.s32 $0x100, s7;
	[sflag:s31] =	ssyncadd.s32 $0xFFFFC000  }
0x5d: {  	[spmem:s2] =	stream.indirect.scatter.add.f32 [tilespmem:s29], [sflag:$0x3], $0x80, s28, s26, $0xb8;
	[tilespmem:$0x1BE00] =	vst v63  }
0x5e: {  	s13 =	sadd.s32 $0xFFFFFFFF, s13;
	s16 =	sadd.s32 $0xFFFFFF80, s22;
	_ =	swait.ge [sflag:s24], $0x4000  }
0x5f: {  	p1 =	por $0x1, $0x1;
	s14 =	sshrl.u32 s16, $0x3;
	[sflag:s24] =	ssyncset.done $0x0  }
.LBB2_4:
0x60: {  	p2 =	sne.s32 s13, $0x1;
	s16 =	sadd.s32 s1, s14;
	[sflag:s24] =	ssyncadd.s32 $0xFFFFC000  }
0x61: {  	[tilespmem:s26], [sflag:$0x3] =	stream.linear.gather [hbm4b:s16+s4], $0x80, $0x38;
	[tilespmem:$0x1BE00] =	vst v63  }
0x62: {  	s13 =	sadd.s32 $0xFFFFFFFF, s13;
	_ =	swait.ge [sflag:s24], $0x80  }
0x63: {  	[sflag:s24] =	ssyncset.done $0x0  }
0x64: {  	s14 =	sadd.s32 s6, s14;
	[sflag:s24] =	ssyncadd.s32 $0xFFFFFF80  }
0x65: {  	[tilespmem:s28], [sflag:$0x3] =	stream.linear.gather [hbm4b:s14+s4], $0x80, $0x38;
	[tilespmem:$0x1BE00] =	vst v63  }
0x66: {  	_ =	swait.ge [sflag:s24], $0x80  }
0x67: {  	[sflag:s24] =	ssyncset.done $0x0  }
0x68: {  	[sflag:s24] =	ssyncadd.s32 $0xFFFFFF80  }
0x69: {  	[tilespmem:s29], [sflag:$0x2] =	stream.indirect.gather [hbm4b:s5+s26], $0x80, s26, s26, $0xb8;
	[tilespmem:$0x1BE00] =	vst v63  }
0x6a: {  	_ =	swait.ge [sflag:s30], $0x4000  }
0x6b: {  	[sflag:s30] =	ssyncset.done $0x0  }
0x6c: {  	[sflag:s30] =	ssyncadd.s32 $0xFFFFC000  }
0x6d: {  	[spmem:s2] =	stream.indirect.scatter.add.f32 [tilespmem:s23], [sflag:$0x3], $0x80, s25, s26, $0xb8;
	[tilespmem:$0x1BE00] =	vst v63  }
0x6e: {  	_ =	swait.ge [sflag:s24], $0x4000  }
0x6f: {  	s14 =	sshrl.u32 s22, $0x3;
	[sflag:s24] =	ssyncset.done $0x0  }
0x70: {  	s16 =	sadd.s32 s1, s14;
	[sflag:s24] =	ssyncadd.s32 $0xFFFFC000  }
0x71: {  	[tilespmem:s4], [sflag:$0x3] =	stream.linear.gather [hbm4b:s16+s4], $0x80, $0x38;
	[tilespmem:$0x1BE00] =	vst v63  }
0x72: {  	_ =	swait.ge [sflag:s24], $0x80  }
0x73: {  	[sflag:s24] =	ssyncset.done $0x0  }
0x74: {  	s14 =	sadd.s32 s6, s14;
	[sflag:s24] =	ssyncadd.s32 $0xFFFFFF80  }
0x75: {  	[tilespmem:s25], [sflag:$0x3] =	stream.linear.gather [hbm4b:s14+s4], $0x80, $0x38;
	[tilespmem:$0x1BE00] =	vst v63  }
0x76: {  	_ =	swait.ge [sflag:s24], $0x80  }
0x77: {  	[sflag:s24] =	ssyncset.done $0x0  }
0x78: {  	[sflag:s24] =	ssyncadd.s32 $0xFFFFFF80  }
0x79: {  	[tilespmem:s23], [sflag:$0x1] =	stream.indirect.gather [hbm4b:s5+s26], $0x80, s4, s26, $0xb8;
	[tilespmem:$0x1BE00] =	vst v63  }
0x7a: {  	_ =	swait.ge [sflag:s31], $0x4000  }
.Ltmp2:
0x7b: {  	[sflag:s31] =	ssyncset.done $0x0;
	(pc) =	sbr.rel @p2 .LBB2_4-.Ltmp2, $4  }
0x7c: {  	s22 =	sadd.s32 $0x100, s22;
	[sflag:s31] =	ssyncadd.s32 $0xFFFFC000  }
0x7d: {  	[spmem:s2] =	stream.indirect.scatter.add.f32 [tilespmem:s29], [sflag:$0x3], $0x80, s28, s26, $0xb8;
	[tilespmem:$0x1BE00] =	vst v63  }
0x7e: {  	s14 =	sadd.s32 $0xFFFFFF80, s22;
	_ =	swait.ge [sflag:s24], $0x4000  }
0x7f: {  	s14 =	sshrl.u32 s14, $0x3;
	[sflag:s24] =	ssyncset.done $0x0  }
.LBB2_5:
0x80: {  	s13 =	sadd.s32 s1, s14;
	[sflag:s24] =	ssyncadd.s32 @p1 $0xFFFFC000  }
0x81: {  	[tilespmem:s26], [sflag:$0x3] =	stream.linear.gather [hbm4b:s13+s4], $0x80, $0x38;
	[tilespmem:$0x1BE00] =	vst v63  }
0x82: {  	_ =	swait.ge [sflag:s24], $0x80  }
0x83: {  	[sflag:s24] =	ssyncset.done $0x0  }
0x84: {  	s14 =	sadd.s32 s6, s14;
	[sflag:s24] =	ssyncadd.s32 $0xFFFFFF80  }
0x85: {  	[tilespmem:s28], [sflag:$0x3] =	stream.linear.gather [hbm4b:s14+s4], $0x80, $0x38;
	[tilespmem:$0x1BE00] =	vst v63  }
0x86: {  	_ =	swait.ge [sflag:s24], $0x80  }
0x87: {  	[sflag:s24] =	ssyncset.done $0x0  }
0x88: {  	[sflag:s24] =	ssyncadd.s32 $0xFFFFFF80  }
0x89: {  	[tilespmem:s29], [sflag:$0x2] =	stream.indirect.gather [hbm4b:s5+s26], $0x80, s26, s26, $0xb8;
	[tilespmem:$0x1BE00] =	vst v63  }
0x8a: {  	_ =	swait.ge [sflag:s30], $0x4000  }
0x8b: {  	[sflag:s30] =	ssyncset.done $0x0  }
0x8c: {  	[sflag:s30] =	ssyncadd.s32 $0xFFFFC000  }
0x8d: {  	[spmem:s2] =	stream.indirect.scatter.add.f32 [tilespmem:s23], [sflag:$0x3], $0x80, s25, s26, $0xb8;
	[tilespmem:$0x1BE00] =	vst v63  }
0x8e: {  	_ =	swait.ge [sflag:s24], $0x4000  }
0x8f: {  	s16 =	sshrl.u32 s22, $0x3;
	[sflag:s24] =	ssyncset.done $0x0  }
0x90: {  	s22 =	sadd.s32 s1, s16;
	[sflag:s24] =	ssyncadd.s32 $0xFFFFC000  }
0x91: {  	[tilespmem:s4], [sflag:$0x3] =	stream.linear.gather [hbm4b:s22+s4], $0x80, $0x38;
	[tilespmem:$0x1BE00] =	vst v63  }
0x92: {  	_ =	swait.ge [sflag:s24], $0x80  }
0x93: {  	[sflag:s24] =	ssyncset.done $0x0  }
0x94: {  	s13 =	sadd.s32 s6, s16;
	[sflag:s24] =	ssyncadd.s32 $0xFFFFFF80  }
0x95: {  	[tilespmem:s25], [sflag:$0x3] =	stream.linear.gather [hbm4b:s13+s4], $0x80, $0x38;
	[tilespmem:$0x1BE00] =	vst v63  }
0x96: {  	_ =	swait.ge [sflag:s24], $0x80  }
0x97: {  	[sflag:s24] =	ssyncset.done $0x0  }
0x98: {  	[sflag:s24] =	ssyncadd.s32 $0xFFFFFF80  }
0x99: {  	[tilespmem:s23], [sflag:$0x1] =	stream.indirect.gather [hbm4b:s5+s26], $0x80, s4, s26, $0xb8;
	[tilespmem:$0x1BE00] =	vst v63  }
0x9a: {  	_ =	swait.ge [sflag:s31], $0x4000  }
0x9b: {  	[sflag:s31] =	ssyncset.done $0x0  }
0x9c: {  	[sflag:s31] =	ssyncadd.s32 $0xFFFFC000  }
0x9d: {  	[spmem:s2] =	stream.indirect.scatter.add.f32 [tilespmem:s29], [sflag:$0x3], $0x80, s28, s26, $0xb8;
	[tilespmem:$0x1BE00] =	vst v63  }
0x9e: {  	_ =	swait.ge [sflag:s24], $0x4000  }
0x9f: {  	[sflag:s24] =	ssyncset.done $0x0  }
0xa0: {  	[sflag:s24] =	ssyncadd.s32 $0xFFFFC000  }
0xa1: {  	_ =	swait.ge [sflag:s30], $0x4000  }
0xa2: {  	[sflag:s30] =	ssyncset.done $0x0  }
0xa3: {  	[sflag:s30] =	ssyncadd.s32 $0xFFFFC000  }
0xa4: {  	[spmem:s2] =	stream.indirect.scatter.add.f32 [tilespmem:s23], [sflag:$0x3], $0x80, s25, s26, $0xb8;
	[tilespmem:$0x1BE00] =	vst v63  }
0xa5: {  	_ =	swait.ge [sflag:s24], $0x4000  }
0xa6: {  	[sflag:s24] =	ssyncset.done $0x0  }
0xa7: {  	s16 =	stileid.u32;
	[sflag:s24] =	ssyncadd.s32 $0xFFFFC000  }
0xa8: {  	s13 =	sshll.u32 s16, $0x6;
	[bflag:$0x0] =	sbarrier.arrive $0xFFFF  }
0xa9: {  	s22 =	sshrl.u32 s8, $0x3;
	s13 =	sor.u32 $0x1C03, s13;
	s16 =	rddreg [dreg:$0x7]  }
0xaa: {  	[hbm:s16], [sflag:s13] =	dma.local [spmem:s22], $0x800  }
0xab: {  	_ =	swait.ge [sflag:s24], $0x800  }
0xac: {  	[sflag:s24] =	ssyncset.done $0x0  }
0xad: {  	s22 =	sshrl.u32 s9, $0x3;
	[sflag:s24] =	ssyncadd.s32 $0xFFFFF800  }
0xae: {  	[hbm:s17], [sflag:s13] =	dma.local [spmem:s22], $0x800  }
0xaf: {  	_ =	swait.ge [sflag:s24], $0x800  }
0xb0: {  	[sflag:s24] =	ssyncset.done $0x0  }
0xb1: {  	s16 =	sshrl.u32 s10, $0x3;
	[sflag:s24] =	ssyncadd.s32 $0xFFFFF800  }
0xb2: {  	[hbm:s18], [sflag:s13] =	dma.local [spmem:s16], $0x800  }
0xb3: {  	_ =	swait.ge [sflag:s24], $0x800  }
0xb4: {  	[sflag:s24] =	ssyncset.done $0x0  }
0xb5: {  	s22 =	sshrl.u32 s11, $0x3;
	[sflag:s24] =	ssyncadd.s32 $0xFFFFF800  }
0xb6: {  	[hbm:s19], [sflag:s13] =	dma.local [spmem:s22], $0x800  }
0xb7: {  	_ =	swait.ge [sflag:s24], $0x800  }
0xb8: {  	s0 =	sadd.s32 $0x1, s0;
	[sflag:s24] =	ssyncset.done $0x0  }
0xb9: {  	p1 =	sne.s32 s0, s21;
	s14 =	sshrl.u32 @!p0 s12, $0x3;
	[sflag:s24] =	ssyncadd.s32 $0xFFFFF800  }
0xba: {  	[hbm:s20], [sflag:s13] =	dma.local @!p0 [spmem:s14], $0x800  }
.Ltmp3:
0xbb: {  	_ = 	snop;
	(pc) =	sbr.rel @p1 .LBB2_1-.Ltmp3, $4  }
.Ltmp4:
0xbc: {  	_ = 	snop;
	(pc) =	sbr.rel @!p1 .LBB2_6-.Ltmp4, $4  }
0xbd: {  	_ =	swait.ge @!p0 [sflag:s3], $0x800  }
0xbe: {  	[sflag:s3] =	ssyncset.done @!p0 $0x0  }
0xbf: {  	[sflag:s3] =	ssyncadd.s32 @!p0 $0xFFFFF800  }
0xc0: {  	_ = 	snop  }
.LBB2_2:
.Ltmp5:
0xc1: {  	(pc) =	sbr.rel .LBB2_5-.Ltmp5, $2  }
0xc2: {  	_ =	sdelay $0x2  }
0xc3: {  	s22 =	smov.u32 s7  }
.LBB2_6:
0xc4: {  	_ =	sfence.sel $0x180000  }
0xc5: {  	[bflag:$0x0] =	sbarrier.arrive $0xFFFF  }
0xc6: {  	_ =	strace $0x9000004A  }
0xc7: {  	s0 =	stileid.u32;
	[bflag:$0x2] =	sbarrier.arrive $0xFFFF  }
0xc8: {  	p0 =	sne.s32 s0, $0x0;
	s0 =	rddreg [dreg:$0x3]  }
0xc9: {  	s0 =	sadd.s32 @!p0 $0x100000, s0  }
0xca: {  	[sflag:s0] =	ssyncadd.tile.s32 @!p0 $0x1;
	_ =	shalt  }
.Lfunc_end2:
_tile_overlayer_lowered:
.L_overlay_start_2:
0xcb: {  	(tag) =	ssettag $0x2  }
0xcc: {  	s0 =	rddreg [dreg:$0x0];
	s2 =	stileid.u32  }
0xcd: {  	s1 =	rddreg [dreg:$0x1];
	p0 =	sne.s32 s2, $0x0  }
0xce: {  	s3 =	rddreg [dreg:$0x2];
	[bflag:$0x3] =	sbarrier.arrive $0xFFFF;
	s2 =	simm.s32 @!p0 $0x1C03  }
0xcf: {  	[timem:s3], [sflag:s2] =	dma.local @!p0 [hbm:s0], s1  }
0xd0: {  	s0 =	simm.s32 @!p0 $0x3  }
0xd1: {  	_ =	swait.ge @!p0 [sflag:s0], s1  }
0xd2: {  	s1 =	ssub.s32 @!p0 $0x0, s1;
	[sflag:s0] =	ssyncset.done @!p0 $0x0  }
0xd3: {  	[sflag:s0] =	ssyncadd.s32 @!p0 s1  }
0xd4: {  	[bflag:$0x3] =	sbarrier.arrive $0xFFFF  }
0xd5: {  	_ =	shalt  }

// kernel: kernel.14.cloned.1.call-start
scs
__scs_entry_jumppad:
0x0: {  	(pc) =	sbr.rel $0x88, $3  }
0x1: {  	(tag) =	ssettag $0x0;
	lr =	simm.s32 $0x1  }
0x2: {  	[smem:$0x3F9B] =	sst lr;
	_ =	strace $0xD0000000  }
0x3: {  	_ = 	snop  }
0x4: {  	_ = 	snop  }
0x5: {  	_ = 	snop  }
0x6: {  	_ = 	snop  }
0x7: {  	_ = 	snop  }
__scs_overlays_trampoline_lowered:
0x8: {  	[smem:$0x3FAA] =	sst s0  }
0x9: {  	[smem:$0x3FAB] =	sst s1  }
0xa: {  	[smem:$0x3FAC] =	sst s2  }
0xb: {  	[smem:$0x3FAD] =	sst s3  }
0xc: {  	[smem:$0x3FAE] =	sst s4  }
0xd: {  	[smem:$0x3FAF] =	sst s5  }
0xe: {  	[smem:$0x3FB0] =	sst s6  }
0xf: {  	[smem:$0x3FB1] =	sst s7  }
0x10: {  	[smem:$0x3FB2] =	sst s8  }
0x11: {  	[smem:$0x3FB3] =	sst s9;
	s0 =	simm.s32 @!p0 $0x0  }
0x12: {  	s1 =	sld [smem:$0x3F99];
	s0 =	simm.s32 @p0 $0x1  }
0x13: {  	[smem:$0x3FB4] =	sst s0;
	s0 =	simm.s32 @!p1 $0x0  }
0x14: {  	s2 =	sld [smem:$0x3F98];
	s0 =	simm.s32 @p1 $0x1  }
0x15: {  	[smem:$0x3FB5] =	sst s0;
	s0 =	simm.s32 @!p2 $0x0  }
0x16: {  	s3 =	sld [smem:$0x3FDB];
	s0 =	simm.s32 @p2 $0x1  }
0x17: {  	s4 =	simm.s32 $0x1BF5;
	[smem:$0x3FB7] =	sst s0  }
0x18: {  	s0 =	sld [smem:$0x3F9A];
	_ =	swait.ge [sflag:s4], $0x0  }
0x19: {  	s7 =	sld [smem:$0x3F9B]  }
0x1a: {  	s8 =	sadd.s32 $0xFFFFE003, lr  }
0x1b: {  	s9 =	sadd.s32 $0xFFFFFEF7, lr;
	s5 =	simm.s32 $0xFFFFFFFF;
	p2 =	slt.u32 s8, $0xFFFFF086  }
0x1c: {  	p1 =	slt.u32 s9, $0xF7A;
	s5 =	simm.s32 @!p2 $0x0  }
0x1d: {  	s5 =	simm.s32 @p1 $0x1;
	p0 =	seq.s32 s7, s2  }
0x1e: {  	s7 =	smul.u32 @!p0 $0xF7A, s2;
	p2 =	seq.s32 @!p0 s5, $0x0  }
0x1f: {  	s9 =	smul.u32 $0xF7A, s1;
	s8 =	simm.s32 @!p0 $0x1BF5;
	p2 =	por !p2, p0  }
0x20: {  	[sflag:s8] =	ssyncset.s32 @!p0 $0xFFFFF086;
	s6 =	sadd.s32 @!p0 s3, s7;
	s7 =	simm.s32 @!p0 $0x108  }
0x21: {  	s3 =	sadd.s32 s3, s9;
	s6 =	sadd.s32 @!p0 $0x88, s6;
	s7 =	simm.s32 @p2 $0x1082  }
0x22: {  	[simem:s7], [sflag:s8] =	dma.local @!p0 [hbm:s6], $0xF7A  }
0x23: {  	s9 =	sor.u32 $0xD0000000, s2;
	s6 =	simm.s32 $0x108;
	_ =	swait.ge @!p0 [sflag:s8], $0x0  }
0x24: {  	s3 =	sadd.s32 $0x88, s3;
	s6 =	simm.s32 @!p1 $0x1082;
	[sflag:s4] =	ssyncset.s32 $0xFFFFF086  }
0x25: {  	[simem:s6], [sflag:s4] =	dma.local [hbm:s3], $0xF7A  }
0x26: {  	[smem:$0x3F9B] =	sst s1;
	(tag) =	ssettag s2;
	_ =	strace s9  }
0x27: {  	s1 =	sld [smem:$0x3FAB]  }
0x28: {  	s2 =	sld [smem:$0x3FAC]  }
0x29: {  	s4 =	sld [smem:$0x3FAE]  }
0x2a: {  	p0 =	seq.s32 s5, $0x0;
	s5 =	sld [smem:$0x3FAF]  }
0x2b: {  	s6 =	sld [smem:$0x3FB0]  }
0x2c: {  	s7 =	sld [smem:$0x3FB1]  }
0x2d: {  	s3 =	simm.s32 $0x108;
	s8 =	sld [smem:$0x3FB2]  }
0x2e: {  	s3 =	simm.s32 @!p0 $0x1082;
	s9 =	sld [smem:$0x3FB3]  }
0x2f: {  	lr =	sadd.s32 s0, s3;
	s0 =	sld [smem:$0x3FAA]  }
0x30: {  	s3 =	sld [smem:$0x3FAD]  }
0x31: {  	[smem:$0x3FB6] =	sst s10  }
0x32: {  	s10 =	sld [smem:$0x3FB4];
	_ =	sdelay $0x3  }
0x33: {  	p0 =	seq.s32 s10, $0x1;
	s10 =	sld [smem:$0x3FB6];
	_ =	sdelay $0x3  }
0x34: {  	[smem:$0x3FB6] =	sst s10  }
0x35: {  	s10 =	sld [smem:$0x3FB5];
	_ =	sdelay $0x3  }
0x36: {  	p1 =	seq.s32 s10, $0x1;
	s10 =	sld [smem:$0x3FB6];
	_ =	sdelay $0x3  }
0x37: {  	[smem:$0x3FB6] =	sst s10  }
0x38: {  	s10 =	sld [smem:$0x3FB7]  }
0x39: {  	_ = 	snop;
	(pc) =	sbr.ind lr, $3  }
0x3a: {  	_ = 	snop  }
0x3b: {  	_ = 	snop  }
0x3c: {  	p2 =	seq.s32 s10, $0x1;
	s10 =	sld [smem:$0x3FB6]  }
0x3d: {  	_ =	shalt  }
0x3e: {  	_ =	shalt  }
0x3f: {  	_ =	shalt  }
0x40: {  	_ =	shalt  }
0x41: {  	_ =	shalt  }
0x42: {  	_ =	shalt  }
0x43: {  	_ =	shalt  }
0x44: {  	_ =	shalt  }
0x45: {  	_ =	shalt  }
0x46: {  	_ =	shalt  }
0x47: {  	_ =	shalt  }
0x48: {  	_ =	shalt  }
0x49: {  	_ =	shalt  }
0x4a: {  	_ =	shalt  }
0x4b: {  	_ =	shalt  }
0x4c: {  	_ =	shalt  }
0x4d: {  	_ =	shalt  }
0x4e: {  	_ =	shalt  }
0x4f: {  	_ =	shalt  }
0x50: {  	_ =	shalt  }
0x51: {  	_ =	shalt  }
0x52: {  	_ =	shalt  }
0x53: {  	_ =	shalt  }
0x54: {  	_ =	shalt  }
0x55: {  	_ =	shalt  }
0x56: {  	_ =	shalt  }
0x57: {  	_ =	shalt  }
0x58: {  	_ =	shalt  }
0x59: {  	_ =	shalt  }
0x5a: {  	_ =	shalt  }
0x5b: {  	_ =	shalt  }
0x5c: {  	_ =	shalt  }
0x5d: {  	_ =	shalt  }
0x5e: {  	_ =	shalt  }
0x5f: {  	_ =	shalt  }
0x60: {  	_ =	shalt  }
0x61: {  	_ =	shalt  }
0x62: {  	_ =	shalt  }
0x63: {  	_ =	shalt  }
0x64: {  	_ =	shalt  }
0x65: {  	_ =	shalt  }
0x66: {  	_ =	shalt  }
0x67: {  	_ =	shalt  }
0x68: {  	_ =	shalt  }
0x69: {  	_ =	shalt  }
0x6a: {  	_ =	shalt  }
0x6b: {  	_ =	shalt  }
0x6c: {  	_ =	shalt  }
0x6d: {  	_ =	shalt  }
0x6e: {  	_ =	shalt  }
0x6f: {  	_ =	shalt  }
0x70: {  	_ =	shalt  }
0x71: {  	_ =	shalt  }
0x72: {  	_ =	shalt  }
0x73: {  	_ =	shalt  }
0x74: {  	_ =	shalt  }
0x75: {  	_ =	shalt  }
0x76: {  	_ =	shalt  }
0x77: {  	_ =	shalt  }
0x78: {  	_ =	shalt  }
0x79: {  	_ =	shalt  }
0x7a: {  	_ =	shalt  }
0x7b: {  	_ =	shalt  }
0x7c: {  	_ =	shalt  }
0x7d: {  	_ =	shalt  }
0x7e: {  	_ =	shalt  }
0x7f: {  	_ =	shalt  }
0x80: {  	_ =	shalt  }
0x81: {  	_ =	shalt  }
0x82: {  	_ =	shalt  }
0x83: {  	_ =	shalt  }
0x84: {  	_ =	shalt  }
0x85: {  	_ =	shalt  }
0x86: {  	_ =	shalt  }
0x87: {  	_ =	shalt  }
.Lfunc_end0:
.L_simem_size_0:
called_computation.2_lowered:
.L_overlay_start_0:
0x88: {  	s2 =	sld [smem:$0x3FD9]  }
0x89: {  	s3 =	sld [smem:$0x3FFE];
	_ =	sdelay $0x1  }
0x8a: {  	s1 =	srdreg.scid  }
0x8b: {  	s0 =	sand.u32 $0x1, s1  }
0x8c: {  	s17 =	sshll.u32 s0, $0xA;
	s2 =	sadd.s32 s3, s2  }
0x8d: {  	s2 =	sadd.s32 s2, s17  }
0x8e: {  	[smem:$0x3FC2] =	sst s2  }
0x8f: {  	_ = 	snop  }
0x90: {  	s2 =	sld [smem:$0x3FD0];
	(tm) =	ssettm $0x1  }
0x91: {  	s18 =	sld [smem:$0x3FFB];
	_ =	sdelay $0x3  }
0x92: {  	_ =	strace s18  }
0x93: {  	s3 =	sld [smem:$0x3FFC];
	_ =	sdelay $0x3  }
0x94: {  	_ =	strace s3  }
0x95: {  	s3 =	sld [smem:$0x3FFD];
	_ =	sdelay $0x3  }
0x96: {  	_ =	strace s3  }
0x97: {  	_ =	strace $0x8FFFFFFF  }
0x98: {  	s19 =	sld [smem:$0x3FDB];
	_ =	sdelay $0x1  }
0x99: {  	s4 =	simm.s32 $_scs_section_size  }
0x9a: {  	s5 =	simm.s32 $_size__tile_overlayer_lowered;
	s6 =	simm.s32 $_tile_overlayer_lowered  }
0x9b: {  	s22 =	simm.s32 $0x1BFF;
	s21 =	sshll.u32 s6, $0x1;
	s3 =	sadd.s32 s4, s19  }
0x9c: {  	s7 =	simm.s32 $0x0;
	s20 =	sshll.u32 s5, $0x1;
	s5 =	sadd.s32 s21, s3  }
0x9d: {  	[timem:s7], [sflag:s22] =	dma.local [hbm:s5], s20  }
0x9e: {  	_ =	swait.ge [sflag:s22], s20  }
0x9f: {  	s4 =	ssub.s32 $0x0, s20;
	[sflag:s22] =	ssyncset.done $0x0  }
0xa0: {  	[sflag:s22] =	ssyncadd.s32 s4;
	_ =	sdelay $0x1  }
0xa1: {  	s23 =	simm.s32 $0x1B8B  }
0xa2: {  	_ =	swait.ge [sflag:s23], $0x1  }
0xa3: {  	[sflag:s23] =	ssyncset.done $0x0  }
0xa4: {  	s25 =	simm.s32 $0x1B8E;
	s24 =	sld [smem:$0x3FFE];
	[sflag:s23] =	ssyncadd.s32 $0xFFFFFFFF  }
0xa5: {  	s26 =	simm.s32 $execute0_lowered;
	[smem:$0x3FD2] =	sst s25  }
0xa6: {  	s5 =	sshll.u32 s26, $0x1;
	_ =	strace $0x8000004C;
	[dreg:$0x1] =	wrdreg $0xFFFFFFFF  }
0xa7: {  	s28 =	simm.s32 $_size_execute0_lowered;
	s3 =	sadd.s32 s3, s5;
	[dreg:$0x0] =	wrdreg $0x0  }
0xa8: {  	s5 =	sshll.u32 s28, $0x1;
	[dreg:$0x2] =	wrdreg s3  }
0xa9: {  	[dreg:$0x3] =	wrdreg s5  }
0xaa: {  	[dreg:$0x4] =	wrdreg $0xC0  }
0xab: {  	_ =	task [dreg:s7], $0x5FFFF  }
0xac: {  	[dreg:$0x1] =	wrdreg $0xFFFFFFFF  }
0xad: {  	[dreg:$0x0] =	wrdreg $0x60  }
0xae: {  	[dreg:$0x2] =	wrdreg s24  }
0xaf: {  	[dreg:$0x3] =	wrdreg s2  }
0xb0: {  	[dreg:$0x4] =	wrdreg $0x82000  }
0xb1: {  	[dreg:$0x5] =	wrdreg $0x9  }
0xb2: {  	_ =	task.clear_ibuf [dreg:s7], $0x6FFFF;
	_ =	strace $0x9000004C  }
0xb3: {  	s29 =	simm.s32 $0x9;
	_ =	strace $0x8000004E  }
0xb4: {  	_ =	swait.ge [sflag:s29], $0x1  }
0xb5: {  	[sflag:s29] =	ssyncadd.s32 $0xFFFFFFFF  }
0xb6: {  	_ =	strace $0x9000004E  }
0xb7: {  	_ =	sfence  }
0xb8: {  	s30 =	sld [smem:$0x0];
	_ =	sdelay $0x2  }
0xb9: {  	s31 =	sshll.u32 s1, $0xD;
	s1 =	sshrl.u32 s1, $0x2  }
0xba: {  	s3 =	sand.u32 $0x4000, s31;
	s1 =	sadd.s32 s1, s30  }
0xbb: {  	s0 =	sor.u32 s3, s0;
	s1 =	sshll.u32 s1, $0x11  }
0xbc: {  	s0 =	sor.u32 s1, s0  }
0xbd: {  	s0 =	sadd.s32 $0x8F2B, s0  }
0xbe: {  	[sflag:s0] =	ssyncadd.remote.s32 $0x1  }
0xbf: {  	_ =	sfence.sel $0xFFFF  }
0xc0: {  	[dreg:$0x0] =	wrdreg $0xFFFFFFFF;
	(pc) =	sbr.abs _section_cstart, $3  }
0xc1: {  	[dreg:$0x1] =	wrdreg $0xFFFFFFFF  }
0xc2: {  	_ =	task.clear_ibuf [dreg:s7], $0x2FFFF;
	_ =	strace $0x9FFFFFFF  }
0xc3: {  	(tm) =	ssettm $0x7FFFFFFF  }
tec
execute0_lowered:
.L_overlay_start_1:
0x0: {  	(tag) =	ssettag $0x1  }
0x1: {  	s0 =	rddreg [dreg:$0x0]  }
0x2: {  	s1 =	rddreg [dreg:$0x1]  }
0x3: {  	s2 =	rddreg [dreg:$0x2];
	s4 =	simm.s32 $0x0  }
0x4: {  	s3 =	srdreg.scid;
	s16 =	stileid.u32;
	s28 =	simm.s32 $0x180  }
0x5: {  	s29 =	simm.s32 $0x4200;
	s30 =	simm.s32 $0x1;
	s31 =	simm.s32 $0x2  }
0x6: {  	[smem:$0x7FF] =	sst s4;
	s3 =	sand.u32 $0x1, s3;
	s5 =	sadd.s32 $0xD200, s0  }
0x7: {  	s8 =	smul.u32 $0x9E, s16;
	s6 =	sadd.s32 $0x2C00, s0;
	s11 =	sadd.s32 $0xCA00, s0  }
0x8: {  	s0 =	sadd.s32 $0x83A00, s0;
	s13 =	sshll.u32 s16, $0xE;
	s23 =	smul.u32 $0x4F00, s16  }
0x9: {  	_ =	strace $0x8000004D;
	s7 =	ssub.s32 $0x2, s3;
	s10 =	smul.u32 $0x81, s3  }
0xa: {  	[dreg:$0x4] =	wrdreg s11;
	p0 =	seq.s32 s3, $0x0;
	s14 =	sor.u32 $0x40000, s13  }
0xb: {  	s17 =	sor.u32 $0x80000, s13;
	s18 =	sor.u32 $0xC0000, s13;
	s20 =	smul.u32 $0x13C000, s3  }
0xc: {  	s19 =	sor.u32 $0x100000, s13;
	s3 =	smul.u32 $0x4080, s3;
	s9 =	sshrl.u32 s7, $0x1  }
0xd: {  	s11 =	sadd.s32 s18, s2;
	s7 =	ssub.s32 s7, s9;
	s12 =	sadd.s32 s10, s8  }
0xe: {  	s8 =	sadd.s32 s13, s2;
	s9 =	sadd.s32 s14, s2;
	s10 =	sadd.s32 s17, s2  }
0xf: {  	s13 =	sadd.s32 s20, s13;
	s14 =	sadd.s32 s20, s14;
	s24 =	sadd.s32 s20, s18  }
0x10: {  	s26 =	sadd.s32 s3, s23;
	s23 =	simm.s32 $0x200;
	s15 =	sshll.u32 s12, $0x4  }
0x11: {  	s12 =	sadd.s32 s19, s2;
	s13 =	sshrl.u32 s13, $0x3;
	s14 =	sshrl.u32 s14, $0x3  }
0x12: {  	s19 =	sadd.s32 s20, s19;
	s25 =	sshrl.u32 s24, $0x3;
	s21 =	sadd.s32 s6, s15  }
0x13: {  	s24 =	simm.s32 $0x3;
	s15 =	sadd.s32 s1, s15;
	[dreg:$0x5] =	wrdreg s21  }
0x14: {  	s13 =	sadd.s32 s0, s13;
	[dreg:$0x6] =	wrdreg s15;
	s15 =	simm.s32 $0x40  }
0x15: {  	[dreg:$0x7] =	wrdreg s13;
	s21 =	sadd.s32 s20, s17;
	s17 =	sadd.s32 s0, s14  }
0x16: {  	s20 =	sshrl.u32 s19, $0x3;
	s19 =	sadd.s32 s0, s25;
	s25 =	simm.s32 $0x100  }
0x17: {  	s15 =	simm.s32 @!p0 $0xE;
	s22 =	sshrl.u32 s21, $0x3;
	s20 =	sadd.s32 s0, s20  }
0x18: {  	s21 =	smax.u32 s7, $0x1;
	s7 =	sadd.s32 $0x100, s26;
	p0 =	seq.s32 s16, $0xF  }
0x19: {  	s26 =	simm.s32 $0x80;
	s18 =	sadd.s32 s0, s22;
	s0 =	simm.s32 $0x0  }
.LBB2_1:
0x1a: {  	s3 =	rddreg [dreg:$0x4]  }
0x1b: {  	[tilespmem:s23], [sflag:$0x3] =	stream.linear.gather [hbm4b:s3+s4], $0x4000, $0x38;
	[tilespmem:$0x1BE00] =	vst v63  }
0x1c: {  	_ =	swait.ge [sflag:s24], $0x4000  }
0x1d: {  	[sflag:s24] =	ssyncset.done $0x0  }
0x1e: {  	[sflag:s24] =	ssyncadd.s32 $0xFFFFC000  }
0x1f: {  	[spmem:s8] =	stream.linear.scatter [tilespmem:s23], [sflag:$0x3], $0x4000, $0x38;
	[tilespmem:$0x1BE00] =	vst v63  }
0x20: {  	_ =	swait.ge [sflag:s24], $0x4000  }
0x21: {  	[sflag:s24] =	ssyncset.done $0x0  }
0x22: {  	[sflag:s24] =	ssyncadd.s32 $0xFFFFC000  }
0x23: {  	[spmem:s9] =	stream.linear.scatter [tilespmem:s23], [sflag:$0x3], $0x4000, $0x38;
	[tilespmem:$0x1BE00] =	vst v63  }
0x24: {  	_ =	swait.ge [sflag:s24], $0x4000  }
0x25: {  	[sflag:s24] =	ssyncset.done $0x0  }
0x26: {  	[sflag:s24] =	ssyncadd.s32 $0xFFFFC000  }
0x27: {  	[spmem:s10] =	stream.linear.scatter [tilespmem:s23], [sflag:$0x3], $0x4000, $0x38;
	[tilespmem:$0x1BE00] =	vst v63  }
0x28: {  	_ =	swait.ge [sflag:s24], $0x4000  }
0x29: {  	[sflag:s24] =	ssyncset.done $0x0  }
0x2a: {  	[sflag:s24] =	ssyncadd.s32 $0xFFFFC000  }
0x2b: {  	[spmem:s11] =	stream.linear.scatter [tilespmem:s23], [sflag:$0x3], $0x4000, $0x38;
	[tilespmem:$0x1BE00] =	vst v63  }
0x2c: {  	_ =	swait.ge [sflag:s24], $0x4000  }
0x2d: {  	[sflag:s24] =	ssyncset.done $0x0  }
0x2e: {  	s3 =	simm.s32 @!p0 $0x200;
	[sflag:s24] =	ssyncadd.s32 $0xFFFFC000  }
0x2f: {  	[spmem:s12] =	stream.linear.scatter @!p0 [tilespmem:s3], [sflag:$0x3], $0x4000, $0x38;
	[tilespmem:$0x1BE00] =	vst v63  }
0x30: {  	s3 =	simm.s32 @!p0 $0x3  }
0x31: {  	_ =	swait.ge @!p0 [sflag:s3], $0x4000  }
0x32: {  	[sflag:s3] =	ssyncset.done @!p0 $0x0  }
0x33: {  	[sflag:s3] =	ssyncadd.s32 @!p0 $0xFFFFC000  }
0x34: {  	[bflag:$0x0] =	sbarrier.arrive $0xFFFF  }
0x35: {  	s13 =	rddreg [dreg:$0x5]  }
0x36: {  	[tilespmem:s4], [sflag:$0x3] =	stream.linear.gather [hbm4b:s13+s4], $0x80, $0x38;
	[tilespmem:$0x1BE00] =	vst v63  }
0x37: {  	_ =	swait.ge [sflag:s24], $0x80  }
0x38: {  	[sflag:s24] =	ssyncset.done $0x0  }
0x39: {  	p2 =	sne.s32 s15, $0x1;
	s22 =	rddreg [dreg:$0x6];
	[sflag:s24] =	ssyncadd.s32 $0xFFFFFF80  }
0x3a: {  	[tilespmem:s25], [sflag:$0x3] =	stream.linear.gather [hbm4b:s22+s4], $0x80, $0x38;
	[tilespmem:$0x1BE00] =	vst v63  }
.Ltmp0:
0x3b: {  	_ = 	snop;
	(pc) =	sbr.rel @!p2 .LBB2_2-.Ltmp0, $4  }
0x3c: {  	_ =	swait.ge [sflag:s24], $0x80  }
0x3d: {  	s14 =	sadd.s32 $0xFFFFFF80, s7;
	p1 =	por $0x0, $0x0;
	[sflag:s24] =	ssyncset.done $0x0  }
0x3e: {  	s14 =	sshrl.u32 s14, $0x3;
	s13 =	sadd.s32 $0xFFFFFFFF, s15;
	[sflag:s24] =	ssyncadd.s32 $0xFFFFFF80  }
0x3f: {  	[tilespmem:s23], [sflag:$0x1] =	stream.indirect.gather [hbm4b:s5+s26], $0x80, s4, s26, $0xb8;
	[tilespmem:$0x1BE00] =	vst v63  }
0x40: {  	s22 =	sadd.s32 s6, s14  }
0x41: {  	[tilespmem:s26], [sflag:$0x3] =	stream.linear.gather [hbm4b:s22+s4], $0x80, $0x38;
	[tilespmem:$0x1BE00] =	vst v63  }
0x42: {  	_ =	swait.ge [sflag:s24], $0x80  }
0x43: {  	[sflag:s24] =	ssyncset.done $0x0  }
0x44: {  	s22 =	sadd.s32 s1, s14;
	[sflag:s24] =	ssyncadd.s32 $0xFFFFFF80  }
0x45: {  	[tilespmem:s28], [sflag:$0x3] =	stream.linear.gather [hbm4b:s22+s4], $0x80, $0x38;
	[tilespmem:$0x1BE00] =	vst v63  }
0x46: {  	_ =	swait.ge [sflag:s24], $0x80  }
0x47: {  	[sflag:s24] =	ssyncset.done $0x0  }
0x48: {  	[sflag:s24] =	ssyncadd.s32 $0xFFFFFF80  }
0x49: {  	[tilespmem:s29], [sflag:$0x2] =	stream.indirect.gather [hbm4b:s5+s26], $0x80, s26, s26, $0xb8;
	[tilespmem:$0x1BE00] =	vst v63  }
0x4a: {  	_ =	swait.ge [sflag:s30], $0x4000  }
0x4b: {  	[sflag:s30] =	ssyncset.done $0x0  }
0x4c: {  	[sflag:s30] =	ssyncadd.s32 $0xFFFFC000  }
0x4d: {  	[spmem:s2] =	stream.indirect.scatter.add.f32 [tilespmem:s23], [sflag:$0x3], $0x80, s25, s26, $0xb8;
	[tilespmem:$0x1BE00] =	vst v63  }
0x4e: {  	_ =	swait.ge [sflag:s24], $0x4000  }
0x4f: {  	s14 =	sshrl.u32 s7, $0x3;
	[sflag:s24] =	ssyncset.done $0x0  }
0x50: {  	s16 =	sadd.s32 s6, s14;
	[sflag:s24] =	ssyncadd.s32 $0xFFFFC000  }
0x51: {  	[tilespmem:s4], [sflag:$0x3] =	stream.linear.gather [hbm4b:s16+s4], $0x80, $0x38;
	[tilespmem:$0x1BE00] =	vst v63  }
0x52: {  	_ =	swait.ge [sflag:s24], $0x80  }
0x53: {  	[sflag:s24] =	ssyncset.done $0x0  }
0x54: {  	s14 =	sadd.s32 s1, s14;
	[sflag:s24] =	ssyncadd.s32 $0xFFFFFF80  }
0x55: {  	[tilespmem:s25], [sflag:$0x3] =	stream.linear.gather [hbm4b:s14+s4], $0x80, $0x38;
	[tilespmem:$0x1BE00] =	vst v63  }
0x56: {  	_ =	swait.ge [sflag:s24], $0x80  }
0x57: {  	[sflag:s24] =	ssyncset.done $0x0  }
0x58: {  	[sflag:s24] =	ssyncadd.s32 $0xFFFFFF80  }
0x59: {  	[tilespmem:s23], [sflag:$0x1] =	stream.indirect.gather [hbm4b:s5+s26], $0x80, s4, s26, $0xb8;
	[tilespmem:$0x1BE00] =	vst v63  }
0x5a: {  	p2 =	sne.s32 s13, $0x1;
	_ =	swait.ge [sflag:s31], $0x4000  }
.Ltmp1:
0x5b: {  	[sflag:s31] =	ssyncset.done $0x0;
	(pc) =	sbr.rel @!p2 .LBB2_5-.Ltmp1, $4  }
0x5c: {  	s22 =	sadd.s32 $0x100, s7;
	[sflag:s31] =	ssyncadd.s32 $0xFFFFC000  }
0x5d: {  	[spmem:s2] =	stream.indirect.scatter.add.f32 [tilespmem:s29], [sflag:$0x3], $0x80, s28, s26, $0xb8;
	[tilespmem:$0x1BE00] =	vst v63  }
0x5e: {  	s13 =	sadd.s32 $0xFFFFFFFF, s13;
	s16 =	sadd.s32 $0xFFFFFF80, s22;
	_ =	swait.ge [sflag:s24], $0x4000  }
0x5f: {  	p1 =	por $0x1, $0x1;
	s14 =	sshrl.u32 s16, $0x3;
	[sflag:s24] =	ssyncset.done $0x0  }
.LBB2_4:
0x60: {  	p2 =	sne.s32 s13, $0x1;
	s16 =	sadd.s32 s6, s14;
	[sflag:s24] =	ssyncadd.s32 $0xFFFFC000  }
0x61: {  	[tilespmem:s26], [sflag:$0x3] =	stream.linear.gather [hbm4b:s16+s4], $0x80, $0x38;
	[tilespmem:$0x1BE00] =	vst v63  }
0x62: {  	s13 =	sadd.s32 $0xFFFFFFFF, s13;
	_ =	swait.ge [sflag:s24], $0x80  }
0x63: {  	[sflag:s24] =	ssyncset.done $0x0  }
0x64: {  	s14 =	sadd.s32 s1, s14;
	[sflag:s24] =	ssyncadd.s32 $0xFFFFFF80  }
0x65: {  	[tilespmem:s28], [sflag:$0x3] =	stream.linear.gather [hbm4b:s14+s4], $0x80, $0x38;
	[tilespmem:$0x1BE00] =	vst v63  }
0x66: {  	_ =	swait.ge [sflag:s24], $0x80  }
0x67: {  	[sflag:s24] =	ssyncset.done $0x0  }
0x68: {  	[sflag:s24] =	ssyncadd.s32 $0xFFFFFF80  }
0x69: {  	[tilespmem:s29], [sflag:$0x2] =	stream.indirect.gather [hbm4b:s5+s26], $0x80, s26, s26, $0xb8;
	[tilespmem:$0x1BE00] =	vst v63  }
0x6a: {  	_ =	swait.ge [sflag:s30], $0x4000  }
0x6b: {  	[sflag:s30] =	ssyncset.done $0x0  }
0x6c: {  	[sflag:s30] =	ssyncadd.s32 $0xFFFFC000  }
0x6d: {  	[spmem:s2] =	stream.indirect.scatter.add.f32 [tilespmem:s23], [sflag:$0x3], $0x80, s25, s26, $0xb8;
	[tilespmem:$0x1BE00] =	vst v63  }
0x6e: {  	_ =	swait.ge [sflag:s24], $0x4000  }
0x6f: {  	s14 =	sshrl.u32 s22, $0x3;
	[sflag:s24] =	ssyncset.done $0x0  }
0x70: {  	s16 =	sadd.s32 s6, s14;
	[sflag:s24] =	ssyncadd.s32 $0xFFFFC000  }
0x71: {  	[tilespmem:s4], [sflag:$0x3] =	stream.linear.gather [hbm4b:s16+s4], $0x80, $0x38;
	[tilespmem:$0x1BE00] =	vst v63  }
0x72: {  	_ =	swait.ge [sflag:s24], $0x80  }
0x73: {  	[sflag:s24] =	ssyncset.done $0x0  }
0x74: {  	s14 =	sadd.s32 s1, s14;
	[sflag:s24] =	ssyncadd.s32 $0xFFFFFF80  }
0x75: {  	[tilespmem:s25], [sflag:$0x3] =	stream.linear.gather [hbm4b:s14+s4], $0x80, $0x38;
	[tilespmem:$0x1BE00] =	vst v63  }
0x76: {  	_ =	swait.ge [sflag:s24], $0x80  }
0x77: {  	[sflag:s24] =	ssyncset.done $0x0  }
0x78: {  	[sflag:s24] =	ssyncadd.s32 $0xFFFFFF80  }
0x79: {  	[tilespmem:s23], [sflag:$0x1] =	stream.indirect.gather [hbm4b:s5+s26], $0x80, s4, s26, $0xb8;
	[tilespmem:$0x1BE00] =	vst v63  }
0x7a: {  	_ =	swait.ge [sflag:s31], $0x4000  }
.Ltmp2:
0x7b: {  	[sflag:s31] =	ssyncset.done $0x0;
	(pc) =	sbr.rel @p2 .LBB2_4-.Ltmp2, $4  }
0x7c: {  	s22 =	sadd.s32 $0x100, s22;
	[sflag:s31] =	ssyncadd.s32 $0xFFFFC000  }
0x7d: {  	[spmem:s2] =	stream.indirect.scatter.add.f32 [tilespmem:s29], [sflag:$0x3], $0x80, s28, s26, $0xb8;
	[tilespmem:$0x1BE00] =	vst v63  }
0x7e: {  	s14 =	sadd.s32 $0xFFFFFF80, s22;
	_ =	swait.ge [sflag:s24], $0x4000  }
0x7f: {  	s14 =	sshrl.u32 s14, $0x3;
	[sflag:s24] =	ssyncset.done $0x0  }
.LBB2_5:
0x80: {  	s13 =	sadd.s32 s6, s14;
	[sflag:s24] =	ssyncadd.s32 @p1 $0xFFFFC000  }
0x81: {  	[tilespmem:s26], [sflag:$0x3] =	stream.linear.gather [hbm4b:s13+s4], $0x80, $0x38;
	[tilespmem:$0x1BE00] =	vst v63  }
0x82: {  	_ =	swait.ge [sflag:s24], $0x80  }
0x83: {  	[sflag:s24] =	ssyncset.done $0x0  }
0x84: {  	s14 =	sadd.s32 s1, s14;
	[sflag:s24] =	ssyncadd.s32 $0xFFFFFF80  }
0x85: {  	[tilespmem:s28], [sflag:$0x3] =	stream.linear.gather [hbm4b:s14+s4], $0x80, $0x38;
	[tilespmem:$0x1BE00] =	vst v63  }
0x86: {  	_ =	swait.ge [sflag:s24], $0x80  }
0x87: {  	[sflag:s24] =	ssyncset.done $0x0  }
0x88: {  	[sflag:s24] =	ssyncadd.s32 $0xFFFFFF80  }
0x89: {  	[tilespmem:s29], [sflag:$0x2] =	stream.indirect.gather [hbm4b:s5+s26], $0x80, s26, s26, $0xb8;
	[tilespmem:$0x1BE00] =	vst v63  }
0x8a: {  	_ =	swait.ge [sflag:s30], $0x4000  }
0x8b: {  	[sflag:s30] =	ssyncset.done $0x0  }
0x8c: {  	[sflag:s30] =	ssyncadd.s32 $0xFFFFC000  }
0x8d: {  	[spmem:s2] =	stream.indirect.scatter.add.f32 [tilespmem:s23], [sflag:$0x3], $0x80, s25, s26, $0xb8;
	[tilespmem:$0x1BE00] =	vst v63  }
0x8e: {  	_ =	swait.ge [sflag:s24], $0x4000  }
0x8f: {  	s16 =	sshrl.u32 s22, $0x3;
	[sflag:s24] =	ssyncset.done $0x0  }
0x90: {  	s22 =	sadd.s32 s6, s16;
	[sflag:s24] =	ssyncadd.s32 $0xFFFFC000  }
0x91: {  	[tilespmem:s4], [sflag:$0x3] =	stream.linear.gather [hbm4b:s22+s4], $0x80, $0x38;
	[tilespmem:$0x1BE00] =	vst v63  }
0x92: {  	_ =	swait.ge [sflag:s24], $0x80  }
0x93: {  	[sflag:s24] =	ssyncset.done $0x0  }
0x94: {  	s13 =	sadd.s32 s1, s16;
	[sflag:s24] =	ssyncadd.s32 $0xFFFFFF80  }
0x95: {  	[tilespmem:s25], [sflag:$0x3] =	stream.linear.gather [hbm4b:s13+s4], $0x80, $0x38;
	[tilespmem:$0x1BE00] =	vst v63  }
0x96: {  	_ =	swait.ge [sflag:s24], $0x80  }
0x97: {  	[sflag:s24] =	ssyncset.done $0x0  }
0x98: {  	[sflag:s24] =	ssyncadd.s32 $0xFFFFFF80  }
0x99: {  	[tilespmem:s23], [sflag:$0x1] =	stream.indirect.gather [hbm4b:s5+s26], $0x80, s4, s26, $0xb8;
	[tilespmem:$0x1BE00] =	vst v63  }
0x9a: {  	_ =	swait.ge [sflag:s31], $0x4000  }
0x9b: {  	[sflag:s31] =	ssyncset.done $0x0  }
0x9c: {  	[sflag:s31] =	ssyncadd.s32 $0xFFFFC000  }
0x9d: {  	[spmem:s2] =	stream.indirect.scatter.add.f32 [tilespmem:s29], [sflag:$0x3], $0x80, s28, s26, $0xb8;
	[tilespmem:$0x1BE00] =	vst v63  }
0x9e: {  	_ =	swait.ge [sflag:s24], $0x4000  }
0x9f: {  	[sflag:s24] =	ssyncset.done $0x0  }
0xa0: {  	[sflag:s24] =	ssyncadd.s32 $0xFFFFC000  }
0xa1: {  	_ =	swait.ge [sflag:s30], $0x4000  }
0xa2: {  	[sflag:s30] =	ssyncset.done $0x0  }
0xa3: {  	[sflag:s30] =	ssyncadd.s32 $0xFFFFC000  }
0xa4: {  	[spmem:s2] =	stream.indirect.scatter.add.f32 [tilespmem:s23], [sflag:$0x3], $0x80, s25, s26, $0xb8;
	[tilespmem:$0x1BE00] =	vst v63  }
0xa5: {  	_ =	swait.ge [sflag:s24], $0x4000  }
0xa6: {  	[sflag:s24] =	ssyncset.done $0x0  }
0xa7: {  	s16 =	stileid.u32;
	[sflag:s24] =	ssyncadd.s32 $0xFFFFC000  }
0xa8: {  	s13 =	sshll.u32 s16, $0x6;
	[bflag:$0x0] =	sbarrier.arrive $0xFFFF  }
0xa9: {  	s22 =	sshrl.u32 s8, $0x3;
	s13 =	sor.u32 $0x1C03, s13;
	s16 =	rddreg [dreg:$0x7]  }
0xaa: {  	[hbm:s16], [sflag:s13] =	dma.local [spmem:s22], $0x800  }
0xab: {  	_ =	swait.ge [sflag:s24], $0x800  }
0xac: {  	[sflag:s24] =	ssyncset.done $0x0  }
0xad: {  	s22 =	sshrl.u32 s9, $0x3;
	[sflag:s24] =	ssyncadd.s32 $0xFFFFF800  }
0xae: {  	[hbm:s17], [sflag:s13] =	dma.local [spmem:s22], $0x800  }
0xaf: {  	_ =	swait.ge [sflag:s24], $0x800  }
0xb0: {  	[sflag:s24] =	ssyncset.done $0x0  }
0xb1: {  	s16 =	sshrl.u32 s10, $0x3;
	[sflag:s24] =	ssyncadd.s32 $0xFFFFF800  }
0xb2: {  	[hbm:s18], [sflag:s13] =	dma.local [spmem:s16], $0x800  }
0xb3: {  	_ =	swait.ge [sflag:s24], $0x800  }
0xb4: {  	[sflag:s24] =	ssyncset.done $0x0  }
0xb5: {  	s22 =	sshrl.u32 s11, $0x3;
	[sflag:s24] =	ssyncadd.s32 $0xFFFFF800  }
0xb6: {  	[hbm:s19], [sflag:s13] =	dma.local [spmem:s22], $0x800  }
0xb7: {  	_ =	swait.ge [sflag:s24], $0x800  }
0xb8: {  	s0 =	sadd.s32 $0x1, s0;
	[sflag:s24] =	ssyncset.done $0x0  }
0xb9: {  	p1 =	sne.s32 s0, s21;
	s14 =	sshrl.u32 @!p0 s12, $0x3;
	[sflag:s24] =	ssyncadd.s32 $0xFFFFF800  }
0xba: {  	[hbm:s20], [sflag:s13] =	dma.local @!p0 [spmem:s14], $0x800  }
.Ltmp3:
0xbb: {  	_ = 	snop;
	(pc) =	sbr.rel @p1 .LBB2_1-.Ltmp3, $4  }
.Ltmp4:
0xbc: {  	_ = 	snop;
	(pc) =	sbr.rel @!p1 .LBB2_6-.Ltmp4, $4  }
0xbd: {  	_ =	swait.ge @!p0 [sflag:s3], $0x800  }
0xbe: {  	[sflag:s3] =	ssyncset.done @!p0 $0x0  }
0xbf: {  	[sflag:s3] =	ssyncadd.s32 @!p0 $0xFFFFF800  }
0xc0: {  	_ = 	snop  }
.LBB2_2:
.Ltmp5:
0xc1: {  	(pc) =	sbr.rel .LBB2_5-.Ltmp5, $2  }
0xc2: {  	_ =	sdelay $0x2  }
0xc3: {  	s22 =	smov.u32 s7  }
.LBB2_6:
0xc4: {  	_ =	sfence.sel $0x180000  }
0xc5: {  	[bflag:$0x0] =	sbarrier.arrive $0xFFFF  }
0xc6: {  	_ =	strace $0x9000004D  }
0xc7: {  	s0 =	stileid.u32;
	[bflag:$0x2] =	sbarrier.arrive $0xFFFF  }
0xc8: {  	p0 =	sne.s32 s0, $0x0;
	s0 =	rddreg [dreg:$0x3]  }
0xc9: {  	s0 =	sadd.s32 @!p0 $0x100000, s0  }
0xca: {  	[sflag:s0] =	ssyncadd.tile.s32 @!p0 $0x1;
	_ =	shalt  }
.Lfunc_end2:
_tile_overlayer_lowered:
.L_overlay_start_2:
0xcb: {  	(tag) =	ssettag $0x2  }
0xcc: {  	s0 =	rddreg [dreg:$0x0];
	s2 =	stileid.u32  }
0xcd: {  	s1 =	rddreg [dreg:$0x1];
	p0 =	sne.s32 s2, $0x0  }
0xce: {  	s3 =	rddreg [dreg:$0x2];
	[bflag:$0x3] =	sbarrier.arrive $0xFFFF;
	s2 =	simm.s32 @!p0 $0x1C03  }
0xcf: {  	[timem:s3], [sflag:s2] =	dma.local @!p0 [hbm:s0], s1  }
0xd0: {  	s0 =	simm.s32 @!p0 $0x3  }
0xd1: {  	_ =	swait.ge @!p0 [sflag:s0], s1  }
0xd2: {  	s1 =	ssub.s32 @!p0 $0x0, s1;
	[sflag:s0] =	ssyncset.done @!p0 $0x0  }
0xd3: {  	[sflag:s0] =	ssyncadd.s32 @!p0 s1  }
0xd4: {  	[bflag:$0x3] =	sbarrier.arrive $0xFFFF  }
0xd5: {  	_ =	shalt  }

// kernel: kernel.8.cloned.1.call-start
scs
__scs_entry_jumppad:
0x0: {  	(pc) =	sbr.rel $0x88, $3  }
0x1: {  	(tag) =	ssettag $0x0;
	lr =	simm.s32 $0x1  }
0x2: {  	[smem:$0x3F9B] =	sst lr;
	_ =	strace $0xD0000000  }
0x3: {  	_ = 	snop  }
0x4: {  	_ = 	snop  }
0x5: {  	_ = 	snop  }
0x6: {  	_ = 	snop  }
0x7: {  	_ = 	snop  }
__scs_overlays_trampoline_lowered:
0x8: {  	[smem:$0x3FAA] =	sst s0  }
0x9: {  	[smem:$0x3FAB] =	sst s1  }
0xa: {  	[smem:$0x3FAC] =	sst s2  }
0xb: {  	[smem:$0x3FAD] =	sst s3  }
0xc: {  	[smem:$0x3FAE] =	sst s4  }
0xd: {  	[smem:$0x3FAF] =	sst s5  }
0xe: {  	[smem:$0x3FB0] =	sst s6  }
0xf: {  	[smem:$0x3FB1] =	sst s7  }
0x10: {  	[smem:$0x3FB2] =	sst s8  }
0x11: {  	[smem:$0x3FB3] =	sst s9;
	s0 =	simm.s32 @!p0 $0x0  }
0x12: {  	s1 =	sld [smem:$0x3F99];
	s0 =	simm.s32 @p0 $0x1  }
0x13: {  	[smem:$0x3FB4] =	sst s0;
	s0 =	simm.s32 @!p1 $0x0  }
0x14: {  	s2 =	sld [smem:$0x3F98];
	s0 =	simm.s32 @p1 $0x1  }
0x15: {  	[smem:$0x3FB5] =	sst s0;
	s0 =	simm.s32 @!p2 $0x0  }
0x16: {  	s3 =	sld [smem:$0x3FDB];
	s0 =	simm.s32 @p2 $0x1  }
0x17: {  	s4 =	simm.s32 $0x1BF5;
	[smem:$0x3FB7] =	sst s0  }
0x18: {  	s0 =	sld [smem:$0x3F9A];
	_ =	swait.ge [sflag:s4], $0x0  }
0x19: {  	s7 =	sld [smem:$0x3F9B]  }
0x1a: {  	s8 =	sadd.s32 $0xFFFFE003, lr  }
0x1b: {  	s9 =	sadd.s32 $0xFFFFFEF7, lr;
	s5 =	simm.s32 $0xFFFFFFFF;
	p2 =	slt.u32 s8, $0xFFFFF086  }
0x1c: {  	p1 =	slt.u32 s9, $0xF7A;
	s5 =	simm.s32 @!p2 $0x0  }
0x1d: {  	s5 =	simm.s32 @p1 $0x1;
	p0 =	seq.s32 s7, s2  }
0x1e: {  	s7 =	smul.u32 @!p0 $0xF7A, s2;
	p2 =	seq.s32 @!p0 s5, $0x0  }
0x1f: {  	s9 =	smul.u32 $0xF7A, s1;
	s8 =	simm.s32 @!p0 $0x1BF5;
	p2 =	por !p2, p0  }
0x20: {  	[sflag:s8] =	ssyncset.s32 @!p0 $0xFFFFF086;
	s6 =	sadd.s32 @!p0 s3, s7;
	s7 =	simm.s32 @!p0 $0x108  }
0x21: {  	s3 =	sadd.s32 s3, s9;
	s6 =	sadd.s32 @!p0 $0x88, s6;
	s7 =	simm.s32 @p2 $0x1082  }
0x22: {  	[simem:s7], [sflag:s8] =	dma.local @!p0 [hbm:s6], $0xF7A  }
0x23: {  	s9 =	sor.u32 $0xD0000000, s2;
	s6 =	simm.s32 $0x108;
	_ =	swait.ge @!p0 [sflag:s8], $0x0  }
0x24: {  	s3 =	sadd.s32 $0x88, s3;
	s6 =	simm.s32 @!p1 $0x1082;
	[sflag:s4] =	ssyncset.s32 $0xFFFFF086  }
0x25: {  	[simem:s6], [sflag:s4] =	dma.local [hbm:s3], $0xF7A  }
0x26: {  	[smem:$0x3F9B] =	sst s1;
	(tag) =	ssettag s2;
	_ =	strace s9  }
0x27: {  	s1 =	sld [smem:$0x3FAB]  }
0x28: {  	s2 =	sld [smem:$0x3FAC]  }
0x29: {  	s4 =	sld [smem:$0x3FAE]  }
0x2a: {  	p0 =	seq.s32 s5, $0x0;
	s5 =	sld [smem:$0x3FAF]  }
0x2b: {  	s6 =	sld [smem:$0x3FB0]  }
0x2c: {  	s7 =	sld [smem:$0x3FB1]  }
0x2d: {  	s3 =	simm.s32 $0x108;
	s8 =	sld [smem:$0x3FB2]  }
0x2e: {  	s3 =	simm.s32 @!p0 $0x1082;
	s9 =	sld [smem:$0x3FB3]  }
0x2f: {  	lr =	sadd.s32 s0, s3;
	s0 =	sld [smem:$0x3FAA]  }
0x30: {  	s3 =	sld [smem:$0x3FAD]  }
0x31: {  	[smem:$0x3FB6] =	sst s10  }
0x32: {  	s10 =	sld [smem:$0x3FB4];
	_ =	sdelay $0x3  }
0x33: {  	p0 =	seq.s32 s10, $0x1;
	s10 =	sld [smem:$0x3FB6];
	_ =	sdelay $0x3  }
0x34: {  	[smem:$0x3FB6] =	sst s10  }
0x35: {  	s10 =	sld [smem:$0x3FB5];
	_ =	sdelay $0x3  }
0x36: {  	p1 =	seq.s32 s10, $0x1;
	s10 =	sld [smem:$0x3FB6];
	_ =	sdelay $0x3  }
0x37: {  	[smem:$0x3FB6] =	sst s10  }
0x38: {  	s10 =	sld [smem:$0x3FB7]  }
0x39: {  	_ = 	snop;
	(pc) =	sbr.ind lr, $3  }
0x3a: {  	_ = 	snop  }
0x3b: {  	_ = 	snop  }
0x3c: {  	p2 =	seq.s32 s10, $0x1;
	s10 =	sld [smem:$0x3FB6]  }
0x3d: {  	_ =	shalt  }
0x3e: {  	_ =	shalt  }
0x3f: {  	_ =	shalt  }
0x40: {  	_ =	shalt  }
0x41: {  	_ =	shalt  }
0x42: {  	_ =	shalt  }
0x43: {  	_ =	shalt  }
0x44: {  	_ =	shalt  }
0x45: {  	_ =	shalt  }
0x46: {  	_ =	shalt  }
0x47: {  	_ =	shalt  }
0x48: {  	_ =	shalt  }
0x49: {  	_ =	shalt  }
0x4a: {  	_ =	shalt  }
0x4b: {  	_ =	shalt  }
0x4c: {  	_ =	shalt  }
0x4d: {  	_ =	shalt  }
0x4e: {  	_ =	shalt  }
0x4f: {  	_ =	shalt  }
0x50: {  	_ =	shalt  }
0x51: {  	_ =	shalt  }
0x52: {  	_ =	shalt  }
0x53: {  	_ =	shalt  }
0x54: {  	_ =	shalt  }
0x55: {  	_ =	shalt  }
0x56: {  	_ =	shalt  }
0x57: {  	_ =	shalt  }
0x58: {  	_ =	shalt  }
0x59: {  	_ =	shalt  }
0x5a: {  	_ =	shalt  }
0x5b: {  	_ =	shalt  }
0x5c: {  	_ =	shalt  }
0x5d: {  	_ =	shalt  }
0x5e: {  	_ =	shalt  }
0x5f: {  	_ =	shalt  }
0x60: {  	_ =	shalt  }
0x61: {  	_ =	shalt  }
0x62: {  	_ =	shalt  }
0x63: {  	_ =	shalt  }
0x64: {  	_ =	shalt  }
0x65: {  	_ =	shalt  }
0x66: {  	_ =	shalt  }
0x67: {  	_ =	shalt  }
0x68: {  	_ =	shalt  }
0x69: {  	_ =	shalt  }
0x6a: {  	_ =	shalt  }
0x6b: {  	_ =	shalt  }
0x6c: {  	_ =	shalt  }
0x6d: {  	_ =	shalt  }
0x6e: {  	_ =	shalt  }
0x6f: {  	_ =	shalt  }
0x70: {  	_ =	shalt  }
0x71: {  	_ =	shalt  }
0x72: {  	_ =	shalt  }
0x73: {  	_ =	shalt  }
0x74: {  	_ =	shalt  }
0x75: {  	_ =	shalt  }
0x76: {  	_ =	shalt  }
0x77: {  	_ =	shalt  }
0x78: {  	_ =	shalt  }
0x79: {  	_ =	shalt  }
0x7a: {  	_ =	shalt  }
0x7b: {  	_ =	shalt  }
0x7c: {  	_ =	shalt  }
0x7d: {  	_ =	shalt  }
0x7e: {  	_ =	shalt  }
0x7f: {  	_ =	shalt  }
0x80: {  	_ =	shalt  }
0x81: {  	_ =	shalt  }
0x82: {  	_ =	shalt  }
0x83: {  	_ =	shalt  }
0x84: {  	_ =	shalt  }
0x85: {  	_ =	shalt  }
0x86: {  	_ =	shalt  }
0x87: {  	_ =	shalt  }
.Lfunc_end0:
.L_simem_size_0:
called_computation_lowered:
.L_overlay_start_0:
0x88: {  	s2 =	sld [smem:$0x3FD9]  }
0x89: {  	s3 =	sld [smem:$0x3FFE];
	_ =	sdelay $0x1  }
0x8a: {  	s1 =	srdreg.scid  }
0x8b: {  	s0 =	sand.u32 $0x1, s1  }
0x8c: {  	s17 =	sshll.u32 s0, $0xA;
	s2 =	sadd.s32 s3, s2  }
0x8d: {  	s2 =	sadd.s32 s2, s17  }
0x8e: {  	[smem:$0x3FC2] =	sst s2  }
0x8f: {  	_ = 	snop  }
0x90: {  	s2 =	sld [smem:$0x3FD0];
	(tm) =	ssettm $0x1  }
0x91: {  	s18 =	sld [smem:$0x3FFB];
	_ =	sdelay $0x3  }
0x92: {  	_ =	strace s18  }
0x93: {  	s3 =	sld [smem:$0x3FFC];
	_ =	sdelay $0x3  }
0x94: {  	_ =	strace s3  }
0x95: {  	s3 =	sld [smem:$0x3FFD];
	_ =	sdelay $0x3  }
0x96: {  	_ =	strace s3  }
0x97: {  	_ =	strace $0x8FFFFFFF  }
0x98: {  	s19 =	sld [smem:$0x3FDB];
	_ =	sdelay $0x1  }
0x99: {  	s4 =	simm.s32 $_scs_section_size  }
0x9a: {  	s5 =	simm.s32 $_size__tile_overlayer_lowered;
	s6 =	simm.s32 $_tile_overlayer_lowered  }
0x9b: {  	s22 =	simm.s32 $0x1BFF;
	s21 =	sshll.u32 s6, $0x1;
	s3 =	sadd.s32 s4, s19  }
0x9c: {  	s7 =	simm.s32 $0x0;
	s20 =	sshll.u32 s5, $0x1;
	s5 =	sadd.s32 s21, s3  }
0x9d: {  	[timem:s7], [sflag:s22] =	dma.local [hbm:s5], s20  }
0x9e: {  	_ =	swait.ge [sflag:s22], s20  }
0x9f: {  	s4 =	ssub.s32 $0x0, s20;
	[sflag:s22] =	ssyncset.done $0x0  }
0xa0: {  	[sflag:s22] =	ssyncadd.s32 s4;
	_ =	sdelay $0x1  }
0xa1: {  	s23 =	simm.s32 $0x1B8B  }
0xa2: {  	_ =	swait.ge [sflag:s23], $0x1  }
0xa3: {  	[sflag:s23] =	ssyncset.done $0x0  }
0xa4: {  	s25 =	simm.s32 $0x1B8E;
	s24 =	sld [smem:$0x3FFE];
	[sflag:s23] =	ssyncadd.s32 $0xFFFFFFFF  }
0xa5: {  	s26 =	simm.s32 $execute0_lowered;
	[smem:$0x3FD2] =	sst s25  }
0xa6: {  	s5 =	sshll.u32 s26, $0x1;
	_ =	strace $0x80000046;
	[dreg:$0x1] =	wrdreg $0xFFFFFFFF  }
0xa7: {  	s28 =	simm.s32 $_size_execute0_lowered;
	s3 =	sadd.s32 s3, s5;
	[dreg:$0x0] =	wrdreg $0x0  }
0xa8: {  	s5 =	sshll.u32 s28, $0x1;
	[dreg:$0x2] =	wrdreg s3  }
0xa9: {  	[dreg:$0x3] =	wrdreg s5  }
0xaa: {  	[dreg:$0x4] =	wrdreg $0xC0  }
0xab: {  	_ =	task [dreg:s7], $0x5FFFF  }
0xac: {  	[dreg:$0x1] =	wrdreg $0xFFFFFFFF  }
0xad: {  	[dreg:$0x0] =	wrdreg $0x60  }
0xae: {  	[dreg:$0x2] =	wrdreg s2  }
0xaf: {  	[dreg:$0x3] =	wrdreg s24  }
0xb0: {  	[dreg:$0x4] =	wrdreg $0x81000  }
0xb1: {  	[dreg:$0x5] =	wrdreg $0x9  }
0xb2: {  	_ =	task.clear_ibuf [dreg:s7], $0x6FFFF;
	_ =	strace $0x90000046  }
0xb3: {  	s29 =	simm.s32 $0x9;
	_ =	strace $0x80000048  }
0xb4: {  	_ =	swait.ge [sflag:s29], $0x1  }
0xb5: {  	[sflag:s29] =	ssyncadd.s32 $0xFFFFFFFF  }
0xb6: {  	_ =	strace $0x90000048  }
0xb7: {  	_ =	sfence  }
0xb8: {  	s30 =	sld [smem:$0x0];
	_ =	sdelay $0x2  }
0xb9: {  	s31 =	sshll.u32 s1, $0xD;
	s1 =	sshrl.u32 s1, $0x2  }
0xba: {  	s3 =	sand.u32 $0x4000, s31;
	s1 =	sadd.s32 s1, s30  }
0xbb: {  	s0 =	sor.u32 s3, s0;
	s1 =	sshll.u32 s1, $0x11  }
0xbc: {  	s0 =	sor.u32 s1, s0  }
0xbd: {  	s0 =	sadd.s32 $0x8F2B, s0  }
0xbe: {  	[sflag:s0] =	ssyncadd.remote.s32 $0x1  }
0xbf: {  	_ =	sfence.sel $0xFFFF  }
0xc0: {  	[dreg:$0x0] =	wrdreg $0xFFFFFFFF;
	(pc) =	sbr.abs _section_cstart, $3  }
0xc1: {  	[dreg:$0x1] =	wrdreg $0xFFFFFFFF  }
0xc2: {  	_ =	task.clear_ibuf [dreg:s7], $0x2FFFF;
	_ =	strace $0x9FFFFFFF  }
0xc3: {  	(tm) =	ssettm $0x7FFFFFFF  }
tec
execute0_lowered:
.L_overlay_start_1:
0x0: {  	(tag) =	ssettag $0x1  }
0x1: {  	s1 =	rddreg [dreg:$0x0]  }
0x2: {  	s0 =	rddreg [dreg:$0x1]  }
0x3: {  	s2 =	rddreg [dreg:$0x2];
	s4 =	srdreg.scid  }
0x4: {  	s3 =	simm.s32 $0x0;
	s16 =	stileid.u32;
	s30 =	simm.s32 $0x100  }
0x5: {  	s31 =	simm.s32 $0x1;
	s4 =	sand.u32 $0x1, s4;
	[smem:$0x7FF] =	sst s3  }
0x6: {  	s7 =	sadd.s32 $0xDA00, s0;
	s23 =	sshll.u32 s16, $0x1;
	s8 =	sshll.u32 s16, $0xE  }
0x7: {  	p0 =	seq.s32 s16, $0xF;
	s5 =	ssub.s32 $0x2, s4;
	_ =	strace $0x80000047  }
0x8: {  	s9 =	smul.u32 $0x13C000, s4;
	s10 =	sor.u32 $0x40000, s8;
	s11 =	sor.u32 $0x80000, s8  }
0x9: {  	s12 =	sor.u32 $0xC0000, s8;
	s22 =	sor.u32 $0x100000, s8;
	s6 =	sshrl.u32 s5, $0x1  }
0xa: {  	s5 =	ssub.s32 s5, s6;
	s6 =	sor.u32 s4, s23;
	s13 =	sadd.s32 s9, s8  }
0xb: {  	s14 =	sadd.s32 s9, s10;
	s25 =	sadd.s32 s9, s11;
	s26 =	sadd.s32 s9, s12  }
0xc: {  	s15 =	sadd.s32 s9, s22;
	s9 =	sadd.s32 $0x278000, s9;
	s4 =	smul.u32 $0x2780, s4  }
0xd: {  	s13 =	sshrl.u32 s13, $0x3;
	s14 =	sshrl.u32 s14, $0x3;
	s17 =	sshrl.u32 s15, $0x3  }
0xe: {  	s19 =	sadd.s32 s8, s9;
	s20 =	sadd.s32 s9, s10;
	s21 =	sadd.s32 s9, s11  }
0xf: {  	s6 =	smul.u32 $0x2780, s6;
	s13 =	sadd.s32 s7, s13;
	s24 =	sadd.s32 s7, s14  }
0x10: {  	s14 =	sshrl.u32 s26, $0x3;
	s18 =	sadd.s32 s7, s17;
	[dreg:$0x4] =	wrdreg s13  }
0x11: {  	s15 =	sshrl.u32 s21, $0x3;
	s26 =	smul.u32 $0x4F00, s16;
	[dreg:$0x5] =	wrdreg s24  }
0x12: {  	s21 =	sadd.s32 s12, s2;
	s13 =	sshrl.u32 s25, $0x3;
	[dreg:$0x8] =	wrdreg s18  }
0x13: {  	s24 =	sadd.s32 s7, s15;
	s25 =	sadd.s32 s9, s12;
	s9 =	sadd.s32 s9, s22  }
0x14: {  	s15 =	sadd.s32 $0x2C00, s0;
	s18 =	sadd.s32 s8, s2;
	s22 =	sadd.s32 s22, s2  }
0x15: {  	s13 =	sadd.s32 s7, s13;
	[dreg:$0xb] =	wrdreg s24;
	s9 =	sshrl.u32 s9, $0x3  }
0x16: {  	s4 =	sadd.s32 s4, s26;
	[dreg:$0x6] =	wrdreg s13;
	s13 =	sadd.s32 s7, s14  }
0x17: {  	s14 =	sshrl.u32 s20, $0x3;
	s20 =	sadd.s32 s11, s2;
	s26 =	sadd.s32 $0x100, s4  }
0x18: {  	[dreg:$0x7] =	wrdreg s13;
	s13 =	sshrl.u32 s19, $0x3;
	s23 =	sadd.s32 s7, s14  }
0x19: {  	s19 =	sadd.s32 s10, s2;
	s14 =	sadd.s32 $0x80, s4;
	s13 =	sadd.s32 s7, s13  }
0x1a: {  	s4 =	simm.s32 $0x80;
	[dreg:$0x9] =	wrdreg s13;
	s13 =	sshrl.u32 s25, $0x3  }
0x1b: {  	[dreg:$0xa] =	wrdreg s23;
	s17 =	sshrl.u32 s14, $0x3;
	s13 =	sadd.s32 s7, s13  }
0x1c: {  	s25 =	smax.u32 s5, $0x1;
	s7 =	sadd.s32 s7, s9;
	[dreg:$0xc] =	wrdreg s13  }
0x1d: {  	s28 =	sadd.s32 s17, s15;
	s9 =	sadd.s32 $0xD200, s0;
	[dreg:$0xd] =	wrdreg s7  }
0x1e: {  	s29 =	sadd.s32 s17, s1;
	s0 =	sadd.s32 $0xCA00, s0;
	[dreg:$0xe] =	wrdreg s9  }
0x1f: {  	s5 =	simm.s32 $0x0;
	[dreg:$0xf] =	wrdreg s0;
	s13 =	sshrl.u32 s6, $0x3  }
0x20: {  	s0 =	simm.s32 $0x4100;
	s23 =	sadd.s32 s15, s13;
	s24 =	sadd.s32 s1, s13  }
.LBB2_1:
0x21: {  	s6 =	rddreg [dreg:$0xe]  }
0x22: {  	[tilespmem:s30], [sflag:$0x1] =	stream.linear.gather [hbm4b:s6+s3], $0x4000, $0x38;
	[tilespmem:$0x1BD00] =	vst v63  }
0x23: {  	_ =	swait.ge [sflag:s31], $0x4000  }
0x24: {  	[sflag:s31] =	ssyncset.done $0x0  }
0x25: {  	s14 =	rddreg [dreg:$0xf];
	[sflag:s31] =	ssyncadd.s32 $0xFFFFC000  }
0x26: {  	[tilespmem:s0], [sflag:$0x1] =	stream.linear.gather [hbm4b:s14+s3], $0x4000, $0x38;
	[tilespmem:$0x1BD00] =	vst v63  }
0x27: {  	_ =	swait.ge [sflag:s31], $0x4000  }
0x28: {  	[sflag:s31] =	ssyncset.done $0x0  }
0x29: {  	[sflag:s31] =	ssyncadd.s32 $0xFFFFC000  }
0x2a: {  	[spmem:s18] =	stream.linear.scatter [tilespmem:s0], [sflag:$0x1], $0x4000, $0x38;
	[tilespmem:$0x1BD00] =	vst v63  }
0x2b: {  	_ =	swait.ge [sflag:s31], $0x4000  }
0x2c: {  	[sflag:s31] =	ssyncset.done $0x0  }
0x2d: {  	[sflag:s31] =	ssyncadd.s32 $0xFFFFC000  }
0x2e: {  	[spmem:s19] =	stream.linear.scatter [tilespmem:s0], [sflag:$0x1], $0x4000, $0x38;
	[tilespmem:$0x1BD00] =	vst v63  }
0x2f: {  	_ =	swait.ge [sflag:s31], $0x4000  }
0x30: {  	[sflag:s31] =	ssyncset.done $0x0  }
0x31: {  	[sflag:s31] =	ssyncadd.s32 $0xFFFFC000  }
0x32: {  	[spmem:s20] =	stream.linear.scatter [tilespmem:s0], [sflag:$0x1], $0x4000, $0x38;
	[tilespmem:$0x1BD00] =	vst v63  }
0x33: {  	_ =	swait.ge [sflag:s31], $0x4000  }
0x34: {  	[sflag:s31] =	ssyncset.done $0x0  }
0x35: {  	[sflag:s31] =	ssyncadd.s32 $0xFFFFC000  }
0x36: {  	[spmem:s21] =	stream.linear.scatter [tilespmem:s0], [sflag:$0x1], $0x4000, $0x38;
	[tilespmem:$0x1BD00] =	vst v63  }
0x37: {  	_ =	swait.ge [sflag:s31], $0x4000  }
0x38: {  	[sflag:s31] =	ssyncset.done $0x0  }
0x39: {  	s6 =	simm.s32 @!p0 $0x4100;
	[sflag:s31] =	ssyncadd.s32 $0xFFFFC000  }
0x3a: {  	[spmem:s22] =	stream.linear.scatter @!p0 [tilespmem:s6], [sflag:$0x1], $0x4000, $0x38;
	[tilespmem:$0x1BD00] =	vst v63  }
0x3b: {  	s6 =	simm.s32 @!p0 $0x1  }
0x3c: {  	_ =	swait.ge @!p0 [sflag:s6], $0x4000  }
0x3d: {  	[sflag:s6] =	ssyncset.done @!p0 $0x0  }
0x3e: {  	[sflag:s6] =	ssyncadd.s32 @!p0 $0xFFFFC000  }
0x3f: {  	[bflag:$0x0] =	sbarrier.arrive $0xFFFF  }
0x40: {  	[tilespmem:s3], [sflag:$0x1] =	stream.linear.gather [hbm4b:s23+s3], $0x80, $0x38;
	[tilespmem:$0x1BD00] =	vst v63  }
0x41: {  	_ =	swait.ge [sflag:s31], $0x80  }
0x42: {  	[sflag:s31] =	ssyncset.done $0x0  }
0x43: {  	s16 =	sadd.s32 $0x0, s28;
	[sflag:s31] =	ssyncadd.s32 $0xFFFFFF80  }
0x44: {  	[tilespmem:s4], [sflag:$0x1] =	stream.linear.gather [hbm4b:s16+s3], $0x80, $0x38;
	[tilespmem:$0x1BD00] =	vst v63  }
0x45: {  	_ =	swait.ge [sflag:s31], $0x80  }
0x46: {  	[sflag:s31] =	ssyncset.done $0x0  }
0x47: {  	[sflag:s31] =	ssyncadd.s32 $0xFFFFFF80  }
0x48: {  	[spmem:s2] =	stream.indirect.scatter.add.f32 [tilespmem:s30], [sflag:$0x1], $0x80, s3, s4, $0xb8;
	[tilespmem:$0x1BD00] =	vst v63  }
0x49: {  	_ =	swait.ge [sflag:s31], $0x4000  }
0x4a: {  	s7 =	sshrl.u32 s26, $0x3;
	[sflag:s31] =	ssyncset.done $0x0  }
0x4b: {  	s17 =	sadd.s32 s15, s7;
	[sflag:s31] =	ssyncadd.s32 $0xFFFFC000  }
0x4c: {  	[tilespmem:s3], [sflag:$0x1] =	stream.linear.gather [hbm4b:s17+s3], $0x80, $0x38;
	[tilespmem:$0x1BD00] =	vst v63  }
0x4d: {  	_ =	swait.ge [sflag:s31], $0x80  }
0x4e: {  	[sflag:s31] =	ssyncset.done $0x0  }
0x4f: {  	[sflag:s31] =	ssyncadd.s32 $0xFFFFFF80  }
0x50: {  	[spmem:s2] =	stream.indirect.scatter.add.f32 [tilespmem:s30], [sflag:$0x1], $0x80, s4, s4, $0xb8;
	[tilespmem:$0x1BD00] =	vst v63  }
0x51: {  	s8 =	simm.s32 $0x20;
	_ =	swait.ge [sflag:s31], $0x4000  }
0x52: {  	s9 =	simm.s32 $0x40;
	s6 =	sadd.s32 $0x100, s26;
	[sflag:s31] =	ssyncset.done $0x0  }
.LBB2_2:
0x53: {  	s10 =	sadd.s32 s8, s28  }
0x54: {  	[sflag:s31] =	ssyncadd.s32 $0xFFFFC000;
	s8 =	smov.u32 s9;
	s11 =	sadd.s32 $0x20, s9  }
0x55: {  	[tilespmem:s4], [sflag:$0x1] =	stream.linear.gather [hbm4b:s10+s3], $0x80, $0x38;
	[tilespmem:$0x1BD00] =	vst v63  }
0x56: {  	p1 =	sne.s32 s9, $0x4C0;
	_ =	swait.ge [sflag:s31], $0x80  }
0x57: {  	[sflag:s31] =	ssyncset.done $0x0  }
0x58: {  	[sflag:s31] =	ssyncadd.s32 $0xFFFFFF80  }
0x59: {  	[spmem:s2] =	stream.indirect.scatter.add.f32 [tilespmem:s30], [sflag:$0x1], $0x80, s3, s4, $0xb8;
	[tilespmem:$0x1BD00] =	vst v63  }
0x5a: {  	_ =	swait.ge [sflag:s31], $0x4000  }
0x5b: {  	s9 =	sshrl.u32 s6, $0x3;
	[sflag:s31] =	ssyncset.done $0x0  }
0x5c: {  	s9 =	sadd.s32 s15, s9;
	[sflag:s31] =	ssyncadd.s32 $0xFFFFC000  }
0x5d: {  	[tilespmem:s3], [sflag:$0x1] =	stream.linear.gather [hbm4b:s9+s3], $0x80, $0x38;
	[tilespmem:$0x1BD00] =	vst v63  }
0x5e: {  	_ =	swait.ge [sflag:s31], $0x80  }
.Ltmp0:
0x5f: {  	[sflag:s31] =	ssyncset.done $0x0;
	(pc) =	sbr.rel @p1 .LBB2_2-.Ltmp0, $4  }
0x60: {  	[sflag:s31] =	ssyncadd.s32 $0xFFFFFF80  }
0x61: {  	[spmem:s2] =	stream.indirect.scatter.add.f32 [tilespmem:s30], [sflag:$0x1], $0x80, s4, s4, $0xb8;
	[tilespmem:$0x1BD00] =	vst v63  }
0x62: {  	_ =	swait.ge [sflag:s31], $0x4000  }
0x63: {  	s6 =	sadd.s32 $0x100, s6;
	s9 =	smov.u32 s11;
	[sflag:s31] =	ssyncset.done $0x0  }
0x64: {  	s8 =	sadd.s32 s8, s28;
	[sflag:s31] =	ssyncadd.s32 $0xFFFFC000  }
0x65: {  	[tilespmem:s4], [sflag:$0x1] =	stream.linear.gather [hbm4b:s8+s3], $0x80, $0x38;
	[tilespmem:$0x1BD00] =	vst v63  }
0x66: {  	_ =	swait.ge [sflag:s31], $0x80  }
0x67: {  	[sflag:s31] =	ssyncset.done $0x0  }
0x68: {  	[sflag:s31] =	ssyncadd.s32 $0xFFFFFF80  }
0x69: {  	[spmem:s2] =	stream.indirect.scatter.add.f32 [tilespmem:s30], [sflag:$0x1], $0x80, s3, s4, $0xb8;
	[tilespmem:$0x1BD00] =	vst v63  }
0x6a: {  	_ =	swait.ge [sflag:s31], $0x4000  }
0x6b: {  	s6 =	sshrl.u32 s6, $0x3;
	[sflag:s31] =	ssyncset.done $0x0  }
0x6c: {  	s6 =	sadd.s32 s15, s6;
	[sflag:s31] =	ssyncadd.s32 $0xFFFFC000  }
0x6d: {  	[tilespmem:s3], [sflag:$0x1] =	stream.linear.gather [hbm4b:s6+s3], $0x80, $0x38;
	[tilespmem:$0x1BD00] =	vst v63  }
0x6e: {  	_ =	swait.ge [sflag:s31], $0x80  }
0x6f: {  	[sflag:s31] =	ssyncset.done $0x0  }
0x70: {  	[sflag:s31] =	ssyncadd.s32 $0xFFFFFF80  }
0x71: {  	[spmem:s2] =	stream.indirect.scatter.add.f32 [tilespmem:s30], [sflag:$0x1], $0x80, s4, s4, $0xb8;
	[tilespmem:$0x1BD00] =	vst v63  }
0x72: {  	_ =	swait.ge [sflag:s31], $0x4000  }
0x73: {  	[sflag:s31] =	ssyncset.done $0x0  }
0x74: {  	[sflag:s31] =	ssyncadd.s32 $0xFFFFC000  }
0x75: {  	[spmem:s2] =	stream.indirect.scatter.add.f32 [tilespmem:s30], [sflag:$0x1], $0x80, s3, s4, $0xb8;
	[tilespmem:$0x1BD00] =	vst v63  }
0x76: {  	_ =	swait.ge [sflag:s31], $0x4000  }
0x77: {  	[sflag:s31] =	ssyncset.done $0x0  }
0x78: {  	s14 =	stileid.u32;
	[sflag:s31] =	ssyncadd.s32 $0xFFFFC000  }
0x79: {  	s6 =	sshll.u32 s14, $0x6;
	[bflag:$0x0] =	sbarrier.arrive $0xFFFF  }
0x7a: {  	s8 =	sshrl.u32 s18, $0x3;
	s6 =	sor.u32 $0x1C01, s6;
	s9 =	rddreg [dreg:$0x4]  }
0x7b: {  	[hbm:s9], [sflag:s6] =	dma.local [spmem:s8], $0x800  }
0x7c: {  	_ =	swait.ge [sflag:s31], $0x800  }
0x7d: {  	[sflag:s31] =	ssyncset.done $0x0  }
0x7e: {  	[sflag:s31] =	ssyncadd.s32 $0xFFFFF800  }
0x7f: {  	[spmem:s18] =	stream.linear.scatter [tilespmem:s0], [sflag:$0x1], $0x4000, $0x38;
	[tilespmem:$0x1BD00] =	vst v63  }
0x80: {  	_ =	swait.ge [sflag:s31], $0x4000  }
0x81: {  	[sflag:s31] =	ssyncset.done $0x0  }
0x82: {  	s9 =	sshrl.u32 s19, $0x3;
	s10 =	rddreg [dreg:$0x5];
	[sflag:s31] =	ssyncadd.s32 $0xFFFFC000  }
0x83: {  	[hbm:s10], [sflag:s6] =	dma.local [spmem:s9], $0x800  }
0x84: {  	_ =	swait.ge [sflag:s31], $0x800  }
0x85: {  	[sflag:s31] =	ssyncset.done $0x0  }
0x86: {  	[sflag:s31] =	ssyncadd.s32 $0xFFFFF800  }
0x87: {  	[spmem:s19] =	stream.linear.scatter [tilespmem:s0], [sflag:$0x1], $0x4000, $0x38;
	[tilespmem:$0x1BD00] =	vst v63  }
0x88: {  	_ =	swait.ge [sflag:s31], $0x4000  }
0x89: {  	[sflag:s31] =	ssyncset.done $0x0  }
0x8a: {  	s10 =	sshrl.u32 s20, $0x3;
	s11 =	rddreg [dreg:$0x6];
	[sflag:s31] =	ssyncadd.s32 $0xFFFFC000  }
0x8b: {  	[hbm:s11], [sflag:s6] =	dma.local [spmem:s10], $0x800  }
0x8c: {  	_ =	swait.ge [sflag:s31], $0x800  }
0x8d: {  	[sflag:s31] =	ssyncset.done $0x0  }
0x8e: {  	[sflag:s31] =	ssyncadd.s32 $0xFFFFF800  }
0x8f: {  	[spmem:s20] =	stream.linear.scatter [tilespmem:s0], [sflag:$0x1], $0x4000, $0x38;
	[tilespmem:$0x1BD00] =	vst v63  }
0x90: {  	_ =	swait.ge [sflag:s31], $0x4000  }
0x91: {  	[sflag:s31] =	ssyncset.done $0x0  }
0x92: {  	s11 =	sshrl.u32 s21, $0x3;
	s12 =	rddreg [dreg:$0x7];
	[sflag:s31] =	ssyncadd.s32 $0xFFFFC000  }
0x93: {  	[hbm:s12], [sflag:s6] =	dma.local [spmem:s11], $0x800  }
0x94: {  	_ =	swait.ge [sflag:s31], $0x800  }
0x95: {  	[sflag:s31] =	ssyncset.done $0x0  }
0x96: {  	[sflag:s31] =	ssyncadd.s32 $0xFFFFF800  }
0x97: {  	[spmem:s21] =	stream.linear.scatter [tilespmem:s0], [sflag:$0x1], $0x4000, $0x38;
	[tilespmem:$0x1BD00] =	vst v63  }
0x98: {  	_ =	swait.ge [sflag:s31], $0x4000  }
0x99: {  	[sflag:s31] =	ssyncset.done $0x0  }
0x9a: {  	s12 =	sshrl.u32 @!p0 s22, $0x3;
	s13 =	rddreg [dreg:$0x8];
	[sflag:s31] =	ssyncadd.s32 $0xFFFFC000  }
0x9b: {  	[hbm:s13], [sflag:s6] =	dma.local @!p0 [spmem:s12], $0x800  }
0x9c: {  	s13 =	simm.s32 @!p0 $0x1  }
0x9d: {  	_ =	swait.ge @!p0 [sflag:s13], $0x800  }
0x9e: {  	[sflag:s13] =	ssyncset.done @!p0 $0x0  }
0x9f: {  	s14 =	simm.s32 @!p0 $0x4100;
	[sflag:s13] =	ssyncadd.s32 @!p0 $0xFFFFF800  }
0xa0: {  	[spmem:s22] =	stream.linear.scatter @!p0 [tilespmem:s14], [sflag:$0x1], $0x4000, $0x38;
	[tilespmem:$0x1BD00] =	vst v63  }
0xa1: {  	_ =	swait.ge @!p0 [sflag:s13], $0x4000  }
0xa2: {  	[sflag:s13] =	ssyncset.done @!p0 $0x0  }
0xa3: {  	[sflag:s13] =	ssyncadd.s32 @!p0 $0xFFFFC000  }
0xa4: {  	s16 =	simm.s32 $0x0;
	[bflag:$0x0] =	sbarrier.arrive $0xFFFF  }
0xa5: {  	[tilespmem:s16], [sflag:$0x1] =	stream.linear.gather [hbm4b:s24+s16], $0x80, $0x38;
	[tilespmem:$0x1BD00] =	vst v63  }
0xa6: {  	_ =	swait.ge [sflag:s31], $0x80  }
0xa7: {  	[sflag:s31] =	ssyncset.done $0x0  }
0xa8: {  	s17 =	sadd.s32 $0x0, s29;
	[sflag:s31] =	ssyncadd.s32 $0xFFFFFF80  }
0xa9: {  	[tilespmem:s4], [sflag:$0x1] =	stream.linear.gather [hbm4b:s17+s3], $0x80, $0x38;
	[tilespmem:$0x1BD00] =	vst v63  }
0xaa: {  	_ =	swait.ge [sflag:s31], $0x80  }
0xab: {  	[sflag:s31] =	ssyncset.done $0x0  }
0xac: {  	[sflag:s31] =	ssyncadd.s32 $0xFFFFFF80  }
0xad: {  	[spmem:s2] =	stream.indirect.scatter.add.f32 [tilespmem:s30], [sflag:$0x1], $0x80, s3, s4, $0xb8;
	[tilespmem:$0x1BD00] =	vst v63  }
0xae: {  	_ =	swait.ge [sflag:s31], $0x4000  }
0xaf: {  	[sflag:s31] =	ssyncset.done $0x0  }
0xb0: {  	s7 =	sadd.s32 s1, s7;
	[sflag:s31] =	ssyncadd.s32 $0xFFFFC000  }
0xb1: {  	[tilespmem:s3], [sflag:$0x1] =	stream.linear.gather [hbm4b:s7+s3], $0x80, $0x38;
	[tilespmem:$0x1BD00] =	vst v63  }
0xb2: {  	_ =	swait.ge [sflag:s31], $0x80  }
0xb3: {  	[sflag:s31] =	ssyncset.done $0x0  }
0xb4: {  	[sflag:s31] =	ssyncadd.s32 $0xFFFFFF80  }
0xb5: {  	[spmem:s2] =	stream.indirect.scatter.add.f32 [tilespmem:s30], [sflag:$0x1], $0x80, s4, s4, $0xb8;
	[tilespmem:$0x1BD00] =	vst v63  }
0xb6: {  	s14 =	simm.s32 $0x40;
	_ =	swait.ge [sflag:s31], $0x4000  }
0xb7: {  	s13 =	simm.s32 $0x20;
	s7 =	sadd.s32 $0x100, s26;
	[sflag:s31] =	ssyncset.done $0x0  }
.LBB2_4:
0xb8: {  	s16 =	sadd.s32 s13, s29  }
0xb9: {  	[sflag:s31] =	ssyncadd.s32 $0xFFFFC000;
	s13 =	smov.u32 s14;
	s17 =	sadd.s32 $0x20, s14  }
0xba: {  	[tilespmem:s4], [sflag:$0x1] =	stream.linear.gather [hbm4b:s16+s3], $0x80, $0x38;
	[tilespmem:$0x1BD00] =	vst v63  }
0xbb: {  	p1 =	sne.s32 s14, $0x4C0;
	_ =	swait.ge [sflag:s31], $0x80  }
0xbc: {  	[sflag:s31] =	ssyncset.done $0x0  }
0xbd: {  	[sflag:s31] =	ssyncadd.s32 $0xFFFFFF80  }
0xbe: {  	[spmem:s2] =	stream.indirect.scatter.add.f32 [tilespmem:s30], [sflag:$0x1], $0x80, s3, s4, $0xb8;
	[tilespmem:$0x1BD00] =	vst v63  }
0xbf: {  	_ =	swait.ge [sflag:s31], $0x4000  }
0xc0: {  	s14 =	sshrl.u32 s7, $0x3;
	[sflag:s31] =	ssyncset.done $0x0  }
0xc1: {  	s14 =	sadd.s32 s1, s14;
	[sflag:s31] =	ssyncadd.s32 $0xFFFFC000  }
0xc2: {  	[tilespmem:s3], [sflag:$0x1] =	stream.linear.gather [hbm4b:s14+s3], $0x80, $0x38;
	[tilespmem:$0x1BD00] =	vst v63  }
0xc3: {  	_ =	swait.ge [sflag:s31], $0x80  }
.Ltmp1:
0xc4: {  	[sflag:s31] =	ssyncset.done $0x0;
	(pc) =	sbr.rel @p1 .LBB2_4-.Ltmp1, $4  }
0xc5: {  	[sflag:s31] =	ssyncadd.s32 $0xFFFFFF80  }
0xc6: {  	[spmem:s2] =	stream.indirect.scatter.add.f32 [tilespmem:s30], [sflag:$0x1], $0x80, s4, s4, $0xb8;
	[tilespmem:$0x1BD00] =	vst v63  }
0xc7: {  	_ =	swait.ge [sflag:s31], $0x4000  }
0xc8: {  	s7 =	sadd.s32 $0x100, s7;
	s14 =	smov.u32 s17;
	[sflag:s31] =	ssyncset.done $0x0  }
0xc9: {  	s13 =	sadd.s32 s13, s29;
	[sflag:s31] =	ssyncadd.s32 $0xFFFFC000  }
0xca: {  	[tilespmem:s4], [sflag:$0x1] =	stream.linear.gather [hbm4b:s13+s3], $0x80, $0x38;
	[tilespmem:$0x1BD00] =	vst v63  }
0xcb: {  	_ =	swait.ge [sflag:s31], $0x80  }
0xcc: {  	[sflag:s31] =	ssyncset.done $0x0  }
0xcd: {  	[sflag:s31] =	ssyncadd.s32 $0xFFFFFF80  }
0xce: {  	[spmem:s2] =	stream.indirect.scatter.add.f32 [tilespmem:s30], [sflag:$0x1], $0x80, s3, s4, $0xb8;
	[tilespmem:$0x1BD00] =	vst v63  }
0xcf: {  	_ =	swait.ge [sflag:s31], $0x4000  }
0xd0: {  	s7 =	sshrl.u32 s7, $0x3;
	[sflag:s31] =	ssyncset.done $0x0  }
0xd1: {  	s7 =	sadd.s32 s1, s7;
	[sflag:s31] =	ssyncadd.s32 $0xFFFFC000  }
0xd2: {  	[tilespmem:s3], [sflag:$0x1] =	stream.linear.gather [hbm4b:s7+s3], $0x80, $0x38;
	[tilespmem:$0x1BD00] =	vst v63  }
0xd3: {  	_ =	swait.ge [sflag:s31], $0x80  }
0xd4: {  	[sflag:s31] =	ssyncset.done $0x0  }
0xd5: {  	[sflag:s31] =	ssyncadd.s32 $0xFFFFFF80  }
0xd6: {  	[spmem:s2] =	stream.indirect.scatter.add.f32 [tilespmem:s30], [sflag:$0x1], $0x80, s4, s4, $0xb8;
	[tilespmem:$0x1BD00] =	vst v63  }
0xd7: {  	_ =	swait.ge [sflag:s31], $0x4000  }
0xd8: {  	[sflag:s31] =	ssyncset.done $0x0  }
0xd9: {  	[sflag:s31] =	ssyncadd.s32 $0xFFFFC000  }
0xda: {  	[spmem:s2] =	stream.indirect.scatter.add.f32 [tilespmem:s30], [sflag:$0x1], $0x80, s3, s4, $0xb8;
	[tilespmem:$0x1BD00] =	vst v63  }
0xdb: {  	_ =	swait.ge [sflag:s31], $0x4000  }
0xdc: {  	[sflag:s31] =	ssyncset.done $0x0  }
0xdd: {  	[sflag:s31] =	ssyncadd.s32 $0xFFFFC000  }
0xde: {  	[bflag:$0x0] =	sbarrier.arrive $0xFFFF  }
0xdf: {  	s13 =	rddreg [dreg:$0x9]  }
0xe0: {  	[hbm:s13], [sflag:s6] =	dma.local [spmem:s8], $0x800  }
0xe1: {  	_ =	swait.ge [sflag:s31], $0x800  }
0xe2: {  	[sflag:s31] =	ssyncset.done $0x0  }
0xe3: {  	s14 =	rddreg [dreg:$0xa];
	[sflag:s31] =	ssyncadd.s32 $0xFFFFF800  }
0xe4: {  	[hbm:s14], [sflag:s6] =	dma.local [spmem:s9], $0x800  }
0xe5: {  	_ =	swait.ge [sflag:s31], $0x800  }
0xe6: {  	[sflag:s31] =	ssyncset.done $0x0  }
0xe7: {  	s16 =	rddreg [dreg:$0xb];
	[sflag:s31] =	ssyncadd.s32 $0xFFFFF800  }
0xe8: {  	[hbm:s16], [sflag:s6] =	dma.local [spmem:s10], $0x800  }
0xe9: {  	_ =	swait.ge [sflag:s31], $0x800  }
0xea: {  	[sflag:s31] =	ssyncset.done $0x0  }
0xeb: {  	s17 =	rddreg [dreg:$0xc];
	[sflag:s31] =	ssyncadd.s32 $0xFFFFF800  }
0xec: {  	[hbm:s17], [sflag:s6] =	dma.local [spmem:s11], $0x800  }
0xed: {  	_ =	swait.ge [sflag:s31], $0x800  }
0xee: {  	s5 =	sadd.s32 $0x1, s5;
	[sflag:s31] =	ssyncset.done $0x0  }
0xef: {  	p1 =	sne.s32 s5, s25;
	s7 =	rddreg [dreg:$0xd];
	[sflag:s31] =	ssyncadd.s32 $0xFFFFF800  }
0xf0: {  	[hbm:s7], [sflag:s6] =	dma.local @!p0 [spmem:s12], $0x800  }
.Ltmp2:
0xf1: {  	_ = 	snop;
	(pc) =	sbr.rel @p1 .LBB2_1-.Ltmp2, $4  }
0xf2: {  	s6 =	simm.s32 @!p0 $0x1  }
0xf3: {  	_ =	swait.ge @!p0 [sflag:s6], $0x800  }
0xf4: {  	[sflag:s6] =	ssyncset.done @!p0 $0x0  }
0xf5: {  	[sflag:s6] =	ssyncadd.s32 @!p0 $0xFFFFF800  }
0xf6: {  	_ =	sfence.sel $0x180000  }
0xf7: {  	[bflag:$0x0] =	sbarrier.arrive $0xFFFF  }
0xf8: {  	_ =	strace $0x90000047  }
0xf9: {  	s0 =	stileid.u32;
	[bflag:$0x2] =	sbarrier.arrive $0xFFFF  }
0xfa: {  	p0 =	sne.s32 s0, $0x0;
	s0 =	rddreg [dreg:$0x3]  }
0xfb: {  	s0 =	sadd.s32 @!p0 $0x100000, s0  }
0xfc: {  	[sflag:s0] =	ssyncadd.tile.s32 @!p0 $0x1;
	_ =	shalt  }
.Lfunc_end2:
_tile_overlayer_lowered:
.L_overlay_start_2:
0xfd: {  	(tag) =	ssettag $0x2  }
0xfe: {  	s0 =	rddreg [dreg:$0x0];
	s2 =	stileid.u32  }
0xff: {  	s1 =	rddreg [dreg:$0x1];
	p0 =	sne.s32 s2, $0x0  }
0x100: {  	s3 =	rddreg [dreg:$0x2];
	[bflag:$0x3] =	sbarrier.arrive $0xFFFF;
	s2 =	simm.s32 @!p0 $0x1C01  }
0x101: {  	[timem:s3], [sflag:s2] =	dma.local @!p0 [hbm:s0], s1  }
0x102: {  	s0 =	simm.s32 @!p0 $0x1  }
0x103: {  	_ =	swait.ge @!p0 [sflag:s0], s1  }
0x104: {  	s1 =	ssub.s32 @!p0 $0x0, s1;
	[sflag:s0] =	ssyncset.done @!p0 $0x0  }
0x105: {  	[sflag:s0] =	ssyncadd.s32 @!p0 s1  }
0x106: {  	[bflag:$0x3] =	sbarrier.arrive $0xFFFF  }
0x107: {  	_ =	shalt  }

</sc_bundles>
